<compile_context>
chip_gen: v7x
topology: tpu7x:2x2x1
jax: 0.10.2.dev20260603
libtpu: 0.0.44.dev20260713+nightly
codegen_flags: <defaults>
</compile_context>

<pallas_src>
import functools

import jax
import jax.numpy as jnp
from jax import lax
from jax.experimental import pallas as pl
from jax.experimental.pallas import tpu as pltpu
from jax.experimental.pallas import tpu_sc as plsc

N_A = 10000
M_N = 16
AF = 64
NBRF = 41
ORIG = 92
NE = N_A * M_N
NCRY = 8
NC = 128
TWO_AF = 2 * AF
EPS = 1e-5
TN = 400
GRID_N = N_A // TN
_PREC = lax.Precision.HIGHEST
_F32 = jnp.float32


def _softplus(x):
    return jnp.maximum(x, 0.) + jnp.log(1. + jnp.exp(-jnp.abs(x)))


def _make_sc_gather(D, Btot):
    info = plsc.get_sparse_core_info()
    ncr, nsc = info.num_cores, info.num_subcores
    nw = ncr * nsc
    assert Btot % nw == 0
    b_per_w = Btot // nw
    ch = min(128, b_per_w)
    n_full = b_per_w // ch
    tail = b_per_w - n_full * ch
    nbuf = min(4, n_full)
    ngrp = (n_full + nbuf - 1) // nbuf
    mesh = plsc.VectorSubcoreMesh(core_axis_name="c", subcore_axis_name="s")
    scratch = [pltpu.VMEM((b_per_w,), jnp.int32)]
    scratch += [pltpu.VMEM((ch, D), _F32) for _ in range(nbuf)]
    scratch += [pltpu.SemaphoreType.DMA for _ in range(2 * nbuf)]
    if tail:
        scratch += [pltpu.VMEM((tail, D), _F32), pltpu.SemaphoreType.DMA]

    def body(table_hbm, idx_hbm, out_hbm, idx_all, *rest):
        rows = rest[:nbuf]
        sg = rest[nbuf:2 * nbuf]
        sw = rest[2 * nbuf:3 * nbuf]
        ts = rest[3 * nbuf:]
        wid = lax.axis_index("s") * ncr + lax.axis_index("c")
        base = wid * b_per_w
        pltpu.sync_copy(idx_hbm.at[pl.ds(base, b_per_w)], idx_all)

        def g_desc(i, b):
            return pltpu.make_async_copy(
                table_hbm.at[idx_all.at[pl.ds(i * ch, ch)]], rows[b], sg[b])

        def w_desc(i, b):
            return pltpu.make_async_copy(
                rows[b], out_hbm.at[pl.ds(base + i * ch, ch)], sw[b])

        for b in range(nbuf):
            if b < n_full:
                g_desc(b, b).start()

        def group(g, c):
            for b in range(nbuf):
                i = g * nbuf + b

                @pl.when(i < n_full)
                def _():
                    g_desc(i, b).wait()
                    w_desc(i, b).start()
                    nxt = i + nbuf

                    @pl.when(nxt < n_full)
                    def _():
                        w_desc(i, b).wait()
                        g_desc(nxt, b).start()
            return c

        lax.fori_loop(0, ngrp, group, 0)
        for b in range(nbuf):
            if b < n_full:
                i_last = n_full - 1 - ((n_full - 1 - b) % nbuf)
                w_desc(i_last, b).wait()
        if tail:
            rows_t, sem_t = ts
            off = n_full * ch
            pltpu.async_copy(
                table_hbm.at[idx_all.at[pl.ds(off, tail)]], rows_t,
                sem_t).wait()
            pltpu.sync_copy(rows_t, out_hbm.at[pl.ds(base + off, tail)])

    return pl.kernel(
        body,
        out_type=jax.ShapeDtypeStruct((Btot, D), _F32),
        mesh=mesh,
        scratch_types=scratch,
    )


_gather_edges = _make_sc_gather(TWO_AF, NE)
_gather_cry = _make_sc_gather(TWO_AF, NCRY * NC)


def _dot(a, b, prec=_PREC):
    return jnp.dot(a, b, precision=prec, preferred_element_type=_F32)


def _embed_body(a_ref, ew_ref, ws_ref, b_ref, wn_ref, xo_ref, po_ref, to_ref):
    x = _dot(a_ref[...], ew_ref[...])
    xo_ref[...] = x
    po_ref[...] = _dot(x, ws_ref[...], lax.Precision.DEFAULT) + b_ref[...]
    to_ref[...] = _dot(x, wn_ref[...], lax.Precision.DEFAULT)


def _edge_stats_body(gx_ref, nb_ref, p_ref, we_ref, out_ref):
    nb = nb_ref[...].reshape(TN * M_N, NBRF)
    g = gx_ref[...] + _dot(nb, we_ref[...], lax.Precision.DEFAULT)
    g3 = g.reshape(TN, M_N, TWO_AF) + p_ref[...][:, None, :]
    s1 = jnp.sum(g3, axis=(0, 1))[None]
    s2 = jnp.sum(g3 * g3, axis=(0, 1))[None]
    acc = jnp.concatenate([s1, s2], axis=0)

    @pl.when(pl.program_id(0) == 0)
    def _():
        out_ref[...] = jnp.zeros_like(out_ref)

    out_ref[...] += acc


def _edge_apply_body(gx_ref, nb_ref, p_ref, we_ref, st_ref, g1_ref,
                     b1_ref, ns_ref, s2_ref):
    mu = st_ref[0:1, :] * (1.0 / NE)
    var = st_ref[1:2, :] * (1.0 / NE) - mu * mu
    sc = g1_ref[...] * lax.rsqrt(var + EPS)
    sh = b1_ref[...] - mu * sc
    nb = nb_ref[...].reshape(TN * M_N, NBRF)
    e_s = _dot(nb, we_ref[...] * sc, lax.Precision.DEFAULT)
    base = p_ref[...] * sc + sh
    y = gx_ref[...] * sc + e_s
    z = y.reshape(TN, M_N, TWO_AF) + base[:, None, :]
    filt = 0.5 + 0.5 * jnp.tanh(0.5 * z[..., :AF])
    core = _softplus(z[..., AF:])
    ns = jnp.sum(filt * core, axis=1)
    ns_ref[...] = ns
    p1 = jnp.sum(ns, axis=0)[None]
    p2 = jnp.sum(ns * ns, axis=0)[None]
    acc = jnp.concatenate([p1, p2], axis=0)

    @pl.when(pl.program_id(0) == 0)
    def _():
        s2_ref[...] = jnp.zeros_like(s2_ref)

    s2_ref[...] += acc


def _bn2_x(x_ref, ns_ref, st_ref, g2_ref, b2_ref):
    mu = st_ref[0:1, :] * (1.0 / N_A)
    var = st_ref[1:2, :] * (1.0 / N_A) - mu * mu
    sc = g2_ref[...] * lax.rsqrt(var + EPS)
    sh = b2_ref[...] - mu * sc
    return _softplus(x_ref[...] + ns_ref[...] * sc + sh)


def _epi_proj_body(x_ref, ns_ref, st_ref, g2_ref, b2_ref, ws_ref, b_ref,
                   wn_ref, xo_ref, po_ref, to_ref):
    xn = _bn2_x(x_ref, ns_ref, st_ref, g2_ref, b2_ref)
    xo_ref[...] = xn
    po_ref[...] = _dot(xn, ws_ref[...], lax.Precision.DEFAULT) + b_ref[...]
    to_ref[...] = _dot(xn, wn_ref[...], lax.Precision.DEFAULT)


def _epi_final_body(x_ref, ns_ref, st_ref, g2_ref, b2_ref, xo_ref):
    xn = _bn2_x(x_ref, ns_ref, st_ref, g2_ref, b2_ref)
    xo_ref[...] = jnp.concatenate(
        [xn, jnp.zeros((N_A, TWO_AF - AF), _F32)], axis=1)


def _dec_body(af_ref, bw_ref, bb_ref, f1w_ref, f1b_ref, fw_ref, fb_ref,
              ep_ref, ao_ref):
    af = af_ref[0][:, :AF]
    mb = _dot(af, bw_ref[...])
    cols = [jnp.sum(mb[:, o * AF:(o + 1) * AF] * af, axis=1, keepdims=True)
            for o in range(6)]
    q = jnp.concatenate(cols, axis=1) + bb_ref[...]
    y = _dot(q, f1w_ref[...]) + f1b_ref[...]
    m = jnp.max(y, axis=1, keepdims=True)
    lse = jnp.log(jnp.sum(jnp.exp(y - m), axis=1, keepdims=True))
    lg = y - m - lse
    ep_ref[0] = jnp.broadcast_to(lg[None], (NC, NC, 6))
    ao_ref[0] = _dot(af, fw_ref[...]) + fb_ref[...]


_embed_call = pl.pallas_call(
    _embed_body,
    out_shape=(jax.ShapeDtypeStruct((N_A, AF), _F32),
               jax.ShapeDtypeStruct((N_A, TWO_AF), _F32),
               jax.ShapeDtypeStruct((N_A, TWO_AF), _F32)),
)

_full = lambda shape: pl.BlockSpec(shape, lambda i: tuple(0 for _ in shape))

_edge_in_specs = [
    pl.BlockSpec((TN * M_N, TWO_AF), lambda i: (i, 0)),
    pl.BlockSpec((TN, M_N, NBRF), lambda i: (i, 0, 0)),
    pl.BlockSpec((TN, TWO_AF), lambda i: (i, 0)),
    _full((NBRF, TWO_AF)),
]

_edge_stats_call = pl.pallas_call(
    _edge_stats_body,
    grid=(GRID_N,),
    in_specs=_edge_in_specs,
    out_specs=_full((2, TWO_AF)),
    out_shape=jax.ShapeDtypeStruct((2, TWO_AF), _F32),
)

_edge_apply_call = pl.pallas_call(
    _edge_apply_body,
    grid=(GRID_N,),
    in_specs=_edge_in_specs + [
        _full((2, TWO_AF)),
        _full((1, TWO_AF)),
        _full((1, TWO_AF)),
    ],
    out_specs=[
        pl.BlockSpec((TN, AF), lambda i: (i, 0)),
        _full((2, AF)),
    ],
    out_shape=(jax.ShapeDtypeStruct((N_A, AF), _F32),
               jax.ShapeDtypeStruct((2, AF), _F32)),
)

_epi_proj_call = pl.pallas_call(
    _epi_proj_body,
    out_shape=(jax.ShapeDtypeStruct((N_A, AF), _F32),
               jax.ShapeDtypeStruct((N_A, TWO_AF), _F32),
               jax.ShapeDtypeStruct((N_A, TWO_AF), _F32)),
)

_epi_final_call = pl.pallas_call(
    _epi_final_body,
    out_shape=jax.ShapeDtypeStruct((N_A, TWO_AF), _F32),
)

_dec_call = pl.pallas_call(
    _dec_body,
    grid=(NCRY,),
    in_specs=[
        pl.BlockSpec((1, NC, TWO_AF), lambda i: (i, 0, 0)),
        _full((AF, 6 * AF)),
        _full((1, 6)),
        _full((6, 6)),
        _full((1, 6)),
        _full((AF, ORIG)),
        _full((1, ORIG)),
    ],
    out_specs=[
        pl.BlockSpec((1, NC, NC, 6), lambda i: (i, 0, 0, 0)),
        pl.BlockSpec((1, NC, ORIG), lambda i: (i, 0, 0)),
    ],
    out_shape=(jax.ShapeDtypeStruct((NCRY, NC, NC, 6), _F32),
               jax.ShapeDtypeStruct((NCRY, NC, ORIG), _F32)),
)


def kernel(atom_fea, nbr_fea, nbr_fea_idx, crystal_atom_idx, emb_w,
           fc_w_0, fc_b_0, bn1_g_0, bn1_b_0, bn2_g_0, bn2_b_0,
           fc_w_1, fc_b_1, bn1_g_1, bn1_b_1, bn2_g_1, bn2_b_1,
           fc_w_2, fc_b_2, bn1_g_2, bn1_b_2, bn2_g_2, bn2_b_2,
           bil_w, bil_b, fc1_w, fc1_b, fcaf_w, fcaf_b):
    idx = nbr_fea_idx.astype(jnp.int32).reshape(NE)
    cidx = crystal_atom_idx.astype(jnp.int32).reshape(NCRY * NC)

    convs = [
        (fc_w_0, fc_b_0, bn1_g_0, bn1_b_0, bn2_g_0, bn2_b_0),
        (fc_w_1, fc_b_1, bn1_g_1, bn1_b_1, bn2_g_1, bn2_b_1),
        (fc_w_2, fc_b_2, bn1_g_2, bn1_b_2, bn2_g_2, bn2_b_2),
    ]
    ws_t = [w[:, :AF].T for (w, *_r) in convs]
    wn_t = [w[:, AF:2 * AF].T for (w, *_r) in convs]
    we_t = [w[:, 2 * AF:].T for (w, *_r) in convs]
    fb = [b[None] for (_w, b, *_r) in convs]

    x, p, tab = _embed_call(atom_fea, emb_w.T, ws_t[0], fb[0], wn_t[0])
    for i in range(3):
        _w, _b, g1, b1, g2, b2 = convs[i]
        gx = _gather_edges(tab, idx)
        st = _edge_stats_call(gx, nbr_fea, p, we_t[i])
        ns, st2 = _edge_apply_call(gx, nbr_fea, p, we_t[i], st,
                                   g1[None], b1[None])
        if i < 2:
            x, p, tab = _epi_proj_call(x, ns, st2, g2[None], b2[None],
                                       ws_t[i + 1], fb[i + 1], wn_t[i + 1])
        else:
            xpad = _epi_final_call(x, ns, st2, g2[None], b2[None])

    af = _gather_cry(xpad, cidx)
    bilcat = jnp.transpose(bil_w, (1, 0, 2)).reshape(AF, 6 * AF)
    ep4, ao = _dec_call(af.reshape(NCRY, NC, TWO_AF), bilcat, bil_b[None],
                        fc1_w.T, fc1_b[None], fcaf_w.T, fcaf_b[None])
    return ep4.reshape(NCRY, NC * NC, 6), ao

# --- scband reference (transcript-rebuilt; emitter-appended) ---
"""Pipeline reference for scband-crystal-ae-27599459844211 (READ-ONLY COPY).

The authoritative reference and input builder live on the scoring server;
editing this copy changes nothing except your own understanding.
"""

import jax, jax.numpy as jnp
import numpy as np

N_ATOMS = 10000
M = 16
ORIG = 92
NBRF = 41
AF = 64
NCONV = 3
B = 8
NC = 128


def _bn(x, g, b):
    mean = x.mean(axis=0)
    var = x.var(axis=0)
    return (x - mean) / jnp.sqrt(var + 1e-5) * g + b


def _conv(atom_fea, nbr_fea, nbr_fea_idx, fc_w, fc_b, g1, b1, g2, b2):
    N, Mn = nbr_fea_idx.shape
    atom_nbr_fea = atom_fea[nbr_fea_idx]
    self_fea = jnp.broadcast_to(atom_fea[:, None, :], (N, Mn, AF))
    total_nbr_fea = jnp.concatenate([self_fea, atom_nbr_fea, nbr_fea], axis=2)
    total_gated = total_nbr_fea @ fc_w.T + fc_b
    total_gated = _bn(total_gated.reshape(-1, 2 * AF), g1, b1).reshape(N, Mn, 2 * AF)
    nbr_filter = jax.nn.sigmoid(total_gated[..., :AF])
    nbr_core = jax.nn.softplus(total_gated[..., AF:])
    nbr_sumed = jnp.sum(nbr_filter * nbr_core, axis=1)
    nbr_sumed = _bn(nbr_sumed, g2, b2)
    return jax.nn.softplus(atom_fea + nbr_sumed)


def setup_inputs(seed: int = 0):
    key = jax.random.key(seed)
    ks = jax.random.split(key, 40)
    s = 0.05
    inp = {}
    inp['atom_fea'] = jax.random.normal(ks[0], (N_ATOMS, ORIG), dtype=jnp.float32)
    inp['nbr_fea'] = jax.random.uniform(ks[1], (N_ATOMS, M, NBRF), dtype=jnp.float32)
    inp['nbr_fea_idx'] = jax.random.randint(ks[2], (N_ATOMS, M), 0, N_ATOMS)
    inp['crystal_atom_idx'] = jax.random.randint(ks[3], (B, NC), 0, N_ATOMS)
    inp['emb_w'] = jax.random.normal(ks[4], (AF, ORIG), dtype=jnp.float32) * s
    for i in range(NCONV):
        inp['fc_w_%d' % i] = jax.random.normal(ks[5 + i], (2 * AF, 2 * AF + NBRF), dtype=jnp.float32) * s
        inp['fc_b_%d' % i] = jnp.zeros((2 * AF,), dtype=jnp.float32)
        inp['bn1_g_%d' % i] = jnp.ones((2 * AF,), dtype=jnp.float32)
        inp['bn1_b_%d' % i] = jnp.zeros((2 * AF,), dtype=jnp.float32)
        inp['bn2_g_%d' % i] = jnp.ones((AF,), dtype=jnp.float32)
        inp['bn2_b_%d' % i] = jnp.zeros((AF,), dtype=jnp.float32)
    inp['bil_w'] = jax.random.normal(ks[20], (6, AF, AF), dtype=jnp.float32) * s
    inp['bil_b'] = jnp.zeros((6,), dtype=jnp.float32)
    inp['fc1_w'] = jax.random.normal(ks[21], (6, 6), dtype=jnp.float32) * s
    inp['fc1_b'] = jnp.zeros((6,), dtype=jnp.float32)
    inp['fcaf_w'] = jax.random.normal(ks[22], (ORIG, AF), dtype=jnp.float32) * s
    inp['fcaf_b'] = jnp.zeros((ORIG,), dtype=jnp.float32)
    return inp


def reference(atom_fea, nbr_fea, nbr_fea_idx, crystal_atom_idx, emb_w,
              fc_w_0, fc_b_0, bn1_g_0, bn1_b_0, bn2_g_0, bn2_b_0,
              fc_w_1, fc_b_1, bn1_g_1, bn1_b_1, bn2_g_1, bn2_b_1,
              fc_w_2, fc_b_2, bn1_g_2, bn1_b_2, bn2_g_2, bn2_b_2,
              bil_w, bil_b, fc1_w, fc1_b, fcaf_w, fcaf_b):
    x = atom_fea @ emb_w.T
    convs = [
        (fc_w_0, fc_b_0, bn1_g_0, bn1_b_0, bn2_g_0, bn2_b_0),
        (fc_w_1, fc_b_1, bn1_g_1, bn1_b_1, bn2_g_1, bn2_b_1),
        (fc_w_2, fc_b_2, bn1_g_2, bn1_b_2, bn2_g_2, bn2_b_2),
    ]
    for p in convs:
        x = _conv(x, nbr_fea, nbr_fea_idx, *p)
    edge_prob_list = []
    atom_feature_list = []
    for bi in range(B):
        af = x[crystal_atom_idx[bi]]
        # faithful to original (including the bug where atom_adj_fea is
        # overwritten by atom_nbr_fea, so bilinear gets the same tensor twice)
        atom_nbr_fea = jnp.tile(af, (NC, 1, 1)).reshape(-1, AF)
        atom_adj_fea = atom_nbr_fea
        edge_p = jnp.einsum('nd,odk,nk->no', atom_adj_fea, bil_w, atom_nbr_fea) + bil_b
        edge_p = edge_p @ fc1_w.T + fc1_b
        edge_p = jax.nn.log_softmax(edge_p, axis=1)
        edge_prob_list.append(edge_p)
        atom_feature_list.append(af @ fcaf_w.T + fcaf_b)
    return (jnp.stack(edge_prob_list), jnp.stack(atom_feature_list))

if __name__ == "__main__":
    import jax
    _d = setup_inputs()
    print(jax.jit(kernel)(*tuple(_d.values())))

</pallas_src>

<mosaic_0001>
#map = affine_map<(d0, d1) -> (0, 0)>
#map1 = affine_map<(d0, d1) -> (0)>
module attributes {stable_mosaic.version = 14 : i64} {
  func.func @body(%arg0: i32, %arg1: i32, %arg2: memref<10000x128xf32, #tpu.memory_space<hbm>>, %arg3: memref<160000xi32, #tpu.memory_space<hbm>>, %arg4: memref<160000x128xf32, #tpu.memory_space<hbm>>, %arg5: memref<5000xi32, #tpu.memory_space<vmem>>, %arg6: memref<128x128xf32, #tpu.memory_space<vmem>>, %arg7: memref<128x128xf32, #tpu.memory_space<vmem>>, %arg8: memref<128x128xf32, #tpu.memory_space<vmem>>, %arg9: memref<128x128xf32, #tpu.memory_space<vmem>>, %arg10: memref<!tpu.dma_semaphore, #tpu.memory_space<semaphore_mem>>, %arg11: memref<!tpu.dma_semaphore, #tpu.memory_space<semaphore_mem>>, %arg12: memref<!tpu.dma_semaphore, #tpu.memory_space<semaphore_mem>>, %arg13: memref<!tpu.dma_semaphore, #tpu.memory_space<semaphore_mem>>, %arg14: memref<!tpu.dma_semaphore, #tpu.memory_space<semaphore_mem>>, %arg15: memref<!tpu.dma_semaphore, #tpu.memory_space<semaphore_mem>>, %arg16: memref<!tpu.dma_semaphore, #tpu.memory_space<semaphore_mem>>, %arg17: memref<!tpu.dma_semaphore, #tpu.memory_space<semaphore_mem>>, %arg18: memref<8x128xf32, #tpu.memory_space<vmem>>, %arg19: memref<!tpu.dma_semaphore, #tpu.memory_space<semaphore_mem>>) attributes {dimension_semantics = [#tpu.dimension_semantics<core_parallel>, #tpu.dimension_semantics<subcore_parallel>], iteration_bounds = array<i64: 2, 16>, scalar_prefetch = 0 : i64, scratch_operands = 15 : i64, tpu.core_type = #tpu.core_type<sc_vector_subcore>, window_params = [{transform_indices = #map}, {transform_indices = #map1}, {transform_indices = #map}]} {
    %mul3A = arith.constant 2 : i32
    %mul3A_0 = arith.muli %arg1, %mul3A : i32
    %add3A = arith.addi %mul3A_0, %arg0 : i32
    %mul3A_1 = arith.constant 5000 : i32
    %mul3A_2 = arith.muli %add3A, %mul3A_1 : i32
    "tpu.region"() ({
      %run_scoped3A = tpu.sem_alloc : memref<!tpu.dma_semaphore, #tpu.memory_space<semaphore_mem>>
      %dma_start3A_62 = tpu.memref_slice %arg3[%mul3A_2] : memref<160000xi32, #tpu.memory_space<hbm>> -> memref<5000xi32, #tpu.memory_space<hbm>>
      %dma_start3A_63 = tpu.memref_slice %arg3[%mul3A_2] : memref<160000xi32, #tpu.memory_space<hbm>> -> memref<5000xi32, #tpu.memory_space<hbm>>
      tpu.enqueue_dma source(%dma_start3A_63 : memref<5000xi32, #tpu.memory_space<hbm>>) target(%arg5 : memref<5000xi32, #tpu.memory_space<vmem>>) target_semaphore(%run_scoped3A : memref<!tpu.dma_semaphore, #tpu.memory_space<semaphore_mem>>)
      %dma_wait3A_64 = tpu.memref_slice %arg3[%mul3A_2] : memref<160000xi32, #tpu.memory_space<hbm>> -> memref<5000xi32, #tpu.memory_space<hbm>>
      %dma_wait3A_65 = tpu.memref_slice %arg3[%mul3A_2] : memref<160000xi32, #tpu.memory_space<hbm>> -> memref<5000xi32, #tpu.memory_space<hbm>>
      tpu.wait_dma2 semaphore(%run_scoped3A : memref<!tpu.dma_semaphore, #tpu.memory_space<semaphore_mem>>) src(%dma_wait3A_65 : memref<5000xi32, #tpu.memory_space<hbm>>) dst(%arg5 : memref<5000xi32, #tpu.memory_space<vmem>>)
      tpu.yield
    }) : () -> ()
    %dma_start3A = arith.constant 0 : i32
    %dma_start3A_3 = tpu.memref_slice %arg5[%dma_start3A] : memref<5000xi32, #tpu.memory_space<vmem>> -> memref<128xi32, #tpu.memory_space<vmem>>
    %dma_start3A_4 = arith.constant 0 : i32
    %dma_start3A_5 = arith.constant 0 : i32
    %dma_start3A_6 = tpu.memref_slice %arg2[%dma_start3A_4, %dma_start3A_5] : memref<10000x128xf32, #tpu.memory_space<hbm>> -> memref<10000x128xf32, #tpu.memory_space<hbm>>
    tpu.enqueue_indirect_dma source(%dma_start3A_6 : memref<10000x128xf32, #tpu.memory_space<hbm>>) target(%arg6 : memref<128x128xf32, #tpu.memory_space<vmem>>) offsets(%dma_start3A_3 : memref<128xi32, #tpu.memory_space<vmem>>) semaphore(%arg10 : memref<!tpu.dma_semaphore, #tpu.memory_space<semaphore_mem>>)
    %dma_start3A_7 = arith.constant 128 : i32
    %dma_start3A_8 = tpu.memref_slice %arg5[%dma_start3A_7] : memref<5000xi32, #tpu.memory_space<vmem>> -> memref<128xi32, #tpu.memory_space<vmem>>
    %dma_start3A_9 = arith.constant 0 : i32
    %dma_start3A_10 = arith.constant 0 : i32
    %dma_start3A_11 = tpu.memref_slice %arg2[%dma_start3A_9, %dma_start3A_10] : memref<10000x128xf32, #tpu.memory_space<hbm>> -> memref<10000x128xf32, #tpu.memory_space<hbm>>
    tpu.enqueue_indirect_dma source(%dma_start3A_11 : memref<10000x128xf32, #tpu.memory_space<hbm>>) target(%arg7 : memref<128x128xf32, #tpu.memory_space<vmem>>) offsets(%dma_start3A_8 : memref<128xi32, #tpu.memory_space<vmem>>) semaphore(%arg11 : memref<!tpu.dma_semaphore, #tpu.memory_space<semaphore_mem>>)
    %dma_start3A_12 = arith.constant 256 : i32
    %dma_start3A_13 = tpu.memref_slice %arg5[%dma_start3A_12] : memref<5000xi32, #tpu.memory_space<vmem>> -> memref<128xi32, #tpu.memory_space<vmem>>
    %dma_start3A_14 = arith.constant 0 : i32
    %dma_start3A_15 = arith.constant 0 : i32
    %dma_start3A_16 = tpu.memref_slice %arg2[%dma_start3A_14, %dma_start3A_15] : memref<10000x128xf32, #tpu.memory_space<hbm>> -> memref<10000x128xf32, #tpu.memory_space<hbm>>
    tpu.enqueue_indirect_dma source(%dma_start3A_16 : memref<10000x128xf32, #tpu.memory_space<hbm>>) target(%arg8 : memref<128x128xf32, #tpu.memory_space<vmem>>) offsets(%dma_start3A_13 : memref<128xi32, #tpu.memory_space<vmem>>) semaphore(%arg12 : memref<!tpu.dma_semaphore, #tpu.memory_space<semaphore_mem>>)
    %dma_start3A_17 = arith.constant 384 : i32
    %dma_start3A_18 = tpu.memref_slice %arg5[%dma_start3A_17] : memref<5000xi32, #tpu.memory_space<vmem>> -> memref<128xi32, #tpu.memory_space<vmem>>
    %dma_start3A_19 = arith.constant 0 : i32
    %dma_start3A_20 = arith.constant 0 : i32
    %dma_start3A_21 = tpu.memref_slice %arg2[%dma_start3A_19, %dma_start3A_20] : memref<10000x128xf32, #tpu.memory_space<hbm>> -> memref<10000x128xf32, #tpu.memory_space<hbm>>
    tpu.enqueue_indirect_dma source(%dma_start3A_21 : memref<10000x128xf32, #tpu.memory_space<hbm>>) target(%arg9 : memref<128x128xf32, #tpu.memory_space<vmem>>) offsets(%dma_start3A_18 : memref<128xi32, #tpu.memory_space<vmem>>) semaphore(%arg13 : memref<!tpu.dma_semaphore, #tpu.memory_space<semaphore_mem>>)
    %scan3A = arith.constant 0 : i32
    %scan3A_22 = arith.constant 0 : i32
    %scan3A_23 = arith.constant 10 : i32
    %scan3A_24 = arith.addi %scan3A_22, %scan3A_23 : i32
    %scan3A_25 = arith.constant 1 : i32
    scf.for %scan3A_62 = %scan3A_22 to %scan3A_24 step %scan3A_25  : i32 {
      %mul3A_63 = arith.constant 4 : i32
      %mul3A_64 = arith.muli %scan3A_62, %mul3A_63 : i32
      %add3A_65 = arith.constant 0 : i32
      %add3A_66 = arith.addi %mul3A_64, %add3A_65 : i32
      %lt3A = arith.constant 39 : i32
      %lt3A_67 = arith.cmpi slt, %add3A_66, %lt3A : i32
      %convert_element_type3A = arith.extui %lt3A_67 : i1 to i32
      %cond3A = arith.constant 0 : i32
      %cond3A_68 = arith.cmpi ne, %convert_element_type3A, %cond3A : i32
      scf.if %cond3A_68 {
        %mul3A_96 = arith.constant 128 : i32
        %mul3A_97 = arith.muli %add3A_66, %mul3A_96 : i32
        %dma_wait3A_98 = tpu.memref_slice %arg5[%mul3A_97] : memref<5000xi32, #tpu.memory_space<vmem>> -> memref<128xi32, #tpu.memory_space<vmem>>
        %dma_wait3A_99 = arith.constant 0 : i32
        %dma_wait3A_100 = arith.constant 0 : i32
        %dma_wait3A_101 = tpu.memref_slice %arg2[%dma_wait3A_99, %dma_wait3A_100] : memref<10000x128xf32, #tpu.memory_space<hbm>> -> memref<10000x128xf32, #tpu.memory_space<hbm>>
        tpu.wait_indirect_dma semaphore(%arg10 : memref<!tpu.dma_semaphore, #tpu.memory_space<semaphore_mem>>) src(%dma_wait3A_101 : memref<10000x128xf32, #tpu.memory_space<hbm>>) dst(%arg6 : memref<128x128xf32, #tpu.memory_space<vmem>>)
        %mul3A_102 = arith.constant 128 : i32
        %mul3A_103 = arith.muli %add3A_66, %mul3A_102 : i32
        %add3A_104 = arith.addi %mul3A_2, %mul3A_103 : i32
        %dma_start3A_105 = arith.constant 0 : i32
        %dma_start3A_106 = tpu.memref_slice %arg4[%add3A_104, %dma_start3A_105] : memref<160000x128xf32, #tpu.memory_space<hbm>> -> memref<128x128xf32, #tpu.memory_space<hbm>>
        %dma_start3A_107 = arith.constant 0 : i32
        %dma_start3A_108 = tpu.memref_slice %arg4[%add3A_104, %dma_start3A_107] : memref<160000x128xf32, #tpu.memory_space<hbm>> -> memref<128x128xf32, #tpu.memory_space<hbm>>
        tpu.enqueue_dma source(%arg6 : memref<128x128xf32, #tpu.memory_space<vmem>>) target(%dma_start3A_108 : memref<128x128xf32, #tpu.memory_space<hbm>>) target_semaphore(%arg14 : memref<!tpu.dma_semaphore, #tpu.memory_space<semaphore_mem>>)
        %add3A_109 = arith.constant 4 : i32
        %add3A_110 = arith.addi %add3A_66, %add3A_109 : i32
        %lt3A_111 = arith.constant 39 : i32
        %lt3A_112 = arith.cmpi slt, %add3A_110, %lt3A_111 : i32
        %convert_element_type3A_113 = arith.extui %lt3A_112 : i1 to i32
        %cond3A_114 = arith.constant 0 : i32
        %cond3A_115 = arith.cmpi ne, %convert_element_type3A_113, %cond3A_114 : i32
        scf.if %cond3A_115 {
          %mul3A_116 = arith.constant 128 : i32
          %mul3A_117 = arith.muli %add3A_66, %mul3A_116 : i32
          %add3A_118 = arith.addi %mul3A_2, %mul3A_117 : i32
          %dma_wait3A_119 = arith.constant 0 : i32
          %dma_wait3A_120 = tpu.memref_slice %arg4[%add3A_118, %dma_wait3A_119] : memref<160000x128xf32, #tpu.memory_space<hbm>> -> memref<128x128xf32, #tpu.memory_space<hbm>>
          %dma_wait3A_121 = arith.constant 0 : i32
          %dma_wait3A_122 = tpu.memref_slice %arg4[%add3A_118, %dma_wait3A_121] : memref<160000x128xf32, #tpu.memory_space<hbm>> -> memref<128x128xf32, #tpu.memory_space<hbm>>
          tpu.wait_dma2 semaphore(%arg14 : memref<!tpu.dma_semaphore, #tpu.memory_space<semaphore_mem>>) src(%arg6 : memref<128x128xf32, #tpu.memory_space<vmem>>) dst(%dma_wait3A_122 : memref<128x128xf32, #tpu.memory_space<hbm>>)
          %mul3A_123 = arith.constant 128 : i32
          %mul3A_124 = arith.muli %add3A_110, %mul3A_123 : i32
          %dma_start3A_125 = tpu.memref_slice %arg5[%mul3A_124] : memref<5000xi32, #tpu.memory_space<vmem>> -> memref<128xi32, #tpu.memory_space<vmem>>
          %dma_start3A_126 = arith.constant 0 : i32
          %dma_start3A_127 = arith.constant 0 : i32
          %dma_start3A_128 = tpu.memref_slice %arg2[%dma_start3A_126, %dma_start3A_127] : memref<10000x128xf32, #tpu.memory_space<hbm>> -> memref<10000x128xf32, #tpu.memory_space<hbm>>
          tpu.enqueue_indirect_dma source(%dma_start3A_128 : memref<10000x128xf32, #tpu.memory_space<hbm>>) target(%arg6 : memref<128x128xf32, #tpu.memory_space<vmem>>) offsets(%dma_start3A_125 : memref<128xi32, #tpu.memory_space<vmem>>) semaphore(%arg10 : memref<!tpu.dma_semaphore, #tpu.memory_space<semaphore_mem>>)
        } else {
        }
      } else {
      }
      %mul3A_69 = arith.constant 4 : i32
      %mul3A_70 = arith.muli %scan3A_62, %mul3A_69 : i32
      %add3A_71 = arith.constant 1 : i32
      %add3A_72 = arith.addi %mul3A_70, %add3A_71 : i32
      %lt3A_73 = arith.constant 39 : i32
      %lt3A_74 = arith.cmpi slt, %add3A_72, %lt3A_73 : i32
      %convert_element_type3A_75 = arith.extui %lt3A_74 : i1 to i32
      %cond3A_76 = arith.constant 0 : i32
      %cond3A_77 = arith.cmpi ne, %convert_element_type3A_75, %cond3A_76 : i32
      scf.if %cond3A_77 {
        %mul3A_96 = arith.constant 128 : i32
        %mul3A_97 = arith.muli %add3A_72, %mul3A_96 : i32
        %dma_wait3A_98 = tpu.memref_slice %arg5[%mul3A_97] : memref<5000xi32, #tpu.memory_space<vmem>> -> memref<128xi32, #tpu.memory_space<vmem>>
        %dma_wait3A_99 = arith.constant 0 : i32
        %dma_wait3A_100 = arith.constant 0 : i32
        %dma_wait3A_101 = tpu.memref_slice %arg2[%dma_wait3A_99, %dma_wait3A_100] : memref<10000x128xf32, #tpu.memory_space<hbm>> -> memref<10000x128xf32, #tpu.memory_space<hbm>>
        tpu.wait_indirect_dma semaphore(%arg11 : memref<!tpu.dma_semaphore, #tpu.memory_space<semaphore_mem>>) src(%dma_wait3A_101 : memref<10000x128xf32, #tpu.memory_space<hbm>>) dst(%arg7 : memref<128x128xf32, #tpu.memory_space<vmem>>)
        %mul3A_102 = arith.constant 128 : i32
        %mul3A_103 = arith.muli %add3A_72, %mul3A_102 : i32
        %add3A_104 = arith.addi %mul3A_2, %mul3A_103 : i32
        %dma_start3A_105 = arith.constant 0 : i32
        %dma_start3A_106 = tpu.memref_slice %arg4[%add3A_104, %dma_start3A_105] : memref<160000x128xf32, #tpu.memory_space<hbm>> -> memref<128x128xf32, #tpu.memory_space<hbm>>
        %dma_start3A_107 = arith.constant 0 : i32
        %dma_start3A_108 = tpu.memref_slice %arg4[%add3A_104, %dma_start3A_107] : memref<160000x128xf32, #tpu.memory_space<hbm>> -> memref<128x128xf32, #tpu.memory_space<hbm>>
        tpu.enqueue_dma source(%arg7 : memref<128x128xf32, #tpu.memory_space<vmem>>) target(%dma_start3A_108 : memref<128x128xf32, #tpu.memory_space<hbm>>) target_semaphore(%arg15 : memref<!tpu.dma_semaphore, #tpu.memory_space<semaphore_mem>>)
        %add3A_109 = arith.constant 4 : i32
        %add3A_110 = arith.addi %add3A_72, %add3A_109 : i32
        %lt3A_111 = arith.constant 39 : i32
        %lt3A_112 = arith.cmpi slt, %add3A_110, %lt3A_111 : i32
        %convert_element_type3A_113 = arith.extui %lt3A_112 : i1 to i32
        %cond3A_114 = arith.constant 0 : i32
        %cond3A_115 = arith.cmpi ne, %convert_element_type3A_113, %cond3A_114 : i32
        scf.if %cond3A_115 {
          %mul3A_116 = arith.constant 128 : i32
          %mul3A_117 = arith.muli %add3A_72, %mul3A_116 : i32
          %add3A_118 = arith.addi %mul3A_2, %mul3A_117 : i32
          %dma_wait3A_119 = arith.constant 0 : i32
          %dma_wait3A_120 = tpu.memref_slice %arg4[%add3A_118, %dma_wait3A_119] : memref<160000x128xf32, #tpu.memory_space<hbm>> -> memref<128x128xf32, #tpu.memory_space<hbm>>
          %dma_wait3A_121 = arith.constant 0 : i32
          %dma_wait3A_122 = tpu.memref_slice %arg4[%add3A_118, %dma_wait3A_121] : memref<160000x128xf32, #tpu.memory_space<hbm>> -> memref<128x128xf32, #tpu.memory_space<hbm>>
          tpu.wait_dma2 semaphore(%arg15 : memref<!tpu.dma_semaphore, #tpu.memory_space<semaphore_mem>>) src(%arg7 : memref<128x128xf32, #tpu.memory_space<vmem>>) dst(%dma_wait3A_122 : memref<128x128xf32, #tpu.memory_space<hbm>>)
          %mul3A_123 = arith.constant 128 : i32
          %mul3A_124 = arith.muli %add3A_110, %mul3A_123 : i32
          %dma_start3A_125 = tpu.memref_slice %arg5[%mul3A_124] : memref<5000xi32, #tpu.memory_space<vmem>> -> memref<128xi32, #tpu.memory_space<vmem>>
          %dma_start3A_126 = arith.constant 0 : i32
          %dma_start3A_127 = arith.constant 0 : i32
          %dma_start3A_128 = tpu.memref_slice %arg2[%dma_start3A_126, %dma_start3A_127] : memref<10000x128xf32, #tpu.memory_space<hbm>> -> memref<10000x128xf32, #tpu.memory_space<hbm>>
          tpu.enqueue_indirect_dma source(%dma_start3A_128 : memref<10000x128xf32, #tpu.memory_space<hbm>>) target(%arg7 : memref<128x128xf32, #tpu.memory_space<vmem>>) offsets(%dma_start3A_125 : memref<128xi32, #tpu.memory_space<vmem>>) semaphore(%arg11 : memref<!tpu.dma_semaphore, #tpu.memory_space<semaphore_mem>>)
        } else {
        }
      } else {
      }
      %mul3A_78 = arith.constant 4 : i32
      %mul3A_79 = arith.muli %scan3A_62, %mul3A_78 : i32
      %add3A_80 = arith.constant 2 : i32
      %add3A_81 = arith.addi %mul3A_79, %add3A_80 : i32
      %lt3A_82 = arith.constant 39 : i32
      %lt3A_83 = arith.cmpi slt, %add3A_81, %lt3A_82 : i32
      %convert_element_type3A_84 = arith.extui %lt3A_83 : i1 to i32
      %cond3A_85 = arith.constant 0 : i32
      %cond3A_86 = arith.cmpi ne, %convert_element_type3A_84, %cond3A_85 : i32
      scf.if %cond3A_86 {
        %mul3A_96 = arith.constant 128 : i32
        %mul3A_97 = arith.muli %add3A_81, %mul3A_96 : i32
        %dma_wait3A_98 = tpu.memref_slice %arg5[%mul3A_97] : memref<5000xi32, #tpu.memory_space<vmem>> -> memref<128xi32, #tpu.memory_space<vmem>>
        %dma_wait3A_99 = arith.constant 0 : i32
        %dma_wait3A_100 = arith.constant 0 : i32
        %dma_wait3A_101 = tpu.memref_slice %arg2[%dma_wait3A_99, %dma_wait3A_100] : memref<10000x128xf32, #tpu.memory_space<hbm>> -> memref<10000x128xf32, #tpu.memory_space<hbm>>
        tpu.wait_indirect_dma semaphore(%arg12 : memref<!tpu.dma_semaphore, #tpu.memory_space<semaphore_mem>>) src(%dma_wait3A_101 : memref<10000x128xf32, #tpu.memory_space<hbm>>) dst(%arg8 : memref<128x128xf32, #tpu.memory_space<vmem>>)
        %mul3A_102 = arith.constant 128 : i32
        %mul3A_103 = arith.muli %add3A_81, %mul3A_102 : i32
        %add3A_104 = arith.addi %mul3A_2, %mul3A_103 : i32
        %dma_start3A_105 = arith.constant 0 : i32
        %dma_start3A_106 = tpu.memref_slice %arg4[%add3A_104, %dma_start3A_105] : memref<160000x128xf32, #tpu.memory_space<hbm>> -> memref<128x128xf32, #tpu.memory_space<hbm>>
        %dma_start3A_107 = arith.constant 0 : i32
        %dma_start3A_108 = tpu.memref_slice %arg4[%add3A_104, %dma_start3A_107] : memref<160000x128xf32, #tpu.memory_space<hbm>> -> memref<128x128xf32, #tpu.memory_space<hbm>>
        tpu.enqueue_dma source(%arg8 : memref<128x128xf32, #tpu.memory_space<vmem>>) target(%dma_start3A_108 : memref<128x128xf32, #tpu.memory_space<hbm>>) target_semaphore(%arg16 : memref<!tpu.dma_semaphore, #tpu.memory_space<semaphore_mem>>)
        %add3A_109 = arith.constant 4 : i32
        %add3A_110 = arith.addi %add3A_81, %add3A_109 : i32
        %lt3A_111 = arith.constant 39 : i32
        %lt3A_112 = arith.cmpi slt, %add3A_110, %lt3A_111 : i32
        %convert_element_type3A_113 = arith.extui %lt3A_112 : i1 to i32
        %cond3A_114 = arith.constant 0 : i32
        %cond3A_115 = arith.cmpi ne, %convert_element_type3A_113, %cond3A_114 : i32
        scf.if %cond3A_115 {
          %mul3A_116 = arith.constant 128 : i32
          %mul3A_117 = arith.muli %add3A_81, %mul3A_116 : i32
          %add3A_118 = arith.addi %mul3A_2, %mul3A_117 : i32
          %dma_wait3A_119 = arith.constant 0 : i32
          %dma_wait3A_120 = tpu.memref_slice %arg4[%add3A_118, %dma_wait3A_119] : memref<160000x128xf32, #tpu.memory_space<hbm>> -> memref<128x128xf32, #tpu.memory_space<hbm>>
          %dma_wait3A_121 = arith.constant 0 : i32
          %dma_wait3A_122 = tpu.memref_slice %arg4[%add3A_118, %dma_wait3A_121] : memref<160000x128xf32, #tpu.memory_space<hbm>> -> memref<128x128xf32, #tpu.memory_space<hbm>>
          tpu.wait_dma2 semaphore(%arg16 : memref<!tpu.dma_semaphore, #tpu.memory_space<semaphore_mem>>) src(%arg8 : memref<128x128xf32, #tpu.memory_space<vmem>>) dst(%dma_wait3A_122 : memref<128x128xf32, #tpu.memory_space<hbm>>)
          %mul3A_123 = arith.constant 128 : i32
          %mul3A_124 = arith.muli %add3A_110, %mul3A_123 : i32
          %dma_start3A_125 = tpu.memref_slice %arg5[%mul3A_124] : memref<5000xi32, #tpu.memory_space<vmem>> -> memref<128xi32, #tpu.memory_space<vmem>>
          %dma_start3A_126 = arith.constant 0 : i32
          %dma_start3A_127 = arith.constant 0 : i32
          %dma_start3A_128 = tpu.memref_slice %arg2[%dma_start3A_126, %dma_start3A_127] : memref<10000x128xf32, #tpu.memory_space<hbm>> -> memref<10000x128xf32, #tpu.memory_space<hbm>>
          tpu.enqueue_indirect_dma source(%dma_start3A_128 : memref<10000x128xf32, #tpu.memory_space<hbm>>) target(%arg8 : memref<128x128xf32, #tpu.memory_space<vmem>>) offsets(%dma_start3A_125 : memref<128xi32, #tpu.memory_space<vmem>>) semaphore(%arg12 : memref<!tpu.dma_semaphore, #tpu.memory_space<semaphore_mem>>)
        } else {
        }
      } else {
      }
      %mul3A_87 = arith.constant 4 : i32
      %mul3A_88 = arith.muli %scan3A_62, %mul3A_87 : i32
      %add3A_89 = arith.constant 3 : i32
      %add3A_90 = arith.addi %mul3A_88, %add3A_89 : i32
      %lt3A_91 = arith.constant 39 : i32
      %lt3A_92 = arith.cmpi slt, %add3A_90, %lt3A_91 : i32
      %convert_element_type3A_93 = arith.extui %lt3A_92 : i1 to i32
      %cond3A_94 = arith.constant 0 : i32
      %cond3A_95 = arith.cmpi ne, %convert_element_type3A_93, %cond3A_94 : i32
      scf.if %cond3A_95 {
        %mul3A_96 = arith.constant 128 : i32
        %mul3A_97 = arith.muli %add3A_90, %mul3A_96 : i32
        %dma_wait3A_98 = tpu.memref_slice %arg5[%mul3A_97] : memref<5000xi32, #tpu.memory_space<vmem>> -> memref<128xi32, #tpu.memory_space<vmem>>
        %dma_wait3A_99 = arith.constant 0 : i32
        %dma_wait3A_100 = arith.constant 0 : i32
        %dma_wait3A_101 = tpu.memref_slice %arg2[%dma_wait3A_99, %dma_wait3A_100] : memref<10000x128xf32, #tpu.memory_space<hbm>> -> memref<10000x128xf32, #tpu.memory_space<hbm>>
        tpu.wait_indirect_dma semaphore(%arg13 : memref<!tpu.dma_semaphore, #tpu.memory_space<semaphore_mem>>) src(%dma_wait3A_101 : memref<10000x128xf32, #tpu.memory_space<hbm>>) dst(%arg9 : memref<128x128xf32, #tpu.memory_space<vmem>>)
        %mul3A_102 = arith.constant 128 : i32
        %mul3A_103 = arith.muli %add3A_90, %mul3A_102 : i32
        %add3A_104 = arith.addi %mul3A_2, %mul3A_103 : i32
        %dma_start3A_105 = arith.constant 0 : i32
        %dma_start3A_106 = tpu.memref_slice %arg4[%add3A_104, %dma_start3A_105] : memref<160000x128xf32, #tpu.memory_space<hbm>> -> memref<128x128xf32, #tpu.memory_space<hbm>>
        %dma_start3A_107 = arith.constant 0 : i32
        %dma_start3A_108 = tpu.memref_slice %arg4[%add3A_104, %dma_start3A_107] : memref<160000x128xf32, #tpu.memory_space<hbm>> -> memref<128x128xf32, #tpu.memory_space<hbm>>
        tpu.enqueue_dma source(%arg9 : memref<128x128xf32, #tpu.memory_space<vmem>>) target(%dma_start3A_108 : memref<128x128xf32, #tpu.memory_space<hbm>>) target_semaphore(%arg17 : memref<!tpu.dma_semaphore, #tpu.memory_space<semaphore_mem>>)
        %add3A_109 = arith.constant 4 : i32
        %add3A_110 = arith.addi %add3A_90, %add3A_109 : i32
        %lt3A_111 = arith.constant 39 : i32
        %lt3A_112 = arith.cmpi slt, %add3A_110, %lt3A_111 : i32
        %convert_element_type3A_113 = arith.extui %lt3A_112 : i1 to i32
        %cond3A_114 = arith.constant 0 : i32
        %cond3A_115 = arith.cmpi ne, %convert_element_type3A_113, %cond3A_114 : i32
        scf.if %cond3A_115 {
          %mul3A_116 = arith.constant 128 : i32
          %mul3A_117 = arith.muli %add3A_90, %mul3A_116 : i32
          %add3A_118 = arith.addi %mul3A_2, %mul3A_117 : i32
          %dma_wait3A_119 = arith.constant 0 : i32
          %dma_wait3A_120 = tpu.memref_slice %arg4[%add3A_118, %dma_wait3A_119] : memref<160000x128xf32, #tpu.memory_space<hbm>> -> memref<128x128xf32, #tpu.memory_space<hbm>>
          %dma_wait3A_121 = arith.constant 0 : i32
          %dma_wait3A_122 = tpu.memref_slice %arg4[%add3A_118, %dma_wait3A_121] : memref<160000x128xf32, #tpu.memory_space<hbm>> -> memref<128x128xf32, #tpu.memory_space<hbm>>
          tpu.wait_dma2 semaphore(%arg17 : memref<!tpu.dma_semaphore, #tpu.memory_space<semaphore_mem>>) src(%arg9 : memref<128x128xf32, #tpu.memory_space<vmem>>) dst(%dma_wait3A_122 : memref<128x128xf32, #tpu.memory_space<hbm>>)
          %mul3A_123 = arith.constant 128 : i32
          %mul3A_124 = arith.muli %add3A_110, %mul3A_123 : i32
          %dma_start3A_125 = tpu.memref_slice %arg5[%mul3A_124] : memref<5000xi32, #tpu.memory_space<vmem>> -> memref<128xi32, #tpu.memory_space<vmem>>
          %dma_start3A_126 = arith.constant 0 : i32
          %dma_start3A_127 = arith.constant 0 : i32
          %dma_start3A_128 = tpu.memref_slice %arg2[%dma_start3A_126, %dma_start3A_127] : memref<10000x128xf32, #tpu.memory_space<hbm>> -> memref<10000x128xf32, #tpu.memory_space<hbm>>
          tpu.enqueue_indirect_dma source(%dma_start3A_128 : memref<10000x128xf32, #tpu.memory_space<hbm>>) target(%arg9 : memref<128x128xf32, #tpu.memory_space<vmem>>) offsets(%dma_start3A_125 : memref<128xi32, #tpu.memory_space<vmem>>) semaphore(%arg13 : memref<!tpu.dma_semaphore, #tpu.memory_space<semaphore_mem>>)
        } else {
        }
      } else {
      }
    }
    %scan3A_26 = arith.constant 10 : i32
    %add3A_27 = arith.constant 4608 : i32
    %add3A_28 = arith.addi %mul3A_2, %add3A_27 : i32
    %dma_wait3A = arith.constant 0 : i32
    %dma_wait3A_29 = tpu.memref_slice %arg4[%add3A_28, %dma_wait3A] : memref<160000x128xf32, #tpu.memory_space<hbm>> -> memref<128x128xf32, #tpu.memory_space<hbm>>
    %dma_wait3A_30 = arith.constant 0 : i32
    %dma_wait3A_31 = tpu.memref_slice %arg4[%add3A_28, %dma_wait3A_30] : memref<160000x128xf32, #tpu.memory_space<hbm>> -> memref<128x128xf32, #tpu.memory_space<hbm>>
    tpu.wait_dma2 semaphore(%arg14 : memref<!tpu.dma_semaphore, #tpu.memory_space<semaphore_mem>>) src(%arg6 : memref<128x128xf32, #tpu.memory_space<vmem>>) dst(%dma_wait3A_31 : memref<128x128xf32, #tpu.memory_space<hbm>>)
    %add3A_32 = arith.constant 4736 : i32
    %add3A_33 = arith.addi %mul3A_2, %add3A_32 : i32
    %dma_wait3A_34 = arith.constant 0 : i32
    %dma_wait3A_35 = tpu.memref_slice %arg4[%add3A_33, %dma_wait3A_34] : memref<160000x128xf32, #tpu.memory_space<hbm>> -> memref<128x128xf32, #tpu.memory_space<hbm>>
    %dma_wait3A_36 = arith.constant 0 : i32
    %dma_wait3A_37 = tpu.memref_slice %arg4[%add3A_33, %dma_wait3A_36] : memref<160000x128xf32, #tpu.memory_space<hbm>> -> memref<128x128xf32, #tpu.memory_space<hbm>>
    tpu.wait_dma2 semaphore(%arg15 : memref<!tpu.dma_semaphore, #tpu.memory_space<semaphore_mem>>) src(%arg7 : memref<128x128xf32, #tpu.memory_space<vmem>>) dst(%dma_wait3A_37 : memref<128x128xf32, #tpu.memory_space<hbm>>)
    %add3A_38 = arith.constant 4864 : i32
    %add3A_39 = arith.addi %mul3A_2, %add3A_38 : i32
    %dma_wait3A_40 = arith.constant 0 : i32
    %dma_wait3A_41 = tpu.memref_slice %arg4[%add3A_39, %dma_wait3A_40] : memref<160000x128xf32, #tpu.memory_space<hbm>> -> memref<128x128xf32, #tpu.memory_space<hbm>>
    %dma_wait3A_42 = arith.constant 0 : i32
    %dma_wait3A_43 = tpu.memref_slice %arg4[%add3A_39, %dma_wait3A_42] : memref<160000x128xf32, #tpu.memory_space<hbm>> -> memref<128x128xf32, #tpu.memory_space<hbm>>
    tpu.wait_dma2 semaphore(%arg16 : memref<!tpu.dma_semaphore, #tpu.memory_space<semaphore_mem>>) src(%arg8 : memref<128x128xf32, #tpu.memory_space<vmem>>) dst(%dma_wait3A_43 : memref<128x128xf32, #tpu.memory_space<hbm>>)
    %add3A_44 = arith.constant 4480 : i32
    %add3A_45 = arith.addi %mul3A_2, %add3A_44 : i32
    %dma_wait3A_46 = arith.constant 0 : i32
    %dma_wait3A_47 = tpu.memref_slice %arg4[%add3A_45, %dma_wait3A_46] : memref<160000x128xf32, #tpu.memory_space<hbm>> -> memref<128x128xf32, #tpu.memory_space<hbm>>
    %dma_wait3A_48 = arith.constant 0 : i32
    %dma_wait3A_49 = tpu.memref_slice %arg4[%add3A_45, %dma_wait3A_48] : memref<160000x128xf32, #tpu.memory_space<hbm>> -> memref<128x128xf32, #tpu.memory_space<hbm>>
    tpu.wait_dma2 semaphore(%arg17 : memref<!tpu.dma_semaphore, #tpu.memory_space<semaphore_mem>>) src(%arg9 : memref<128x128xf32, #tpu.memory_space<vmem>>) dst(%dma_wait3A_49 : memref<128x128xf32, #tpu.memory_space<hbm>>)
    %dma_start3A_50 = arith.constant 4992 : i32
    %dma_start3A_51 = tpu.memref_slice %arg5[%dma_start3A_50] : memref<5000xi32, #tpu.memory_space<vmem>> -> memref<8xi32, #tpu.memory_space<vmem>>
    %dma_start3A_52 = arith.constant 0 : i32
    %dma_start3A_53 = arith.constant 0 : i32
    %dma_start3A_54 = tpu.memref_slice %arg2[%dma_start3A_52, %dma_start3A_53] : memref<10000x128xf32, #tpu.memory_space<hbm>> -> memref<10000x128xf32, #tpu.memory_space<hbm>>
    tpu.enqueue_indirect_dma source(%dma_start3A_54 : memref<10000x128xf32, #tpu.memory_space<hbm>>) target(%arg18 : memref<8x128xf32, #tpu.memory_space<vmem>>) offsets(%dma_start3A_51 : memref<8xi32, #tpu.memory_space<vmem>>) semaphore(%arg19 : memref<!tpu.dma_semaphore, #tpu.memory_space<semaphore_mem>>)
    %dma_wait3A_55 = arith.constant 4992 : i32
    %dma_wait3A_56 = tpu.memref_slice %arg5[%dma_wait3A_55] : memref<5000xi32, #tpu.memory_space<vmem>> -> memref<8xi32, #tpu.memory_space<vmem>>
    %dma_wait3A_57 = arith.constant 0 : i32
    %dma_wait3A_58 = arith.constant 0 : i32
    %dma_wait3A_59 = tpu.memref_slice %arg2[%dma_wait3A_57, %dma_wait3A_58] : memref<10000x128xf32, #tpu.memory_space<hbm>> -> memref<10000x128xf32, #tpu.memory_space<hbm>>
    tpu.wait_indirect_dma semaphore(%arg19 : memref<!tpu.dma_semaphore, #tpu.memory_space<semaphore_mem>>) src(%dma_wait3A_59 : memref<10000x128xf32, #tpu.memory_space<hbm>>) dst(%arg18 : memref<8x128xf32, #tpu.memory_space<vmem>>)
    %add3A_60 = arith.constant 4992 : i32
    %add3A_61 = arith.addi %mul3A_2, %add3A_60 : i32
    "tpu.region"() ({
      %run_scoped3A = tpu.sem_alloc : memref<!tpu.dma_semaphore, #tpu.memory_space<semaphore_mem>>
      %dma_start3A_62 = arith.constant 0 : i32
      %dma_start3A_63 = tpu.memref_slice %arg4[%add3A_61, %dma_start3A_62] : memref<160000x128xf32, #tpu.memory_space<hbm>> -> memref<8x128xf32, #tpu.memory_space<hbm>>
      %dma_start3A_64 = arith.constant 0 : i32
      %dma_start3A_65 = tpu.memref_slice %arg4[%add3A_61, %dma_start3A_64] : memref<160000x128xf32, #tpu.memory_space<hbm>> -> memref<8x128xf32, #tpu.memory_space<hbm>>
      tpu.enqueue_dma source(%arg18 : memref<8x128xf32, #tpu.memory_space<vmem>>) target(%dma_start3A_65 : memref<8x128xf32, #tpu.memory_space<hbm>>) target_semaphore(%run_scoped3A : memref<!tpu.dma_semaphore, #tpu.memory_space<semaphore_mem>>)
      %dma_wait3A_66 = arith.constant 0 : i32
      %dma_wait3A_67 = tpu.memref_slice %arg4[%add3A_61, %dma_wait3A_66] : memref<160000x128xf32, #tpu.memory_space<hbm>> -> memref<8x128xf32, #tpu.memory_space<hbm>>
      %dma_wait3A_68 = arith.constant 0 : i32
      %dma_wait3A_69 = tpu.memref_slice %arg4[%add3A_61, %dma_wait3A_68] : memref<160000x128xf32, #tpu.memory_space<hbm>> -> memref<8x128xf32, #tpu.memory_space<hbm>>
      tpu.wait_dma2 semaphore(%run_scoped3A : memref<!tpu.dma_semaphore, #tpu.memory_space<semaphore_mem>>) src(%arg18 : memref<8x128xf32, #tpu.memory_space<vmem>>) dst(%dma_wait3A_69 : memref<8x128xf32, #tpu.memory_space<hbm>>)
      tpu.yield
    }) : () -> ()
    return
  }
}

#map = affine_map<(d0, d1) -> (0, 0)>
#map1 = affine_map<(d0, d1) -> (0)>
module attributes {stable_mosaic.version = 14 : i64} {
  func.func @body(%arg0: i32, %arg1: i32, %arg2: memref<10000x128xf32, #tpu.memory_space<hbm>>, %arg3: memref<1024xi32, #tpu.memory_space<hbm>>, %arg4: memref<1024x128xf32, #tpu.memory_space<hbm>>, %arg5: memref<32xi32, #tpu.memory_space<vmem>>, %arg6: memref<32x128xf32, #tpu.memory_space<vmem>>, %arg7: memref<!tpu.dma_semaphore, #tpu.memory_space<semaphore_mem>>, %arg8: memref<!tpu.dma_semaphore, #tpu.memory_space<semaphore_mem>>) attributes {dimension_semantics = [#tpu.dimension_semantics<core_parallel>, #tpu.dimension_semantics<subcore_parallel>], iteration_bounds = array<i64: 2, 16>, scalar_prefetch = 0 : i64, scratch_operands = 4 : i64, tpu.core_type = #tpu.core_type<sc_vector_subcore>, window_params = [{transform_indices = #map}, {transform_indices = #map1}, {transform_indices = #map}]} {
    %mul3A = arith.constant 2 : i32
    %mul3A_0 = arith.muli %arg1, %mul3A : i32
    %add3A = arith.addi %mul3A_0, %arg0 : i32
    %mul3A_1 = arith.constant 32 : i32
    %mul3A_2 = arith.muli %add3A, %mul3A_1 : i32
    "tpu.region"() ({
      %run_scoped3A = tpu.sem_alloc : memref<!tpu.dma_semaphore, #tpu.memory_space<semaphore_mem>>
      %dma_start3A_20 = tpu.memref_slice %arg3[%mul3A_2] : memref<1024xi32, #tpu.memory_space<hbm>> -> memref<32xi32, #tpu.memory_space<hbm>>
      %dma_start3A_21 = tpu.memref_slice %arg3[%mul3A_2] : memref<1024xi32, #tpu.memory_space<hbm>> -> memref<32xi32, #tpu.memory_space<hbm>>
      tpu.enqueue_dma source(%dma_start3A_21 : memref<32xi32, #tpu.memory_space<hbm>>) target(%arg5 : memref<32xi32, #tpu.memory_space<vmem>>) target_semaphore(%run_scoped3A : memref<!tpu.dma_semaphore, #tpu.memory_space<semaphore_mem>>)
      %dma_wait3A_22 = tpu.memref_slice %arg3[%mul3A_2] : memref<1024xi32, #tpu.memory_space<hbm>> -> memref<32xi32, #tpu.memory_space<hbm>>
      %dma_wait3A_23 = tpu.memref_slice %arg3[%mul3A_2] : memref<1024xi32, #tpu.memory_space<hbm>> -> memref<32xi32, #tpu.memory_space<hbm>>
      tpu.wait_dma2 semaphore(%run_scoped3A : memref<!tpu.dma_semaphore, #tpu.memory_space<semaphore_mem>>) src(%dma_wait3A_23 : memref<32xi32, #tpu.memory_space<hbm>>) dst(%arg5 : memref<32xi32, #tpu.memory_space<vmem>>)
      tpu.yield
    }) : () -> ()
    %dma_start3A = arith.constant 0 : i32
    %dma_start3A_3 = tpu.memref_slice %arg5[%dma_start3A] : memref<32xi32, #tpu.memory_space<vmem>> -> memref<32xi32, #tpu.memory_space<vmem>>
    %dma_start3A_4 = arith.constant 0 : i32
    %dma_start3A_5 = arith.constant 0 : i32
    %dma_start3A_6 = tpu.memref_slice %arg2[%dma_start3A_4, %dma_start3A_5] : memref<10000x128xf32, #tpu.memory_space<hbm>> -> memref<10000x128xf32, #tpu.memory_space<hbm>>
    tpu.enqueue_indirect_dma source(%dma_start3A_6 : memref<10000x128xf32, #tpu.memory_space<hbm>>) target(%arg6 : memref<32x128xf32, #tpu.memory_space<vmem>>) offsets(%dma_start3A_3 : memref<32xi32, #tpu.memory_space<vmem>>) semaphore(%arg7 : memref<!tpu.dma_semaphore, #tpu.memory_space<semaphore_mem>>)
    %scan3A = arith.constant 0 : i32
    %scan3A_7 = arith.constant 0 : i32
    %mul3A_8 = arith.constant 1 : i32
    %mul3A_9 = arith.muli %scan3A_7, %mul3A_8 : i32
    %add3A_10 = arith.constant 0 : i32
    %add3A_11 = arith.addi %mul3A_9, %add3A_10 : i32
    %lt3A = arith.constant 1 : i32
    %lt3A_12 = arith.cmpi slt, %add3A_11, %lt3A : i32
    %convert_element_type3A = arith.extui %lt3A_12 : i1 to i32
    %cond3A = arith.constant 0 : i32
    %cond3A_13 = arith.cmpi ne, %convert_element_type3A, %cond3A : i32
    scf.if %cond3A_13 {
      %mul3A_20 = arith.constant 32 : i32
      %mul3A_21 = arith.muli %add3A_11, %mul3A_20 : i32
      %dma_wait3A_22 = tpu.memref_slice %arg5[%mul3A_21] : memref<32xi32, #tpu.memory_space<vmem>> -> memref<32xi32, #tpu.memory_space<vmem>>
      %dma_wait3A_23 = arith.constant 0 : i32
      %dma_wait3A_24 = arith.constant 0 : i32
      %dma_wait3A_25 = tpu.memref_slice %arg2[%dma_wait3A_23, %dma_wait3A_24] : memref<10000x128xf32, #tpu.memory_space<hbm>> -> memref<10000x128xf32, #tpu.memory_space<hbm>>
      tpu.wait_indirect_dma semaphore(%arg7 : memref<!tpu.dma_semaphore, #tpu.memory_space<semaphore_mem>>) src(%dma_wait3A_25 : memref<10000x128xf32, #tpu.memory_space<hbm>>) dst(%arg6 : memref<32x128xf32, #tpu.memory_space<vmem>>)
      %mul3A_26 = arith.constant 32 : i32
      %mul3A_27 = arith.muli %add3A_11, %mul3A_26 : i32
      %add3A_28 = arith.addi %mul3A_2, %mul3A_27 : i32
      %dma_start3A_29 = arith.constant 0 : i32
      %dma_start3A_30 = tpu.memref_slice %arg4[%add3A_28, %dma_start3A_29] : memref<1024x128xf32, #tpu.memory_space<hbm>> -> memref<32x128xf32, #tpu.memory_space<hbm>>
      %dma_start3A_31 = arith.constant 0 : i32
      %dma_start3A_32 = tpu.memref_slice %arg4[%add3A_28, %dma_start3A_31] : memref<1024x128xf32, #tpu.memory_space<hbm>> -> memref<32x128xf32, #tpu.memory_space<hbm>>
      tpu.enqueue_dma source(%arg6 : memref<32x128xf32, #tpu.memory_space<vmem>>) target(%dma_start3A_32 : memref<32x128xf32, #tpu.memory_space<hbm>>) target_semaphore(%arg8 : memref<!tpu.dma_semaphore, #tpu.memory_space<semaphore_mem>>)
      %add3A_33 = arith.constant 1 : i32
      %add3A_34 = arith.addi %add3A_11, %add3A_33 : i32
      %lt3A_35 = arith.constant 1 : i32
      %lt3A_36 = arith.cmpi slt, %add3A_34, %lt3A_35 : i32
      %convert_element_type3A_37 = arith.extui %lt3A_36 : i1 to i32
      %cond3A_38 = arith.constant 0 : i32
      %cond3A_39 = arith.cmpi ne, %convert_element_type3A_37, %cond3A_38 : i32
      scf.if %cond3A_39 {
        %mul3A_40 = arith.constant 32 : i32
        %mul3A_41 = arith.muli %add3A_11, %mul3A_40 : i32
        %add3A_42 = arith.addi %mul3A_2, %mul3A_41 : i32
        %dma_wait3A_43 = arith.constant 0 : i32
        %dma_wait3A_44 = tpu.memref_slice %arg4[%add3A_42, %dma_wait3A_43] : memref<1024x128xf32, #tpu.memory_space<hbm>> -> memref<32x128xf32, #tpu.memory_space<hbm>>
        %dma_wait3A_45 = arith.constant 0 : i32
        %dma_wait3A_46 = tpu.memref_slice %arg4[%add3A_42, %dma_wait3A_45] : memref<1024x128xf32, #tpu.memory_space<hbm>> -> memref<32x128xf32, #tpu.memory_space<hbm>>
        tpu.wait_dma2 semaphore(%arg8 : memref<!tpu.dma_semaphore, #tpu.memory_space<semaphore_mem>>) src(%arg6 : memref<32x128xf32, #tpu.memory_space<vmem>>) dst(%dma_wait3A_46 : memref<32x128xf32, #tpu.memory_space<hbm>>)
        %mul3A_47 = arith.constant 32 : i32
        %mul3A_48 = arith.muli %add3A_34, %mul3A_47 : i32
        %dma_start3A_49 = tpu.memref_slice %arg5[%mul3A_48] : memref<32xi32, #tpu.memory_space<vmem>> -> memref<32xi32, #tpu.memory_space<vmem>>
        %dma_start3A_50 = arith.constant 0 : i32
        %dma_start3A_51 = arith.constant 0 : i32
        %dma_start3A_52 = tpu.memref_slice %arg2[%dma_start3A_50, %dma_start3A_51] : memref<10000x128xf32, #tpu.memory_space<hbm>> -> memref<10000x128xf32, #tpu.memory_space<hbm>>
        tpu.enqueue_indirect_dma source(%dma_start3A_52 : memref<10000x128xf32, #tpu.memory_space<hbm>>) target(%arg6 : memref<32x128xf32, #tpu.memory_space<vmem>>) offsets(%dma_start3A_49 : memref<32xi32, #tpu.memory_space<vmem>>) semaphore(%arg7 : memref<!tpu.dma_semaphore, #tpu.memory_space<semaphore_mem>>)
      } else {
      }
    } else {
    }
    %scan3A_14 = arith.constant 1 : i32
    %add3A_15 = arith.constant 0 : i32
    %add3A_16 = arith.addi %mul3A_2, %add3A_15 : i32
    %dma_wait3A = arith.constant 0 : i32
    %dma_wait3A_17 = tpu.memref_slice %arg4[%add3A_16, %dma_wait3A] : memref<1024x128xf32, #tpu.memory_space<hbm>> -> memref<32x128xf32, #tpu.memory_space<hbm>>
    %dma_wait3A_18 = arith.constant 0 : i32
    %dma_wait3A_19 = tpu.memref_slice %arg4[%add3A_16, %dma_wait3A_18] : memref<1024x128xf32, #tpu.memory_space<hbm>> -> memref<32x128xf32, #tpu.memory_space<hbm>>
    tpu.wait_dma2 semaphore(%arg8 : memref<!tpu.dma_semaphore, #tpu.memory_space<semaphore_mem>>) src(%arg6 : memref<32x128xf32, #tpu.memory_space<vmem>>) dst(%dma_wait3A_19 : memref<32x128xf32, #tpu.memory_space<hbm>>)
    return
  }
}

#map = affine_map<(d0, d1) -> (0, 0)>
#map1 = affine_map<(d0, d1) -> (0)>
module attributes {stable_mosaic.version = 14 : i64} {
  func.func @body(%arg0: i32, %arg1: i32, %arg2: memref<10000x128xf32, #tpu.memory_space<hbm>>, %arg3: memref<160000xi32, #tpu.memory_space<hbm>>, %arg4: memref<160000x128xf32, #tpu.memory_space<hbm>>, %arg5: memref<5000xi32, #tpu.memory_space<vmem>>, %arg6: memref<128x128xf32, #tpu.memory_space<vmem>>, %arg7: memref<128x128xf32, #tpu.memory_space<vmem>>, %arg8: memref<128x128xf32, #tpu.memory_space<vmem>>, %arg9: memref<128x128xf32, #tpu.memory_space<vmem>>, %arg10: memref<!tpu.dma_semaphore, #tpu.memory_space<semaphore_mem>>, %arg11: memref<!tpu.dma_semaphore, #tpu.memory_space<semaphore_mem>>, %arg12: memref<!tpu.dma_semaphore, #tpu.memory_space<semaphore_mem>>, %arg13: memref<!tpu.dma_semaphore, #tpu.memory_space<semaphore_mem>>, %arg14: memref<!tpu.dma_semaphore, #tpu.memory_space<semaphore_mem>>, %arg15: memref<!tpu.dma_semaphore, #tpu.memory_space<semaphore_mem>>, %arg16: memref<!tpu.dma_semaphore, #tpu.memory_space<semaphore_mem>>, %arg17: memref<!tpu.dma_semaphore, #tpu.memory_space<semaphore_mem>>, %arg18: memref<8x128xf32, #tpu.memory_space<vmem>>, %arg19: memref<!tpu.dma_semaphore, #tpu.memory_space<semaphore_mem>>) attributes {dimension_semantics = [#tpu.dimension_semantics<core_parallel>, #tpu.dimension_semantics<subcore_parallel>], iteration_bounds = array<i64: 2, 16>, scalar_prefetch = 0 : i64, scratch_operands = 15 : i64, tpu.core_type = #tpu.core_type<sc_vector_subcore>, window_params = [{transform_indices = #map}, {transform_indices = #map1}, {transform_indices = #map}]} {
    %mul3A = arith.constant 2 : i32
    %mul3A_0 = arith.muli %arg1, %mul3A : i32
    %add3A = arith.addi %mul3A_0, %arg0 : i32
    %mul3A_1 = arith.constant 5000 : i32
    %mul3A_2 = arith.muli %add3A, %mul3A_1 : i32
    "tpu.region"() ({
      %run_scoped3A = tpu.sem_alloc : memref<!tpu.dma_semaphore, #tpu.memory_space<semaphore_mem>>
      %dma_start3A_62 = tpu.memref_slice %arg3[%mul3A_2] : memref<160000xi32, #tpu.memory_space<hbm>> -> memref<5000xi32, #tpu.memory_space<hbm>>
      %dma_start3A_63 = tpu.memref_slice %arg3[%mul3A_2] : memref<160000xi32, #tpu.memory_space<hbm>> -> memref<5000xi32, #tpu.memory_space<hbm>>
      tpu.enqueue_dma source(%dma_start3A_63 : memref<5000xi32, #tpu.memory_space<hbm>>) target(%arg5 : memref<5000xi32, #tpu.memory_space<vmem>>) target_semaphore(%run_scoped3A : memref<!tpu.dma_semaphore, #tpu.memory_space<semaphore_mem>>)
      %dma_wait3A_64 = tpu.memref_slice %arg3[%mul3A_2] : memref<160000xi32, #tpu.memory_space<hbm>> -> memref<5000xi32, #tpu.memory_space<hbm>>
      %dma_wait3A_65 = tpu.memref_slice %arg3[%mul3A_2] : memref<160000xi32, #tpu.memory_space<hbm>> -> memref<5000xi32, #tpu.memory_space<hbm>>
      tpu.wait_dma2 semaphore(%run_scoped3A : memref<!tpu.dma_semaphore, #tpu.memory_space<semaphore_mem>>) src(%dma_wait3A_65 : memref<5000xi32, #tpu.memory_space<hbm>>) dst(%arg5 : memref<5000xi32, #tpu.memory_space<vmem>>)
      tpu.yield
    }) : () -> ()
    %dma_start3A = arith.constant 0 : i32
    %dma_start3A_3 = tpu.memref_slice %arg5[%dma_start3A] : memref<5000xi32, #tpu.memory_space<vmem>> -> memref<128xi32, #tpu.memory_space<vmem>>
    %dma_start3A_4 = arith.constant 0 : i32
    %dma_start3A_5 = arith.constant 0 : i32
    %dma_start3A_6 = tpu.memref_slice %arg2[%dma_start3A_4, %dma_start3A_5] : memref<10000x128xf32, #tpu.memory_space<hbm>> -> memref<10000x128xf32, #tpu.memory_space<hbm>>
    tpu.enqueue_indirect_dma source(%dma_start3A_6 : memref<10000x128xf32, #tpu.memory_space<hbm>>) target(%arg6 : memref<128x128xf32, #tpu.memory_space<vmem>>) offsets(%dma_start3A_3 : memref<128xi32, #tpu.memory_space<vmem>>) semaphore(%arg10 : memref<!tpu.dma_semaphore, #tpu.memory_space<semaphore_mem>>)
    %dma_start3A_7 = arith.constant 128 : i32
    %dma_start3A_8 = tpu.memref_slice %arg5[%dma_start3A_7] : memref<5000xi32, #tpu.memory_space<vmem>> -> memref<128xi32, #tpu.memory_space<vmem>>
    %dma_start3A_9 = arith.constant 0 : i32
    %dma_start3A_10 = arith.constant 0 : i32
    %dma_start3A_11 = tpu.memref_slice %arg2[%dma_start3A_9, %dma_start3A_10] : memref<10000x128xf32, #tpu.memory_space<hbm>> -> memref<10000x128xf32, #tpu.memory_space<hbm>>
    tpu.enqueue_indirect_dma source(%dma_start3A_11 : memref<10000x128xf32, #tpu.memory_space<hbm>>) target(%arg7 : memref<128x128xf32, #tpu.memory_space<vmem>>) offsets(%dma_start3A_8 : memref<128xi32, #tpu.memory_space<vmem>>) semaphore(%arg11 : memref<!tpu.dma_semaphore, #tpu.memory_space<semaphore_mem>>)
    %dma_start3A_12 = arith.constant 256 : i32
    %dma_start3A_13 = tpu.memref_slice %arg5[%dma_start3A_12] : memref<5000xi32, #tpu.memory_space<vmem>> -> memref<128xi32, #tpu.memory_space<vmem>>
    %dma_start3A_14 = arith.constant 0 : i32
    %dma_start3A_15 = arith.constant 0 : i32
    %dma_start3A_16 = tpu.memref_slice %arg2[%dma_start3A_14, %dma_start3A_15] : memref<10000x128xf32, #tpu.memory_space<hbm>> -> memref<10000x128xf32, #tpu.memory_space<hbm>>
    tpu.enqueue_indirect_dma source(%dma_start3A_16 : memref<10000x128xf32, #tpu.memory_space<hbm>>) target(%arg8 : memref<128x128xf32, #tpu.memory_space<vmem>>) offsets(%dma_start3A_13 : memref<128xi32, #tpu.memory_space<vmem>>) semaphore(%arg12 : memref<!tpu.dma_semaphore, #tpu.memory_space<semaphore_mem>>)
    %dma_start3A_17 = arith.constant 384 : i32
    %dma_start3A_18 = tpu.memref_slice %arg5[%dma_start3A_17] : memref<5000xi32, #tpu.memory_space<vmem>> -> memref<128xi32, #tpu.memory_space<vmem>>
    %dma_start3A_19 = arith.constant 0 : i32
    %dma_start3A_20 = arith.constant 0 : i32
    %dma_start3A_21 = tpu.memref_slice %arg2[%dma_start3A_19, %dma_start3A_20] : memref<10000x128xf32, #tpu.memory_space<hbm>> -> memref<10000x128xf32, #tpu.memory_space<hbm>>
    tpu.enqueue_indirect_dma source(%dma_start3A_21 : memref<10000x128xf32, #tpu.memory_space<hbm>>) target(%arg9 : memref<128x128xf32, #tpu.memory_space<vmem>>) offsets(%dma_start3A_18 : memref<128xi32, #tpu.memory_space<vmem>>) semaphore(%arg13 : memref<!tpu.dma_semaphore, #tpu.memory_space<semaphore_mem>>)
    %scan3A = arith.constant 0 : i32
    %scan3A_22 = arith.constant 0 : i32
    %scan3A_23 = arith.constant 10 : i32
    %scan3A_24 = arith.addi %scan3A_22, %scan3A_23 : i32
    %scan3A_25 = arith.constant 1 : i32
    scf.for %scan3A_62 = %scan3A_22 to %scan3A_24 step %scan3A_25  : i32 {
      %mul3A_63 = arith.constant 4 : i32
      %mul3A_64 = arith.muli %scan3A_62, %mul3A_63 : i32
      %add3A_65 = arith.constant 0 : i32
      %add3A_66 = arith.addi %mul3A_64, %add3A_65 : i32
      %lt3A = arith.constant 39 : i32
      %lt3A_67 = arith.cmpi slt, %add3A_66, %lt3A : i32
      %convert_element_type3A = arith.extui %lt3A_67 : i1 to i32
      %cond3A = arith.constant 0 : i32
      %cond3A_68 = arith.cmpi ne, %convert_element_type3A, %cond3A : i32
      scf.if %cond3A_68 {
        %mul3A_96 = arith.constant 128 : i32
        %mul3A_97 = arith.muli %add3A_66, %mul3A_96 : i32
        %dma_wait3A_98 = tpu.memref_slice %arg5[%mul3A_97] : memref<5000xi32, #tpu.memory_space<vmem>> -> memref<128xi32, #tpu.memory_space<vmem>>
        %dma_wait3A_99 = arith.constant 0 : i32
        %dma_wait3A_100 = arith.constant 0 : i32
        %dma_wait3A_101 = tpu.memref_slice %arg2[%dma_wait3A_99, %dma_wait3A_100] : memref<10000x128xf32, #tpu.memory_space<hbm>> -> memref<10000x128xf32, #tpu.memory_space<hbm>>
        tpu.wait_indirect_dma semaphore(%arg10 : memref<!tpu.dma_semaphore, #tpu.memory_space<semaphore_mem>>) src(%dma_wait3A_101 : memref<10000x128xf32, #tpu.memory_space<hbm>>) dst(%arg6 : memref<128x128xf32, #tpu.memory_space<vmem>>)
        %mul3A_102 = arith.constant 128 : i32
        %mul3A_103 = arith.muli %add3A_66, %mul3A_102 : i32
        %add3A_104 = arith.addi %mul3A_2, %mul3A_103 : i32
        %dma_start3A_105 = arith.constant 0 : i32
        %dma_start3A_106 = tpu.memref_slice %arg4[%add3A_104, %dma_start3A_105] : memref<160000x128xf32, #tpu.memory_space<hbm>> -> memref<128x128xf32, #tpu.memory_space<hbm>>
        %dma_start3A_107 = arith.constant 0 : i32
        %dma_start3A_108 = tpu.memref_slice %arg4[%add3A_104, %dma_start3A_107] : memref<160000x128xf32, #tpu.memory_space<hbm>> -> memref<128x128xf32, #tpu.memory_space<hbm>>
        tpu.enqueue_dma source(%arg6 : memref<128x128xf32, #tpu.memory_space<vmem>>) target(%dma_start3A_108 : memref<128x128xf32, #tpu.memory_space<hbm>>) target_semaphore(%arg14 : memref<!tpu.dma_semaphore, #tpu.memory_space<semaphore_mem>>)
        %add3A_109 = arith.constant 4 : i32
        %add3A_110 = arith.addi %add3A_66, %add3A_109 : i32
        %lt3A_111 = arith.constant 39 : i32
        %lt3A_112 = arith.cmpi slt, %add3A_110, %lt3A_111 : i32
        %convert_element_type3A_113 = arith.extui %lt3A_112 : i1 to i32
        %cond3A_114 = arith.constant 0 : i32
        %cond3A_115 = arith.cmpi ne, %convert_element_type3A_113, %cond3A_114 : i32
        scf.if %cond3A_115 {
          %mul3A_116 = arith.constant 128 : i32
          %mul3A_117 = arith.muli %add3A_66, %mul3A_116 : i32
          %add3A_118 = arith.addi %mul3A_2, %mul3A_117 : i32
          %dma_wait3A_119 = arith.constant 0 : i32
          %dma_wait3A_120 = tpu.memref_slice %arg4[%add3A_118, %dma_wait3A_119] : memref<160000x128xf32, #tpu.memory_space<hbm>> -> memref<128x128xf32, #tpu.memory_space<hbm>>
          %dma_wait3A_121 = arith.constant 0 : i32
          %dma_wait3A_122 = tpu.memref_slice %arg4[%add3A_118, %dma_wait3A_121] : memref<160000x128xf32, #tpu.memory_space<hbm>> -> memref<128x128xf32, #tpu.memory_space<hbm>>
          tpu.wait_dma2 semaphore(%arg14 : memref<!tpu.dma_semaphore, #tpu.memory_space<semaphore_mem>>) src(%arg6 : memref<128x128xf32, #tpu.memory_space<vmem>>) dst(%dma_wait3A_122 : memref<128x128xf32, #tpu.memory_space<hbm>>)
          %mul3A_123 = arith.constant 128 : i32
          %mul3A_124 = arith.muli %add3A_110, %mul3A_123 : i32
          %dma_start3A_125 = tpu.memref_slice %arg5[%mul3A_124] : memref<5000xi32, #tpu.memory_space<vmem>> -> memref<128xi32, #tpu.memory_space<vmem>>
          %dma_start3A_126 = arith.constant 0 : i32
          %dma_start3A_127 = arith.constant 0 : i32
          %dma_start3A_128 = tpu.memref_slice %arg2[%dma_start3A_126, %dma_start3A_127] : memref<10000x128xf32, #tpu.memory_space<hbm>> -> memref<10000x128xf32, #tpu.memory_space<hbm>>
          tpu.enqueue_indirect_dma source(%dma_start3A_128 : memref<10000x128xf32, #tpu.memory_space<hbm>>) target(%arg6 : memref<128x128xf32, #tpu.memory_space<vmem>>) offsets(%dma_start3A_125 : memref<128xi32, #tpu.memory_space<vmem>>) semaphore(%arg10 : memref<!tpu.dma_semaphore, #tpu.memory_space<semaphore_mem>>)
        } else {
        }
      } else {
      }
      %mul3A_69 = arith.constant 4 : i32
      %mul3A_70 = arith.muli %scan3A_62, %mul3A_69 : i32
      %add3A_71 = arith.constant 1 : i32
      %add3A_72 = arith.addi %mul3A_70, %add3A_71 : i32
      %lt3A_73 = arith.constant 39 : i32
      %lt3A_74 = arith.cmpi slt, %add3A_72, %lt3A_73 : i32
      %convert_element_type3A_75 = arith.extui %lt3A_74 : i1 to i32
      %cond3A_76 = arith.constant 0 : i32
      %cond3A_77 = arith.cmpi ne, %convert_element_type3A_75, %cond3A_76 : i32
      scf.if %cond3A_77 {
        %mul3A_96 = arith.constant 128 : i32
        %mul3A_97 = arith.muli %add3A_72, %mul3A_96 : i32
        %dma_wait3A_98 = tpu.memref_slice %arg5[%mul3A_97] : memref<5000xi32, #tpu.memory_space<vmem>> -> memref<128xi32, #tpu.memory_space<vmem>>
        %dma_wait3A_99 = arith.constant 0 : i32
        %dma_wait3A_100 = arith.constant 0 : i32
        %dma_wait3A_101 = tpu.memref_slice %arg2[%dma_wait3A_99, %dma_wait3A_100] : memref<10000x128xf32, #tpu.memory_space<hbm>> -> memref<10000x128xf32, #tpu.memory_space<hbm>>
        tpu.wait_indirect_dma semaphore(%arg11 : memref<!tpu.dma_semaphore, #tpu.memory_space<semaphore_mem>>) src(%dma_wait3A_101 : memref<10000x128xf32, #tpu.memory_space<hbm>>) dst(%arg7 : memref<128x128xf32, #tpu.memory_space<vmem>>)
        %mul3A_102 = arith.constant 128 : i32
        %mul3A_103 = arith.muli %add3A_72, %mul3A_102 : i32
        %add3A_104 = arith.addi %mul3A_2, %mul3A_103 : i32
        %dma_start3A_105 = arith.constant 0 : i32
        %dma_start3A_106 = tpu.memref_slice %arg4[%add3A_104, %dma_start3A_105] : memref<160000x128xf32, #tpu.memory_space<hbm>> -> memref<128x128xf32, #tpu.memory_space<hbm>>
        %dma_start3A_107 = arith.constant 0 : i32
        %dma_start3A_108 = tpu.memref_slice %arg4[%add3A_104, %dma_start3A_107] : memref<160000x128xf32, #tpu.memory_space<hbm>> -> memref<128x128xf32, #tpu.memory_space<hbm>>
        tpu.enqueue_dma source(%arg7 : memref<128x128xf32, #tpu.memory_space<vmem>>) target(%dma_start3A_108 : memref<128x128xf32, #tpu.memory_space<hbm>>) target_semaphore(%arg15 : memref<!tpu.dma_semaphore, #tpu.memory_space<semaphore_mem>>)
        %add3A_109 = arith.constant 4 : i32
        %add3A_110 = arith.addi %add3A_72, %add3A_109 : i32
        %lt3A_111 = arith.constant 39 : i32
        %lt3A_112 = arith.cmpi slt, %add3A_110, %lt3A_111 : i32
        %convert_element_type3A_113 = arith.extui %lt3A_112 : i1 to i32
        %cond3A_114 = arith.constant 0 : i32
        %cond3A_115 = arith.cmpi ne, %convert_element_type3A_113, %cond3A_114 : i32
        scf.if %cond3A_115 {
          %mul3A_116 = arith.constant 128 : i32
          %mul3A_117 = arith.muli %add3A_72, %mul3A_116 : i32
          %add3A_118 = arith.addi %mul3A_2, %mul3A_117 : i32
          %dma_wait3A_119 = arith.constant 0 : i32
          %dma_wait3A_120 = tpu.memref_slice %arg4[%add3A_118, %dma_wait3A_119] : memref<160000x128xf32, #tpu.memory_space<hbm>> -> memref<128x128xf32, #tpu.memory_space<hbm>>
          %dma_wait3A_121 = arith.constant 0 : i32
          %dma_wait3A_122 = tpu.memref_slice %arg4[%add3A_118, %dma_wait3A_121] : memref<160000x128xf32, #tpu.memory_space<hbm>> -> memref<128x128xf32, #tpu.memory_space<hbm>>
          tpu.wait_dma2 semaphore(%arg15 : memref<!tpu.dma_semaphore, #tpu.memory_space<semaphore_mem>>) src(%arg7 : memref<128x128xf32, #tpu.memory_space<vmem>>) dst(%dma_wait3A_122 : memref<128x128xf32, #tpu.memory_space<hbm>>)
          %mul3A_123 = arith.constant 128 : i32
          %mul3A_124 = arith.muli %add3A_110, %mul3A_123 : i32
          %dma_start3A_125 = tpu.memref_slice %arg5[%mul3A_124] : memref<5000xi32, #tpu.memory_space<vmem>> -> memref<128xi32, #tpu.memory_space<vmem>>
          %dma_start3A_126 = arith.constant 0 : i32
          %dma_start3A_127 = arith.constant 0 : i32
          %dma_start3A_128 = tpu.memref_slice %arg2[%dma_start3A_126, %dma_start3A_127] : memref<10000x128xf32, #tpu.memory_space<hbm>> -> memref<10000x128xf32, #tpu.memory_space<hbm>>
          tpu.enqueue_indirect_dma source(%dma_start3A_128 : memref<10000x128xf32, #tpu.memory_space<hbm>>) target(%arg7 : memref<128x128xf32, #tpu.memory_space<vmem>>) offsets(%dma_start3A_125 : memref<128xi32, #tpu.memory_space<vmem>>) semaphore(%arg11 : memref<!tpu.dma_semaphore, #tpu.memory_space<semaphore_mem>>)
        } else {
        }
      } else {
      }
      %mul3A_78 = arith.constant 4 : i32
      %mul3A_79 = arith.muli %scan3A_62, %mul3A_78 : i32
      %add3A_80 = arith.constant 2 : i32
      %add3A_81 = arith.addi %mul3A_79, %add3A_80 : i32
      %lt3A_82 = arith.constant 39 : i32
      %lt3A_83 = arith.cmpi slt, %add3A_81, %lt3A_82 : i32
      %convert_element_type3A_84 = arith.extui %lt3A_83 : i1 to i32
      %cond3A_85 = arith.constant 0 : i32
      %cond3A_86 = arith.cmpi ne, %convert_element_type3A_84, %cond3A_85 : i32
      scf.if %cond3A_86 {
        %mul3A_96 = arith.constant 128 : i32
        %mul3A_97 = arith.muli %add3A_81, %mul3A_96 : i32
        %dma_wait3A_98 = tpu.memref_slice %arg5[%mul3A_97] : memref<5000xi32, #tpu.memory_space<vmem>> -> memref<128xi32, #tpu.memory_space<vmem>>
        %dma_wait3A_99 = arith.constant 0 : i32
        %dma_wait3A_100 = arith.constant 0 : i32
        %dma_wait3A_101 = tpu.memref_slice %arg2[%dma_wait3A_99, %dma_wait3A_100] : memref<10000x128xf32, #tpu.memory_space<hbm>> -> memref<10000x128xf32, #tpu.memory_space<hbm>>
        tpu.wait_indirect_dma semaphore(%arg12 : memref<!tpu.dma_semaphore, #tpu.memory_space<semaphore_mem>>) src(%dma_wait3A_101 : memref<10000x128xf32, #tpu.memory_space<hbm>>) dst(%arg8 : memref<128x128xf32, #tpu.memory_space<vmem>>)
        %mul3A_102 = arith.constant 128 : i32
        %mul3A_103 = arith.muli %add3A_81, %mul3A_102 : i32
        %add3A_104 = arith.addi %mul3A_2, %mul3A_103 : i32
        %dma_start3A_105 = arith.constant 0 : i32
        %dma_start3A_106 = tpu.memref_slice %arg4[%add3A_104, %dma_start3A_105] : memref<160000x128xf32, #tpu.memory_space<hbm>> -> memref<128x128xf32, #tpu.memory_space<hbm>>
        %dma_start3A_107 = arith.constant 0 : i32
        %dma_start3A_108 = tpu.memref_slice %arg4[%add3A_104, %dma_start3A_107] : memref<160000x128xf32, #tpu.memory_space<hbm>> -> memref<128x128xf32, #tpu.memory_space<hbm>>
        tpu.enqueue_dma source(%arg8 : memref<128x128xf32, #tpu.memory_space<vmem>>) target(%dma_start3A_108 : memref<128x128xf32, #tpu.memory_space<hbm>>) target_semaphore(%arg16 : memref<!tpu.dma_semaphore, #tpu.memory_space<semaphore_mem>>)
        %add3A_109 = arith.constant 4 : i32
        %add3A_110 = arith.addi %add3A_81, %add3A_109 : i32
        %lt3A_111 = arith.constant 39 : i32
        %lt3A_112 = arith.cmpi slt, %add3A_110, %lt3A_111 : i32
        %convert_element_type3A_113 = arith.extui %lt3A_112 : i1 to i32
        %cond3A_114 = arith.constant 0 : i32
        %cond3A_115 = arith.cmpi ne, %convert_element_type3A_113, %cond3A_114 : i32
        scf.if %cond3A_115 {
          %mul3A_116 = arith.constant 128 : i32
          %mul3A_117 = arith.muli %add3A_81, %mul3A_116 : i32
          %add3A_118 = arith.addi %mul3A_2, %mul3A_117 : i32
          %dma_wait3A_119 = arith.constant 0 : i32
          %dma_wait3A_120 = tpu.memref_slice %arg4[%add3A_118, %dma_wait3A_119] : memref<160000x128xf32, #tpu.memory_space<hbm>> -> memref<128x128xf32, #tpu.memory_space<hbm>>
          %dma_wait3A_121 = arith.constant 0 : i32
          %dma_wait3A_122 = tpu.memref_slice %arg4[%add3A_118, %dma_wait3A_121] : memref<160000x128xf32, #tpu.memory_space<hbm>> -> memref<128x128xf32, #tpu.memory_space<hbm>>
          tpu.wait_dma2 semaphore(%arg16 : memref<!tpu.dma_semaphore, #tpu.memory_space<semaphore_mem>>) src(%arg8 : memref<128x128xf32, #tpu.memory_space<vmem>>) dst(%dma_wait3A_122 : memref<128x128xf32, #tpu.memory_space<hbm>>)
          %mul3A_123 = arith.constant 128 : i32
          %mul3A_124 = arith.muli %add3A_110, %mul3A_123 : i32
          %dma_start3A_125 = tpu.memref_slice %arg5[%mul3A_124] : memref<5000xi32, #tpu.memory_space<vmem>> -> memref<128xi32, #tpu.memory_space<vmem>>
          %dma_start3A_126 = arith.constant 0 : i32
          %dma_start3A_127 = arith.constant 0 : i32
          %dma_start3A_128 = tpu.memref_slice %arg2[%dma_start3A_126, %dma_start3A_127] : memref<10000x128xf32, #tpu.memory_space<hbm>> -> memref<10000x128xf32, #tpu.memory_space<hbm>>
          tpu.enqueue_indirect_dma source(%dma_start3A_128 : memref<10000x128xf32, #tpu.memory_space<hbm>>) target(%arg8 : memref<128x128xf32, #tpu.memory_space<vmem>>) offsets(%dma_start3A_125 : memref<128xi32, #tpu.memory_space<vmem>>) semaphore(%arg12 : memref<!tpu.dma_semaphore, #tpu.memory_space<semaphore_mem>>)
        } else {
        }
      } else {
      }
      %mul3A_87 = arith.constant 4 : i32
      %mul3A_88 = arith.muli %scan3A_62, %mul3A_87 : i32
      %add3A_89 = arith.constant 3 : i32
      %add3A_90 = arith.addi %mul3A_88, %add3A_89 : i32
      %lt3A_91 = arith.constant 39 : i32
      %lt3A_92 = arith.cmpi slt, %add3A_90, %lt3A_91 : i32
      %convert_element_type3A_93 = arith.extui %lt3A_92 : i1 to i32
      %cond3A_94 = arith.constant 0 : i32
      %cond3A_95 = arith.cmpi ne, %convert_element_type3A_93, %cond3A_94 : i32
      scf.if %cond3A_95 {
        %mul3A_96 = arith.constant 128 : i32
        %mul3A_97 = arith.muli %add3A_90, %mul3A_96 : i32
        %dma_wait3A_98 = tpu.memref_slice %arg5[%mul3A_97] : memref<5000xi32, #tpu.memory_space<vmem>> -> memref<128xi32, #tpu.memory_space<vmem>>
        %dma_wait3A_99 = arith.constant 0 : i32
        %dma_wait3A_100 = arith.constant 0 : i32
        %dma_wait3A_101 = tpu.memref_slice %arg2[%dma_wait3A_99, %dma_wait3A_100] : memref<10000x128xf32, #tpu.memory_space<hbm>> -> memref<10000x128xf32, #tpu.memory_space<hbm>>
        tpu.wait_indirect_dma semaphore(%arg13 : memref<!tpu.dma_semaphore, #tpu.memory_space<semaphore_mem>>) src(%dma_wait3A_101 : memref<10000x128xf32, #tpu.memory_space<hbm>>) dst(%arg9 : memref<128x128xf32, #tpu.memory_space<vmem>>)
        %mul3A_102 = arith.constant 128 : i32
        %mul3A_103 = arith.muli %add3A_90, %mul3A_102 : i32
        %add3A_104 = arith.addi %mul3A_2, %mul3A_103 : i32
        %dma_start3A_105 = arith.constant 0 : i32
        %dma_start3A_106 = tpu.memref_slice %arg4[%add3A_104, %dma_start3A_105] : memref<160000x128xf32, #tpu.memory_space<hbm>> -> memref<128x128xf32, #tpu.memory_space<hbm>>
        %dma_start3A_107 = arith.constant 0 : i32
        %dma_start3A_108 = tpu.memref_slice %arg4[%add3A_104, %dma_start3A_107] : memref<160000x128xf32, #tpu.memory_space<hbm>> -> memref<128x128xf32, #tpu.memory_space<hbm>>
        tpu.enqueue_dma source(%arg9 : memref<128x128xf32, #tpu.memory_space<vmem>>) target(%dma_start3A_108 : memref<128x128xf32, #tpu.memory_space<hbm>>) target_semaphore(%arg17 : memref<!tpu.dma_semaphore, #tpu.memory_space<semaphore_mem>>)
        %add3A_109 = arith.constant 4 : i32
        %add3A_110 = arith.addi %add3A_90, %add3A_109 : i32
        %lt3A_111 = arith.constant 39 : i32
        %lt3A_112 = arith.cmpi slt, %add3A_110, %lt3A_111 : i32
        %convert_element_type3A_113 = arith.extui %lt3A_112 : i1 to i32
        %cond3A_114 = arith.constant 0 : i32
        %cond3A_115 = arith.cmpi ne, %convert_element_type3A_113, %cond3A_114 : i32
        scf.if %cond3A_115 {
          %mul3A_116 = arith.constant 128 : i32
          %mul3A_117 = arith.muli %add3A_90, %mul3A_116 : i32
          %add3A_118 = arith.addi %mul3A_2, %mul3A_117 : i32
          %dma_wait3A_119 = arith.constant 0 : i32
          %dma_wait3A_120 = tpu.memref_slice %arg4[%add3A_118, %dma_wait3A_119] : memref<160000x128xf32, #tpu.memory_space<hbm>> -> memref<128x128xf32, #tpu.memory_space<hbm>>
          %dma_wait3A_121 = arith.constant 0 : i32
          %dma_wait3A_122 = tpu.memref_slice %arg4[%add3A_118, %dma_wait3A_121] : memref<160000x128xf32, #tpu.memory_space<hbm>> -> memref<128x128xf32, #tpu.memory_space<hbm>>
          tpu.wait_dma2 semaphore(%arg17 : memref<!tpu.dma_semaphore, #tpu.memory_space<semaphore_mem>>) src(%arg9 : memref<128x128xf32, #tpu.memory_space<vmem>>) dst(%dma_wait3A_122 : memref<128x128xf32, #tpu.memory_space<hbm>>)
          %mul3A_123 = arith.constant 128 : i32
          %mul3A_124 = arith.muli %add3A_110, %mul3A_123 : i32
          %dma_start3A_125 = tpu.memref_slice %arg5[%mul3A_124] : memref<5000xi32, #tpu.memory_space<vmem>> -> memref<128xi32, #tpu.memory_space<vmem>>
          %dma_start3A_126 = arith.constant 0 : i32
          %dma_start3A_127 = arith.constant 0 : i32
          %dma_start3A_128 = tpu.memref_slice %arg2[%dma_start3A_126, %dma_start3A_127] : memref<10000x128xf32, #tpu.memory_space<hbm>> -> memref<10000x128xf32, #tpu.memory_space<hbm>>
          tpu.enqueue_indirect_dma source(%dma_start3A_128 : memref<10000x128xf32, #tpu.memory_space<hbm>>) target(%arg9 : memref<128x128xf32, #tpu.memory_space<vmem>>) offsets(%dma_start3A_125 : memref<128xi32, #tpu.memory_space<vmem>>) semaphore(%arg13 : memref<!tpu.dma_semaphore, #tpu.memory_space<semaphore_mem>>)
        } else {
        }
      } else {
      }
    }
    %scan3A_26 = arith.constant 10 : i32
    %add3A_27 = arith.constant 4608 : i32
    %add3A_28 = arith.addi %mul3A_2, %add3A_27 : i32
    %dma_wait3A = arith.constant 0 : i32
    %dma_wait3A_29 = tpu.memref_slice %arg4[%add3A_28, %dma_wait3A] : memref<160000x128xf32, #tpu.memory_space<hbm>> -> memref<128x128xf32, #tpu.memory_space<hbm>>
    %dma_wait3A_30 = arith.constant 0 : i32
    %dma_wait3A_31 = tpu.memref_slice %arg4[%add3A_28, %dma_wait3A_30] : memref<160000x128xf32, #tpu.memory_space<hbm>> -> memref<128x128xf32, #tpu.memory_space<hbm>>
    tpu.wait_dma2 semaphore(%arg14 : memref<!tpu.dma_semaphore, #tpu.memory_space<semaphore_mem>>) src(%arg6 : memref<128x128xf32, #tpu.memory_space<vmem>>) dst(%dma_wait3A_31 : memref<128x128xf32, #tpu.memory_space<hbm>>)
    %add3A_32 = arith.constant 4736 : i32
    %add3A_33 = arith.addi %mul3A_2, %add3A_32 : i32
    %dma_wait3A_34 = arith.constant 0 : i32
    %dma_wait3A_35 = tpu.memref_slice %arg4[%add3A_33, %dma_wait3A_34] : memref<160000x128xf32, #tpu.memory_space<hbm>> -> memref<128x128xf32, #tpu.memory_space<hbm>>
    %dma_wait3A_36 = arith.constant 0 : i32
    %dma_wait3A_37 = tpu.memref_slice %arg4[%add3A_33, %dma_wait3A_36] : memref<160000x128xf32, #tpu.memory_space<hbm>> -> memref<128x128xf32, #tpu.memory_space<hbm>>
    tpu.wait_dma2 semaphore(%arg15 : memref<!tpu.dma_semaphore, #tpu.memory_space<semaphore_mem>>) src(%arg7 : memref<128x128xf32, #tpu.memory_space<vmem>>) dst(%dma_wait3A_37 : memref<128x128xf32, #tpu.memory_space<hbm>>)
    %add3A_38 = arith.constant 4864 : i32
    %add3A_39 = arith.addi %mul3A_2, %add3A_38 : i32
    %dma_wait3A_40 = arith.constant 0 : i32
    %dma_wait3A_41 = tpu.memref_slice %arg4[%add3A_39, %dma_wait3A_40] : memref<160000x128xf32, #tpu.memory_space<hbm>> -> memref<128x128xf32, #tpu.memory_space<hbm>>
    %dma_wait3A_42 = arith.constant 0 : i32
    %dma_wait3A_43 = tpu.memref_slice %arg4[%add3A_39, %dma_wait3A_42] : memref<160000x128xf32, #tpu.memory_space<hbm>> -> memref<128x128xf32, #tpu.memory_space<hbm>>
    tpu.wait_dma2 semaphore(%arg16 : memref<!tpu.dma_semaphore, #tpu.memory_space<semaphore_mem>>) src(%arg8 : memref<128x128xf32, #tpu.memory_space<vmem>>) dst(%dma_wait3A_43 : memref<128x128xf32, #tpu.memory_space<hbm>>)
    %add3A_44 = arith.constant 4480 : i32
    %add3A_45 = arith.addi %mul3A_2, %add3A_44 : i32
    %dma_wait3A_46 = arith.constant 0 : i32
    %dma_wait3A_47 = tpu.memref_slice %arg4[%add3A_45, %dma_wait3A_46] : memref<160000x128xf32, #tpu.memory_space<hbm>> -> memref<128x128xf32, #tpu.memory_space<hbm>>
    %dma_wait3A_48 = arith.constant 0 : i32
    %dma_wait3A_49 = tpu.memref_slice %arg4[%add3A_45, %dma_wait3A_48] : memref<160000x128xf32, #tpu.memory_space<hbm>> -> memref<128x128xf32, #tpu.memory_space<hbm>>
    tpu.wait_dma2 semaphore(%arg17 : memref<!tpu.dma_semaphore, #tpu.memory_space<semaphore_mem>>) src(%arg9 : memref<128x128xf32, #tpu.memory_space<vmem>>) dst(%dma_wait3A_49 : memref<128x128xf32, #tpu.memory_space<hbm>>)
    %dma_start3A_50 = arith.constant 4992 : i32
    %dma_start3A_51 = tpu.memref_slice %arg5[%dma_start3A_50] : memref<5000xi32, #tpu.memory_space<vmem>> -> memref<8xi32, #tpu.memory_space<vmem>>
    %dma_start3A_52 = arith.constant 0 : i32
    %dma_start3A_53 = arith.constant 0 : i32
    %dma_start3A_54 = tpu.memref_slice %arg2[%dma_start3A_52, %dma_start3A_53] : memref<10000x128xf32, #tpu.memory_space<hbm>> -> memref<10000x128xf32, #tpu.memory_space<hbm>>
    tpu.enqueue_indirect_dma source(%dma_start3A_54 : memref<10000x128xf32, #tpu.memory_space<hbm>>) target(%arg18 : memref<8x128xf32, #tpu.memory_space<vmem>>) offsets(%dma_start3A_51 : memref<8xi32, #tpu.memory_space<vmem>>) semaphore(%arg19 : memref<!tpu.dma_semaphore, #tpu.memory_space<semaphore_mem>>)
    %dma_wait3A_55 = arith.constant 4992 : i32
    %dma_wait3A_56 = tpu.memref_slice %arg5[%dma_wait3A_55] : memref<5000xi32, #tpu.memory_space<vmem>> -> memref<8xi32, #tpu.memory_space<vmem>>
    %dma_wait3A_57 = arith.constant 0 : i32
    %dma_wait3A_58 = arith.constant 0 : i32
    %dma_wait3A_59 = tpu.memref_slice %arg2[%dma_wait3A_57, %dma_wait3A_58] : memref<10000x128xf32, #tpu.memory_space<hbm>> -> memref<10000x128xf32, #tpu.memory_space<hbm>>
    tpu.wait_indirect_dma semaphore(%arg19 : memref<!tpu.dma_semaphore, #tpu.memory_space<semaphore_mem>>) src(%dma_wait3A_59 : memref<10000x128xf32, #tpu.memory_space<hbm>>) dst(%arg18 : memref<8x128xf32, #tpu.memory_space<vmem>>)
    %add3A_60 = arith.constant 4992 : i32
    %add3A_61 = arith.addi %mul3A_2, %add3A_60 : i32
    "tpu.region"() ({
      %run_scoped3A = tpu.sem_alloc : memref<!tpu.dma_semaphore, #tpu.memory_space<semaphore_mem>>
      %dma_start3A_62 = arith.constant 0 : i32
      %dma_start3A_63 = tpu.memref_slice %arg4[%add3A_61, %dma_start3A_62] : memref<160000x128xf32, #tpu.memory_space<hbm>> -> memref<8x128xf32, #tpu.memory_space<hbm>>
      %dma_start3A_64 = arith.constant 0 : i32
      %dma_start3A_65 = tpu.memref_slice %arg4[%add3A_61, %dma_start3A_64] : memref<160000x128xf32, #tpu.memory_space<hbm>> -> memref<8x128xf32, #tpu.memory_space<hbm>>
      tpu.enqueue_dma source(%arg18 : memref<8x128xf32, #tpu.memory_space<vmem>>) target(%dma_start3A_65 : memref<8x128xf32, #tpu.memory_space<hbm>>) target_semaphore(%run_scoped3A : memref<!tpu.dma_semaphore, #tpu.memory_space<semaphore_mem>>)
      %dma_wait3A_66 = arith.constant 0 : i32
      %dma_wait3A_67 = tpu.memref_slice %arg4[%add3A_61, %dma_wait3A_66] : memref<160000x128xf32, #tpu.memory_space<hbm>> -> memref<8x128xf32, #tpu.memory_space<hbm>>
      %dma_wait3A_68 = arith.constant 0 : i32
      %dma_wait3A_69 = tpu.memref_slice %arg4[%add3A_61, %dma_wait3A_68] : memref<160000x128xf32, #tpu.memory_space<hbm>> -> memref<8x128xf32, #tpu.memory_space<hbm>>
      tpu.wait_dma2 semaphore(%run_scoped3A : memref<!tpu.dma_semaphore, #tpu.memory_space<semaphore_mem>>) src(%arg18 : memref<8x128xf32, #tpu.memory_space<vmem>>) dst(%dma_wait3A_69 : memref<8x128xf32, #tpu.memory_space<hbm>>)
      tpu.yield
    }) : () -> ()
    return
  }
}

#map = affine_map<(d0, d1) -> (0, 0)>
#map1 = affine_map<(d0, d1) -> (0)>
module attributes {stable_mosaic.version = 14 : i64} {
  func.func @body(%arg0: i32, %arg1: i32, %arg2: memref<10000x128xf32, #tpu.memory_space<hbm>>, %arg3: memref<160000xi32, #tpu.memory_space<hbm>>, %arg4: memref<160000x128xf32, #tpu.memory_space<hbm>>, %arg5: memref<5000xi32, #tpu.memory_space<vmem>>, %arg6: memref<128x128xf32, #tpu.memory_space<vmem>>, %arg7: memref<128x128xf32, #tpu.memory_space<vmem>>, %arg8: memref<128x128xf32, #tpu.memory_space<vmem>>, %arg9: memref<128x128xf32, #tpu.memory_space<vmem>>, %arg10: memref<!tpu.dma_semaphore, #tpu.memory_space<semaphore_mem>>, %arg11: memref<!tpu.dma_semaphore, #tpu.memory_space<semaphore_mem>>, %arg12: memref<!tpu.dma_semaphore, #tpu.memory_space<semaphore_mem>>, %arg13: memref<!tpu.dma_semaphore, #tpu.memory_space<semaphore_mem>>, %arg14: memref<!tpu.dma_semaphore, #tpu.memory_space<semaphore_mem>>, %arg15: memref<!tpu.dma_semaphore, #tpu.memory_space<semaphore_mem>>, %arg16: memref<!tpu.dma_semaphore, #tpu.memory_space<semaphore_mem>>, %arg17: memref<!tpu.dma_semaphore, #tpu.memory_space<semaphore_mem>>, %arg18: memref<8x128xf32, #tpu.memory_space<vmem>>, %arg19: memref<!tpu.dma_semaphore, #tpu.memory_space<semaphore_mem>>) attributes {dimension_semantics = [#tpu.dimension_semantics<core_parallel>, #tpu.dimension_semantics<subcore_parallel>], iteration_bounds = array<i64: 2, 16>, scalar_prefetch = 0 : i64, scratch_operands = 15 : i64, tpu.core_type = #tpu.core_type<sc_vector_subcore>, window_params = [{transform_indices = #map}, {transform_indices = #map1}, {transform_indices = #map}]} {
    %mul3A = arith.constant 2 : i32
    %mul3A_0 = arith.muli %arg1, %mul3A : i32
    %add3A = arith.addi %mul3A_0, %arg0 : i32
    %mul3A_1 = arith.constant 5000 : i32
    %mul3A_2 = arith.muli %add3A, %mul3A_1 : i32
    "tpu.region"() ({
      %run_scoped3A = tpu.sem_alloc : memref<!tpu.dma_semaphore, #tpu.memory_space<semaphore_mem>>
      %dma_start3A_62 = tpu.memref_slice %arg3[%mul3A_2] : memref<160000xi32, #tpu.memory_space<hbm>> -> memref<5000xi32, #tpu.memory_space<hbm>>
      %dma_start3A_63 = tpu.memref_slice %arg3[%mul3A_2] : memref<160000xi32, #tpu.memory_space<hbm>> -> memref<5000xi32, #tpu.memory_space<hbm>>
      tpu.enqueue_dma source(%dma_start3A_63 : memref<5000xi32, #tpu.memory_space<hbm>>) target(%arg5 : memref<5000xi32, #tpu.memory_space<vmem>>) target_semaphore(%run_scoped3A : memref<!tpu.dma_semaphore, #tpu.memory_space<semaphore_mem>>)
      %dma_wait3A_64 = tpu.memref_slice %arg3[%mul3A_2] : memref<160000xi32, #tpu.memory_space<hbm>> -> memref<5000xi32, #tpu.memory_space<hbm>>
      %dma_wait3A_65 = tpu.memref_slice %arg3[%mul3A_2] : memref<160000xi32, #tpu.memory_space<hbm>> -> memref<5000xi32, #tpu.memory_space<hbm>>
      tpu.wait_dma2 semaphore(%run_scoped3A : memref<!tpu.dma_semaphore, #tpu.memory_space<semaphore_mem>>) src(%dma_wait3A_65 : memref<5000xi32, #tpu.memory_space<hbm>>) dst(%arg5 : memref<5000xi32, #tpu.memory_space<vmem>>)
      tpu.yield
    }) : () -> ()
    %dma_start3A = arith.constant 0 : i32
    %dma_start3A_3 = tpu.memref_slice %arg5[%dma_start3A] : memref<5000xi32, #tpu.memory_space<vmem>> -> memref<128xi32, #tpu.memory_space<vmem>>
    %dma_start3A_4 = arith.constant 0 : i32
    %dma_start3A_5 = arith.constant 0 : i32
    %dma_start3A_6 = tpu.memref_slice %arg2[%dma_start3A_4, %dma_start3A_5] : memref<10000x128xf32, #tpu.memory_space<hbm>> -> memref<10000x128xf32, #tpu.memory_space<hbm>>
    tpu.enqueue_indirect_dma source(%dma_start3A_6 : memref<10000x128xf32, #tpu.memory_space<hbm>>) target(%arg6 : memref<128x128xf32, #tpu.memory_space<vmem>>) offsets(%dma_start3A_3 : memref<128xi32, #tpu.memory_space<vmem>>) semaphore(%arg10 : memref<!tpu.dma_semaphore, #tpu.memory_space<semaphore_mem>>)
    %dma_start3A_7 = arith.constant 128 : i32
    %dma_start3A_8 = tpu.memref_slice %arg5[%dma_start3A_7] : memref<5000xi32, #tpu.memory_space<vmem>> -> memref<128xi32, #tpu.memory_space<vmem>>
    %dma_start3A_9 = arith.constant 0 : i32
    %dma_start3A_10 = arith.constant 0 : i32
    %dma_start3A_11 = tpu.memref_slice %arg2[%dma_start3A_9, %dma_start3A_10] : memref<10000x128xf32, #tpu.memory_space<hbm>> -> memref<10000x128xf32, #tpu.memory_space<hbm>>
    tpu.enqueue_indirect_dma source(%dma_start3A_11 : memref<10000x128xf32, #tpu.memory_space<hbm>>) target(%arg7 : memref<128x128xf32, #tpu.memory_space<vmem>>) offsets(%dma_start3A_8 : memref<128xi32, #tpu.memory_space<vmem>>) semaphore(%arg11 : memref<!tpu.dma_semaphore, #tpu.memory_space<semaphore_mem>>)
    %dma_start3A_12 = arith.constant 256 : i32
    %dma_start3A_13 = tpu.memref_slice %arg5[%dma_start3A_12] : memref<5000xi32, #tpu.memory_space<vmem>> -> memref<128xi32, #tpu.memory_space<vmem>>
    %dma_start3A_14 = arith.constant 0 : i32
    %dma_start3A_15 = arith.constant 0 : i32
    %dma_start3A_16 = tpu.memref_slice %arg2[%dma_start3A_14, %dma_start3A_15] : memref<10000x128xf32, #tpu.memory_space<hbm>> -> memref<10000x128xf32, #tpu.memory_space<hbm>>
    tpu.enqueue_indirect_dma source(%dma_start3A_16 : memref<10000x128xf32, #tpu.memory_space<hbm>>) target(%arg8 : memref<128x128xf32, #tpu.memory_space<vmem>>) offsets(%dma_start3A_13 : memref<128xi32, #tpu.memory_space<vmem>>) semaphore(%arg12 : memref<!tpu.dma_semaphore, #tpu.memory_space<semaphore_mem>>)
    %dma_start3A_17 = arith.constant 384 : i32
    %dma_start3A_18 = tpu.memref_slice %arg5[%dma_start3A_17] : memref<5000xi32, #tpu.memory_space<vmem>> -> memref<128xi32, #tpu.memory_space<vmem>>
    %dma_start3A_19 = arith.constant 0 : i32
    %dma_start3A_20 = arith.constant 0 : i32
    %dma_start3A_21 = tpu.memref_slice %arg2[%dma_start3A_19, %dma_start3A_20] : memref<10000x128xf32, #tpu.memory_space<hbm>> -> memref<10000x128xf32, #tpu.memory_space<hbm>>
    tpu.enqueue_indirect_dma source(%dma_start3A_21 : memref<10000x128xf32, #tpu.memory_space<hbm>>) target(%arg9 : memref<128x128xf32, #tpu.memory_space<vmem>>) offsets(%dma_start3A_18 : memref<128xi32, #tpu.memory_space<vmem>>) semaphore(%arg13 : memref<!tpu.dma_semaphore, #tpu.memory_space<semaphore_mem>>)
    %scan3A = arith.constant 0 : i32
    %scan3A_22 = arith.constant 0 : i32
    %scan3A_23 = arith.constant 10 : i32
    %scan3A_24 = arith.addi %scan3A_22, %scan3A_23 : i32
    %scan3A_25 = arith.constant 1 : i32
    scf.for %scan3A_62 = %scan3A_22 to %scan3A_24 step %scan3A_25  : i32 {
      %mul3A_63 = arith.constant 4 : i32
      %mul3A_64 = arith.muli %scan3A_62, %mul3A_63 : i32
      %add3A_65 = arith.constant 0 : i32
      %add3A_66 = arith.addi %mul3A_64, %add3A_65 : i32
      %lt3A = arith.constant 39 : i32
      %lt3A_67 = arith.cmpi slt, %add3A_66, %lt3A : i32
      %convert_element_type3A = arith.extui %lt3A_67 : i1 to i32
      %cond3A = arith.constant 0 : i32
      %cond3A_68 = arith.cmpi ne, %convert_element_type3A, %cond3A : i32
      scf.if %cond3A_68 {
        %mul3A_96 = arith.constant 128 : i32
        %mul3A_97 = arith.muli %add3A_66, %mul3A_96 : i32
        %dma_wait3A_98 = tpu.memref_slice %arg5[%mul3A_97] : memref<5000xi32, #tpu.memory_space<vmem>> -> memref<128xi32, #tpu.memory_space<vmem>>
        %dma_wait3A_99 = arith.constant 0 : i32
        %dma_wait3A_100 = arith.constant 0 : i32
        %dma_wait3A_101 = tpu.memref_slice %arg2[%dma_wait3A_99, %dma_wait3A_100] : memref<10000x128xf32, #tpu.memory_space<hbm>> -> memref<10000x128xf32, #tpu.memory_space<hbm>>
        tpu.wait_indirect_dma semaphore(%arg10 : memref<!tpu.dma_semaphore, #tpu.memory_space<semaphore_mem>>) src(%dma_wait3A_101 : memref<10000x128xf32, #tpu.memory_space<hbm>>) dst(%arg6 : memref<128x128xf32, #tpu.memory_space<vmem>>)
        %mul3A_102 = arith.constant 128 : i32
        %mul3A_103 = arith.muli %add3A_66, %mul3A_102 : i32
        %add3A_104 = arith.addi %mul3A_2, %mul3A_103 : i32
        %dma_start3A_105 = arith.constant 0 : i32
        %dma_start3A_106 = tpu.memref_slice %arg4[%add3A_104, %dma_start3A_105] : memref<160000x128xf32, #tpu.memory_space<hbm>> -> memref<128x128xf32, #tpu.memory_space<hbm>>
        %dma_start3A_107 = arith.constant 0 : i32
        %dma_start3A_108 = tpu.memref_slice %arg4[%add3A_104, %dma_start3A_107] : memref<160000x128xf32, #tpu.memory_space<hbm>> -> memref<128x128xf32, #tpu.memory_space<hbm>>
        tpu.enqueue_dma source(%arg6 : memref<128x128xf32, #tpu.memory_space<vmem>>) target(%dma_start3A_108 : memref<128x128xf32, #tpu.memory_space<hbm>>) target_semaphore(%arg14 : memref<!tpu.dma_semaphore, #tpu.memory_space<semaphore_mem>>)
        %add3A_109 = arith.constant 4 : i32
        %add3A_110 = arith.addi %add3A_66, %add3A_109 : i32
        %lt3A_111 = arith.constant 39 : i32
        %lt3A_112 = arith.cmpi slt, %add3A_110, %lt3A_111 : i32
        %convert_element_type3A_113 = arith.extui %lt3A_112 : i1 to i32
        %cond3A_114 = arith.constant 0 : i32
        %cond3A_115 = arith.cmpi ne, %convert_element_type3A_113, %cond3A_114 : i32
        scf.if %cond3A_115 {
          %mul3A_116 = arith.constant 128 : i32
          %mul3A_117 = arith.muli %add3A_66, %mul3A_116 : i32
          %add3A_118 = arith.addi %mul3A_2, %mul3A_117 : i32
          %dma_wait3A_119 = arith.constant 0 : i32
          %dma_wait3A_120 = tpu.memref_slice %arg4[%add3A_118, %dma_wait3A_119] : memref<160000x128xf32, #tpu.memory_space<hbm>> -> memref<128x128xf32, #tpu.memory_space<hbm>>
          %dma_wait3A_121 = arith.constant 0 : i32
          %dma_wait3A_122 = tpu.memref_slice %arg4[%add3A_118, %dma_wait3A_121] : memref<160000x128xf32, #tpu.memory_space<hbm>> -> memref<128x128xf32, #tpu.memory_space<hbm>>
          tpu.wait_dma2 semaphore(%arg14 : memref<!tpu.dma_semaphore, #tpu.memory_space<semaphore_mem>>) src(%arg6 : memref<128x128xf32, #tpu.memory_space<vmem>>) dst(%dma_wait3A_122 : memref<128x128xf32, #tpu.memory_space<hbm>>)
          %mul3A_123 = arith.constant 128 : i32
          %mul3A_124 = arith.muli %add3A_110, %mul3A_123 : i32
          %dma_start3A_125 = tpu.memref_slice %arg5[%mul3A_124] : memref<5000xi32, #tpu.memory_space<vmem>> -> memref<128xi32, #tpu.memory_space<vmem>>
          %dma_start3A_126 = arith.constant 0 : i32
          %dma_start3A_127 = arith.constant 0 : i32
          %dma_start3A_128 = tpu.memref_slice %arg2[%dma_start3A_126, %dma_start3A_127] : memref<10000x128xf32, #tpu.memory_space<hbm>> -> memref<10000x128xf32, #tpu.memory_space<hbm>>
          tpu.enqueue_indirect_dma source(%dma_start3A_128 : memref<10000x128xf32, #tpu.memory_space<hbm>>) target(%arg6 : memref<128x128xf32, #tpu.memory_space<vmem>>) offsets(%dma_start3A_125 : memref<128xi32, #tpu.memory_space<vmem>>) semaphore(%arg10 : memref<!tpu.dma_semaphore, #tpu.memory_space<semaphore_mem>>)
        } else {
        }
      } else {
      }
      %mul3A_69 = arith.constant 4 : i32
      %mul3A_70 = arith.muli %scan3A_62, %mul3A_69 : i32
      %add3A_71 = arith.constant 1 : i32
      %add3A_72 = arith.addi %mul3A_70, %add3A_71 : i32
      %lt3A_73 = arith.constant 39 : i32
      %lt3A_74 = arith.cmpi slt, %add3A_72, %lt3A_73 : i32
      %convert_element_type3A_75 = arith.extui %lt3A_74 : i1 to i32
      %cond3A_76 = arith.constant 0 : i32
      %cond3A_77 = arith.cmpi ne, %convert_element_type3A_75, %cond3A_76 : i32
      scf.if %cond3A_77 {
        %mul3A_96 = arith.constant 128 : i32
        %mul3A_97 = arith.muli %add3A_72, %mul3A_96 : i32
        %dma_wait3A_98 = tpu.memref_slice %arg5[%mul3A_97] : memref<5000xi32, #tpu.memory_space<vmem>> -> memref<128xi32, #tpu.memory_space<vmem>>
        %dma_wait3A_99 = arith.constant 0 : i32
        %dma_wait3A_100 = arith.constant 0 : i32
        %dma_wait3A_101 = tpu.memref_slice %arg2[%dma_wait3A_99, %dma_wait3A_100] : memref<10000x128xf32, #tpu.memory_space<hbm>> -> memref<10000x128xf32, #tpu.memory_space<hbm>>
        tpu.wait_indirect_dma semaphore(%arg11 : memref<!tpu.dma_semaphore, #tpu.memory_space<semaphore_mem>>) src(%dma_wait3A_101 : memref<10000x128xf32, #tpu.memory_space<hbm>>) dst(%arg7 : memref<128x128xf32, #tpu.memory_space<vmem>>)
        %mul3A_102 = arith.constant 128 : i32
        %mul3A_103 = arith.muli %add3A_72, %mul3A_102 : i32
        %add3A_104 = arith.addi %mul3A_2, %mul3A_103 : i32
        %dma_start3A_105 = arith.constant 0 : i32
        %dma_start3A_106 = tpu.memref_slice %arg4[%add3A_104, %dma_start3A_105] : memref<160000x128xf32, #tpu.memory_space<hbm>> -> memref<128x128xf32, #tpu.memory_space<hbm>>
        %dma_start3A_107 = arith.constant 0 : i32
        %dma_start3A_108 = tpu.memref_slice %arg4[%add3A_104, %dma_start3A_107] : memref<160000x128xf32, #tpu.memory_space<hbm>> -> memref<128x128xf32, #tpu.memory_space<hbm>>
        tpu.enqueue_dma source(%arg7 : memref<128x128xf32, #tpu.memory_space<vmem>>) target(%dma_start3A_108 : memref<128x128xf32, #tpu.memory_space<hbm>>) target_semaphore(%arg15 : memref<!tpu.dma_semaphore, #tpu.memory_space<semaphore_mem>>)
        %add3A_109 = arith.constant 4 : i32
        %add3A_110 = arith.addi %add3A_72, %add3A_109 : i32
        %lt3A_111 = arith.constant 39 : i32
        %lt3A_112 = arith.cmpi slt, %add3A_110, %lt3A_111 : i32
        %convert_element_type3A_113 = arith.extui %lt3A_112 : i1 to i32
        %cond3A_114 = arith.constant 0 : i32
        %cond3A_115 = arith.cmpi ne, %convert_element_type3A_113, %cond3A_114 : i32
        scf.if %cond3A_115 {
          %mul3A_116 = arith.constant 128 : i32
          %mul3A_117 = arith.muli %add3A_72, %mul3A_116 : i32
          %add3A_118 = arith.addi %mul3A_2, %mul3A_117 : i32
          %dma_wait3A_119 = arith.constant 0 : i32
          %dma_wait3A_120 = tpu.memref_slice %arg4[%add3A_118, %dma_wait3A_119] : memref<160000x128xf32, #tpu.memory_space<hbm>> -> memref<128x128xf32, #tpu.memory_space<hbm>>
          %dma_wait3A_121 = arith.constant 0 : i32
          %dma_wait3A_122 = tpu.memref_slice %arg4[%add3A_118, %dma_wait3A_121] : memref<160000x128xf32, #tpu.memory_space<hbm>> -> memref<128x128xf32, #tpu.memory_space<hbm>>
          tpu.wait_dma2 semaphore(%arg15 : memref<!tpu.dma_semaphore, #tpu.memory_space<semaphore_mem>>) src(%arg7 : memref<128x128xf32, #tpu.memory_space<vmem>>) dst(%dma_wait3A_122 : memref<128x128xf32, #tpu.memory_space<hbm>>)
          %mul3A_123 = arith.constant 128 : i32
          %mul3A_124 = arith.muli %add3A_110, %mul3A_123 : i32
          %dma_start3A_125 = tpu.memref_slice %arg5[%mul3A_124] : memref<5000xi32, #tpu.memory_space<vmem>> -> memref<128xi32, #tpu.memory_space<vmem>>
          %dma_start3A_126 = arith.constant 0 : i32
          %dma_start3A_127 = arith.constant 0 : i32
          %dma_start3A_128 = tpu.memref_slice %arg2[%dma_start3A_126, %dma_start3A_127] : memref<10000x128xf32, #tpu.memory_space<hbm>> -> memref<10000x128xf32, #tpu.memory_space<hbm>>
          tpu.enqueue_indirect_dma source(%dma_start3A_128 : memref<10000x128xf32, #tpu.memory_space<hbm>>) target(%arg7 : memref<128x128xf32, #tpu.memory_space<vmem>>) offsets(%dma_start3A_125 : memref<128xi32, #tpu.memory_space<vmem>>) semaphore(%arg11 : memref<!tpu.dma_semaphore, #tpu.memory_space<semaphore_mem>>)
        } else {
        }
      } else {
      }
      %mul3A_78 = arith.constant 4 : i32
      %mul3A_79 = arith.muli %scan3A_62, %mul3A_78 : i32
      %add3A_80 = arith.constant 2 : i32
      %add3A_81 = arith.addi %mul3A_79, %add3A_80 : i32
      %lt3A_82 = arith.constant 39 : i32
      %lt3A_83 = arith.cmpi slt, %add3A_81, %lt3A_82 : i32
      %convert_element_type3A_84 = arith.extui %lt3A_83 : i1 to i32
      %cond3A_85 = arith.constant 0 : i32
      %cond3A_86 = arith.cmpi ne, %convert_element_type3A_84, %cond3A_85 : i32
      scf.if %cond3A_86 {
        %mul3A_96 = arith.constant 128 : i32
        %mul3A_97 = arith.muli %add3A_81, %mul3A_96 : i32
        %dma_wait3A_98 = tpu.memref_slice %arg5[%mul3A_97] : memref<5000xi32, #tpu.memory_space<vmem>> -> memref<128xi32, #tpu.memory_space<vmem>>
        %dma_wait3A_99 = arith.constant 0 : i32
        %dma_wait3A_100 = arith.constant 0 : i32
        %dma_wait3A_101 = tpu.memref_slice %arg2[%dma_wait3A_99, %dma_wait3A_100] : memref<10000x128xf32, #tpu.memory_space<hbm>> -> memref<10000x128xf32, #tpu.memory_space<hbm>>
        tpu.wait_indirect_dma semaphore(%arg12 : memref<!tpu.dma_semaphore, #tpu.memory_space<semaphore_mem>>) src(%dma_wait3A_101 : memref<10000x128xf32, #tpu.memory_space<hbm>>) dst(%arg8 : memref<128x128xf32, #tpu.memory_space<vmem>>)
        %mul3A_102 = arith.constant 128 : i32
        %mul3A_103 = arith.muli %add3A_81, %mul3A_102 : i32
        %add3A_104 = arith.addi %mul3A_2, %mul3A_103 : i32
        %dma_start3A_105 = arith.constant 0 : i32
        %dma_start3A_106 = tpu.memref_slice %arg4[%add3A_104, %dma_start3A_105] : memref<160000x128xf32, #tpu.memory_space<hbm>> -> memref<128x128xf32, #tpu.memory_space<hbm>>
        %dma_start3A_107 = arith.constant 0 : i32
        %dma_start3A_108 = tpu.memref_slice %arg4[%add3A_104, %dma_start3A_107] : memref<160000x128xf32, #tpu.memory_space<hbm>> -> memref<128x128xf32, #tpu.memory_space<hbm>>
        tpu.enqueue_dma source(%arg8 : memref<128x128xf32, #tpu.memory_space<vmem>>) target(%dma_start3A_108 : memref<128x128xf32, #tpu.memory_space<hbm>>) target_semaphore(%arg16 : memref<!tpu.dma_semaphore, #tpu.memory_space<semaphore_mem>>)
        %add3A_109 = arith.constant 4 : i32
        %add3A_110 = arith.addi %add3A_81, %add3A_109 : i32
        %lt3A_111 = arith.constant 39 : i32
        %lt3A_112 = arith.cmpi slt, %add3A_110, %lt3A_111 : i32
        %convert_element_type3A_113 = arith.extui %lt3A_112 : i1 to i32
        %cond3A_114 = arith.constant 0 : i32
        %cond3A_115 = arith.cmpi ne, %convert_element_type3A_113, %cond3A_114 : i32
        scf.if %cond3A_115 {
          %mul3A_116 = arith.constant 128 : i32
          %mul3A_117 = arith.muli %add3A_81, %mul3A_116 : i32
          %add3A_118 = arith.addi %mul3A_2, %mul3A_117 : i32
          %dma_wait3A_119 = arith.constant 0 : i32
          %dma_wait3A_120 = tpu.memref_slice %arg4[%add3A_118, %dma_wait3A_119] : memref<160000x128xf32, #tpu.memory_space<hbm>> -> memref<128x128xf32, #tpu.memory_space<hbm>>
          %dma_wait3A_121 = arith.constant 0 : i32
          %dma_wait3A_122 = tpu.memref_slice %arg4[%add3A_118, %dma_wait3A_121] : memref<160000x128xf32, #tpu.memory_space<hbm>> -> memref<128x128xf32, #tpu.memory_space<hbm>>
          tpu.wait_dma2 semaphore(%arg16 : memref<!tpu.dma_semaphore, #tpu.memory_space<semaphore_mem>>) src(%arg8 : memref<128x128xf32, #tpu.memory_space<vmem>>) dst(%dma_wait3A_122 : memref<128x128xf32, #tpu.memory_space<hbm>>)
          %mul3A_123 = arith.constant 128 : i32
          %mul3A_124 = arith.muli %add3A_110, %mul3A_123 : i32
          %dma_start3A_125 = tpu.memref_slice %arg5[%mul3A_124] : memref<5000xi32, #tpu.memory_space<vmem>> -> memref<128xi32, #tpu.memory_space<vmem>>
          %dma_start3A_126 = arith.constant 0 : i32
          %dma_start3A_127 = arith.constant 0 : i32
          %dma_start3A_128 = tpu.memref_slice %arg2[%dma_start3A_126, %dma_start3A_127] : memref<10000x128xf32, #tpu.memory_space<hbm>> -> memref<10000x128xf32, #tpu.memory_space<hbm>>
          tpu.enqueue_indirect_dma source(%dma_start3A_128 : memref<10000x128xf32, #tpu.memory_space<hbm>>) target(%arg8 : memref<128x128xf32, #tpu.memory_space<vmem>>) offsets(%dma_start3A_125 : memref<128xi32, #tpu.memory_space<vmem>>) semaphore(%arg12 : memref<!tpu.dma_semaphore, #tpu.memory_space<semaphore_mem>>)
        } else {
        }
      } else {
      }
      %mul3A_87 = arith.constant 4 : i32
      %mul3A_88 = arith.muli %scan3A_62, %mul3A_87 : i32
      %add3A_89 = arith.constant 3 : i32
      %add3A_90 = arith.addi %mul3A_88, %add3A_89 : i32
      %lt3A_91 = arith.constant 39 : i32
      %lt3A_92 = arith.cmpi slt, %add3A_90, %lt3A_91 : i32
      %convert_element_type3A_93 = arith.extui %lt3A_92 : i1 to i32
      %cond3A_94 = arith.constant 0 : i32
      %cond3A_95 = arith.cmpi ne, %convert_element_type3A_93, %cond3A_94 : i32
      scf.if %cond3A_95 {
        %mul3A_96 = arith.constant 128 : i32
        %mul3A_97 = arith.muli %add3A_90, %mul3A_96 : i32
        %dma_wait3A_98 = tpu.memref_slice %arg5[%mul3A_97] : memref<5000xi32, #tpu.memory_space<vmem>> -> memref<128xi32, #tpu.memory_space<vmem>>
        %dma_wait3A_99 = arith.constant 0 : i32
        %dma_wait3A_100 = arith.constant 0 : i32
        %dma_wait3A_101 = tpu.memref_slice %arg2[%dma_wait3A_99, %dma_wait3A_100] : memref<10000x128xf32, #tpu.memory_space<hbm>> -> memref<10000x128xf32, #tpu.memory_space<hbm>>
        tpu.wait_indirect_dma semaphore(%arg13 : memref<!tpu.dma_semaphore, #tpu.memory_space<semaphore_mem>>) src(%dma_wait3A_101 : memref<10000x128xf32, #tpu.memory_space<hbm>>) dst(%arg9 : memref<128x128xf32, #tpu.memory_space<vmem>>)
        %mul3A_102 = arith.constant 128 : i32
        %mul3A_103 = arith.muli %add3A_90, %mul3A_102 : i32
        %add3A_104 = arith.addi %mul3A_2, %mul3A_103 : i32
        %dma_start3A_105 = arith.constant 0 : i32
        %dma_start3A_106 = tpu.memref_slice %arg4[%add3A_104, %dma_start3A_105] : memref<160000x128xf32, #tpu.memory_space<hbm>> -> memref<128x128xf32, #tpu.memory_space<hbm>>
        %dma_start3A_107 = arith.constant 0 : i32
        %dma_start3A_108 = tpu.memref_slice %arg4[%add3A_104, %dma_start3A_107] : memref<160000x128xf32, #tpu.memory_space<hbm>> -> memref<128x128xf32, #tpu.memory_space<hbm>>
        tpu.enqueue_dma source(%arg9 : memref<128x128xf32, #tpu.memory_space<vmem>>) target(%dma_start3A_108 : memref<128x128xf32, #tpu.memory_space<hbm>>) target_semaphore(%arg17 : memref<!tpu.dma_semaphore, #tpu.memory_space<semaphore_mem>>)
        %add3A_109 = arith.constant 4 : i32
        %add3A_110 = arith.addi %add3A_90, %add3A_109 : i32
        %lt3A_111 = arith.constant 39 : i32
        %lt3A_112 = arith.cmpi slt, %add3A_110, %lt3A_111 : i32
        %convert_element_type3A_113 = arith.extui %lt3A_112 : i1 to i32
        %cond3A_114 = arith.constant 0 : i32
        %cond3A_115 = arith.cmpi ne, %convert_element_type3A_113, %cond3A_114 : i32
        scf.if %cond3A_115 {
          %mul3A_116 = arith.constant 128 : i32
          %mul3A_117 = arith.muli %add3A_90, %mul3A_116 : i32
          %add3A_118 = arith.addi %mul3A_2, %mul3A_117 : i32
          %dma_wait3A_119 = arith.constant 0 : i32
          %dma_wait3A_120 = tpu.memref_slice %arg4[%add3A_118, %dma_wait3A_119] : memref<160000x128xf32, #tpu.memory_space<hbm>> -> memref<128x128xf32, #tpu.memory_space<hbm>>
          %dma_wait3A_121 = arith.constant 0 : i32
          %dma_wait3A_122 = tpu.memref_slice %arg4[%add3A_118, %dma_wait3A_121] : memref<160000x128xf32, #tpu.memory_space<hbm>> -> memref<128x128xf32, #tpu.memory_space<hbm>>
          tpu.wait_dma2 semaphore(%arg17 : memref<!tpu.dma_semaphore, #tpu.memory_space<semaphore_mem>>) src(%arg9 : memref<128x128xf32, #tpu.memory_space<vmem>>) dst(%dma_wait3A_122 : memref<128x128xf32, #tpu.memory_space<hbm>>)
          %mul3A_123 = arith.constant 128 : i32
          %mul3A_124 = arith.muli %add3A_110, %mul3A_123 : i32
          %dma_start3A_125 = tpu.memref_slice %arg5[%mul3A_124] : memref<5000xi32, #tpu.memory_space<vmem>> -> memref<128xi32, #tpu.memory_space<vmem>>
          %dma_start3A_126 = arith.constant 0 : i32
          %dma_start3A_127 = arith.constant 0 : i32
          %dma_start3A_128 = tpu.memref_slice %arg2[%dma_start3A_126, %dma_start3A_127] : memref<10000x128xf32, #tpu.memory_space<hbm>> -> memref<10000x128xf32, #tpu.memory_space<hbm>>
          tpu.enqueue_indirect_dma source(%dma_start3A_128 : memref<10000x128xf32, #tpu.memory_space<hbm>>) target(%arg9 : memref<128x128xf32, #tpu.memory_space<vmem>>) offsets(%dma_start3A_125 : memref<128xi32, #tpu.memory_space<vmem>>) semaphore(%arg13 : memref<!tpu.dma_semaphore, #tpu.memory_space<semaphore_mem>>)
        } else {
        }
      } else {
      }
    }
    %scan3A_26 = arith.constant 10 : i32
    %add3A_27 = arith.constant 4608 : i32
    %add3A_28 = arith.addi %mul3A_2, %add3A_27 : i32
    %dma_wait3A = arith.constant 0 : i32
    %dma_wait3A_29 = tpu.memref_slice %arg4[%add3A_28, %dma_wait3A] : memref<160000x128xf32, #tpu.memory_space<hbm>> -> memref<128x128xf32, #tpu.memory_space<hbm>>
    %dma_wait3A_30 = arith.constant 0 : i32
    %dma_wait3A_31 = tpu.memref_slice %arg4[%add3A_28, %dma_wait3A_30] : memref<160000x128xf32, #tpu.memory_space<hbm>> -> memref<128x128xf32, #tpu.memory_space<hbm>>
    tpu.wait_dma2 semaphore(%arg14 : memref<!tpu.dma_semaphore, #tpu.memory_space<semaphore_mem>>) src(%arg6 : memref<128x128xf32, #tpu.memory_space<vmem>>) dst(%dma_wait3A_31 : memref<128x128xf32, #tpu.memory_space<hbm>>)
    %add3A_32 = arith.constant 4736 : i32
    %add3A_33 = arith.addi %mul3A_2, %add3A_32 : i32
    %dma_wait3A_34 = arith.constant 0 : i32
    %dma_wait3A_35 = tpu.memref_slice %arg4[%add3A_33, %dma_wait3A_34] : memref<160000x128xf32, #tpu.memory_space<hbm>> -> memref<128x128xf32, #tpu.memory_space<hbm>>
    %dma_wait3A_36 = arith.constant 0 : i32
    %dma_wait3A_37 = tpu.memref_slice %arg4[%add3A_33, %dma_wait3A_36] : memref<160000x128xf32, #tpu.memory_space<hbm>> -> memref<128x128xf32, #tpu.memory_space<hbm>>
    tpu.wait_dma2 semaphore(%arg15 : memref<!tpu.dma_semaphore, #tpu.memory_space<semaphore_mem>>) src(%arg7 : memref<128x128xf32, #tpu.memory_space<vmem>>) dst(%dma_wait3A_37 : memref<128x128xf32, #tpu.memory_space<hbm>>)
    %add3A_38 = arith.constant 4864 : i32
    %add3A_39 = arith.addi %mul3A_2, %add3A_38 : i32
    %dma_wait3A_40 = arith.constant 0 : i32
    %dma_wait3A_41 = tpu.memref_slice %arg4[%add3A_39, %dma_wait3A_40] : memref<160000x128xf32, #tpu.memory_space<hbm>> -> memref<128x128xf32, #tpu.memory_space<hbm>>
    %dma_wait3A_42 = arith.constant 0 : i32
    %dma_wait3A_43 = tpu.memref_slice %arg4[%add3A_39, %dma_wait3A_42] : memref<160000x128xf32, #tpu.memory_space<hbm>> -> memref<128x128xf32, #tpu.memory_space<hbm>>
    tpu.wait_dma2 semaphore(%arg16 : memref<!tpu.dma_semaphore, #tpu.memory_space<semaphore_mem>>) src(%arg8 : memref<128x128xf32, #tpu.memory_space<vmem>>) dst(%dma_wait3A_43 : memref<128x128xf32, #tpu.memory_space<hbm>>)
    %add3A_44 = arith.constant 4480 : i32
    %add3A_45 = arith.addi %mul3A_2, %add3A_44 : i32
    %dma_wait3A_46 = arith.constant 0 : i32
    %dma_wait3A_47 = tpu.memref_slice %arg4[%add3A_45, %dma_wait3A_46] : memref<160000x128xf32, #tpu.memory_space<hbm>> -> memref<128x128xf32, #tpu.memory_space<hbm>>
    %dma_wait3A_48 = arith.constant 0 : i32
    %dma_wait3A_49 = tpu.memref_slice %arg4[%add3A_45, %dma_wait3A_48] : memref<160000x128xf32, #tpu.memory_space<hbm>> -> memref<128x128xf32, #tpu.memory_space<hbm>>
    tpu.wait_dma2 semaphore(%arg17 : memref<!tpu.dma_semaphore, #tpu.memory_space<semaphore_mem>>) src(%arg9 : memref<128x128xf32, #tpu.memory_space<vmem>>) dst(%dma_wait3A_49 : memref<128x128xf32, #tpu.memory_space<hbm>>)
    %dma_start3A_50 = arith.constant 4992 : i32
    %dma_start3A_51 = tpu.memref_slice %arg5[%dma_start3A_50] : memref<5000xi32, #tpu.memory_space<vmem>> -> memref<8xi32, #tpu.memory_space<vmem>>
    %dma_start3A_52 = arith.constant 0 : i32
    %dma_start3A_53 = arith.constant 0 : i32
    %dma_start3A_54 = tpu.memref_slice %arg2[%dma_start3A_52, %dma_start3A_53] : memref<10000x128xf32, #tpu.memory_space<hbm>> -> memref<10000x128xf32, #tpu.memory_space<hbm>>
    tpu.enqueue_indirect_dma source(%dma_start3A_54 : memref<10000x128xf32, #tpu.memory_space<hbm>>) target(%arg18 : memref<8x128xf32, #tpu.memory_space<vmem>>) offsets(%dma_start3A_51 : memref<8xi32, #tpu.memory_space<vmem>>) semaphore(%arg19 : memref<!tpu.dma_semaphore, #tpu.memory_space<semaphore_mem>>)
    %dma_wait3A_55 = arith.constant 4992 : i32
    %dma_wait3A_56 = tpu.memref_slice %arg5[%dma_wait3A_55] : memref<5000xi32, #tpu.memory_space<vmem>> -> memref<8xi32, #tpu.memory_space<vmem>>
    %dma_wait3A_57 = arith.constant 0 : i32
    %dma_wait3A_58 = arith.constant 0 : i32
    %dma_wait3A_59 = tpu.memref_slice %arg2[%dma_wait3A_57, %dma_wait3A_58] : memref<10000x128xf32, #tpu.memory_space<hbm>> -> memref<10000x128xf32, #tpu.memory_space<hbm>>
    tpu.wait_indirect_dma semaphore(%arg19 : memref<!tpu.dma_semaphore, #tpu.memory_space<semaphore_mem>>) src(%dma_wait3A_59 : memref<10000x128xf32, #tpu.memory_space<hbm>>) dst(%arg18 : memref<8x128xf32, #tpu.memory_space<vmem>>)
    %add3A_60 = arith.constant 4992 : i32
    %add3A_61 = arith.addi %mul3A_2, %add3A_60 : i32
    "tpu.region"() ({
      %run_scoped3A = tpu.sem_alloc : memref<!tpu.dma_semaphore, #tpu.memory_space<semaphore_mem>>
      %dma_start3A_62 = arith.constant 0 : i32
      %dma_start3A_63 = tpu.memref_slice %arg4[%add3A_61, %dma_start3A_62] : memref<160000x128xf32, #tpu.memory_space<hbm>> -> memref<8x128xf32, #tpu.memory_space<hbm>>
      %dma_start3A_64 = arith.constant 0 : i32
      %dma_start3A_65 = tpu.memref_slice %arg4[%add3A_61, %dma_start3A_64] : memref<160000x128xf32, #tpu.memory_space<hbm>> -> memref<8x128xf32, #tpu.memory_space<hbm>>
      tpu.enqueue_dma source(%arg18 : memref<8x128xf32, #tpu.memory_space<vmem>>) target(%dma_start3A_65 : memref<8x128xf32, #tpu.memory_space<hbm>>) target_semaphore(%run_scoped3A : memref<!tpu.dma_semaphore, #tpu.memory_space<semaphore_mem>>)
      %dma_wait3A_66 = arith.constant 0 : i32
      %dma_wait3A_67 = tpu.memref_slice %arg4[%add3A_61, %dma_wait3A_66] : memref<160000x128xf32, #tpu.memory_space<hbm>> -> memref<8x128xf32, #tpu.memory_space<hbm>>
      %dma_wait3A_68 = arith.constant 0 : i32
      %dma_wait3A_69 = tpu.memref_slice %arg4[%add3A_61, %dma_wait3A_68] : memref<160000x128xf32, #tpu.memory_space<hbm>> -> memref<8x128xf32, #tpu.memory_space<hbm>>
      tpu.wait_dma2 semaphore(%run_scoped3A : memref<!tpu.dma_semaphore, #tpu.memory_space<semaphore_mem>>) src(%arg18 : memref<8x128xf32, #tpu.memory_space<vmem>>) dst(%dma_wait3A_69 : memref<8x128xf32, #tpu.memory_space<hbm>>)
      tpu.yield
    }) : () -> ()
    return
  }
}

module attributes {stable_mosaic.version = 14 : i64} {
  func.func @_embed_body(%arg0: memref<10000x92xf32, #tpu.memory_space<vmem>>, %arg1: memref<92x64xf32, #tpu.memory_space<vmem>>, %arg2: memref<64x128xf32, #tpu.memory_space<vmem>>, %arg3: memref<1x128xf32, #tpu.memory_space<vmem>>, %arg4: memref<64x128xf32, #tpu.memory_space<vmem>>, %arg5: memref<10000x64xf32, #tpu.memory_space<vmem>>, %arg6: memref<10000x128xf32, #tpu.memory_space<vmem>>, %arg7: memref<10000x128xf32, #tpu.memory_space<vmem>>) attributes {dimension_semantics = [], scalar_prefetch = 0 : i64, scratch_operands = 0 : i64, tpu.core_type = #tpu.core_type<tc>} {
    %get3A = arith.constant 0 : index
    %get3A_0 = arith.constant 0 : index
    %get3A_1 = vector.load %arg0[%get3A, %get3A_0] : memref<10000x92xf32, #tpu.memory_space<vmem>>, vector<10000x92xf32>
    %get3A_2 = arith.constant 0 : index
    %get3A_3 = arith.constant 0 : index
    %get3A_4 = vector.load %arg1[%get3A_2, %get3A_3] : memref<92x64xf32, #tpu.memory_space<vmem>>, vector<92x64xf32>
    %dot_general3A = arith.constant dense<0.000000e+00> : vector<10000x64xf32>
    %dot_general3A_5 = tpu.matmul %get3A_1, %get3A_4, %dot_general3A {dimension_numbers = #tpu.dot_dimension_numbers<[1], [0], [0], [1], [0, 0, 1, 1], [], []>, precision = #tpu.contract_precision<fp32>, transpose_lhs_hint = false} : vector<10000x92xf32>, vector<92x64xf32>, vector<10000x64xf32> -> vector<10000x64xf32>
    %swap3A = arith.constant 0 : index
    %swap3A_6 = arith.constant 0 : index
    %swap3A_7 = vector.load %arg5[%swap3A, %swap3A_6] : memref<10000x64xf32, #tpu.memory_space<vmem>>, vector<10000x64xf32>
    tpu.vector_store %arg5[%swap3A, %swap3A_6], %dot_general3A_5 {strides = array<i32>} : memref<10000x64xf32, #tpu.memory_space<vmem>>, vector<10000x64xf32>,
    %get3A_8 = arith.constant 0 : index
    %get3A_9 = arith.constant 0 : index
    %get3A_10 = vector.load %arg2[%get3A_8, %get3A_9] : memref<64x128xf32, #tpu.memory_space<vmem>>, vector<64x128xf32>
    %dot_general3A_11 = arith.constant dense<0.000000e+00> : vector<10000x128xf32>
    %dot_general3A_12 = tpu.matmul %dot_general3A_5, %get3A_10, %dot_general3A_11 {dimension_numbers = #tpu.dot_dimension_numbers<[1], [0], [0], [1], [0, 0, 1, 1], [], []>, transpose_lhs_hint = false} : vector<10000x64xf32>, vector<64x128xf32>, vector<10000x128xf32> -> vector<10000x128xf32>
    %get3A_13 = arith.constant 0 : index
    %get3A_14 = arith.constant 0 : index
    %get3A_15 = vector.load %arg3[%get3A_13, %get3A_14] : memref<1x128xf32, #tpu.memory_space<vmem>>, vector<1x128xf32>
    %add3A = vector.broadcast %get3A_15 : vector<1x128xf32> to vector<10000x128xf32>
    %add3A_16 = arith.addf %dot_general3A_12, %add3A : vector<10000x128xf32>
    %swap3A_17 = arith.constant 0 : index
    %swap3A_18 = arith.constant 0 : index
    %swap3A_19 = vector.load %arg6[%swap3A_17, %swap3A_18] : memref<10000x128xf32, #tpu.memory_space<vmem>>, vector<10000x128xf32>
    tpu.vector_store %arg6[%swap3A_17, %swap3A_18], %add3A_16 {strides = array<i32>} : memref<10000x128xf32, #tpu.memory_space<vmem>>, vector<10000x128xf32>,
    %get3A_20 = arith.constant 0 : index
    %get3A_21 = arith.constant 0 : index
    %get3A_22 = vector.load %arg4[%get3A_20, %get3A_21] : memref<64x128xf32, #tpu.memory_space<vmem>>, vector<64x128xf32>
    %dot_general3A_23 = arith.constant dense<0.000000e+00> : vector<10000x128xf32>
    %dot_general3A_24 = tpu.matmul %dot_general3A_5, %get3A_22, %dot_general3A_23 {dimension_numbers = #tpu.dot_dimension_numbers<[1], [0], [0], [1], [0, 0, 1, 1], [], []>, transpose_lhs_hint = false} : vector<10000x64xf32>, vector<64x128xf32>, vector<10000x128xf32> -> vector<10000x128xf32>
    %swap3A_25 = arith.constant 0 : index
    %swap3A_26 = arith.constant 0 : index
    %swap3A_27 = vector.load %arg7[%swap3A_25, %swap3A_26] : memref<10000x128xf32, #tpu.memory_space<vmem>>, vector<10000x128xf32>
    tpu.vector_store %arg7[%swap3A_25, %swap3A_26], %dot_general3A_24 {strides = array<i32>} : memref<10000x128xf32, #tpu.memory_space<vmem>>, vector<10000x128xf32>,
    return
  }
}

module attributes {stable_mosaic.version = 14 : i64} {
  func.func @_edge_stats_body(%arg0: i32, %arg1: memref<6400x128xf32, #tpu.memory_space<vmem>>, %arg2: memref<400x16x41xf32, #tpu.memory_space<vmem>>, %arg3: memref<400x128xf32, #tpu.memory_space<vmem>>, %arg4: memref<41x128xf32, #tpu.memory_space<vmem>>, %arg5: memref<2x128xf32, #tpu.memory_space<vmem>>) attributes {dimension_semantics = [#tpu.dimension_semantics<arbitrary>], iteration_bounds = array<i64: 25>, scalar_prefetch = 0 : i64, scratch_operands = 0 : i64, tpu.core_type = #tpu.core_type<tc>, window_params = [{transform_indices = @transform_0, window_bounds = array<i64: 6400, 128>}, {transform_indices = @transform_1, window_bounds = array<i64: 400, 16, 41>}, {transform_indices = @transform_2, window_bounds = array<i64: 400, 128>}, {pipeline_mode = #tpu.pipeline_mode<synchronous>, transform_indices = @transform_3, window_bounds = array<i64: 41, 128>}, {pipeline_mode = #tpu.pipeline_mode<synchronous>, transform_indices = @transform_4, window_bounds = array<i64: 2, 128>}]} {
    %get3A = arith.constant 0 : index
    %get3A_0 = arith.constant 0 : index
    %get3A_1 = arith.constant 0 : index
    %get3A_2 = vector.load %arg2[%get3A, %get3A_0, %get3A_1] : memref<400x16x41xf32, #tpu.memory_space<vmem>>, vector<400x16x41xf32>
    %reshape3A = vector.shape_cast %get3A_2 : vector<400x16x41xf32> to vector<6400x41xf32>
    %get3A_3 = arith.constant 0 : index
    %get3A_4 = arith.constant 0 : index
    %get3A_5 = vector.load %arg1[%get3A_3, %get3A_4] : memref<6400x128xf32, #tpu.memory_space<vmem>>, vector<6400x128xf32>
    %get3A_6 = arith.constant 0 : index
    %get3A_7 = arith.constant 0 : index
    %get3A_8 = vector.load %arg4[%get3A_6, %get3A_7] : memref<41x128xf32, #tpu.memory_space<vmem>>, vector<41x128xf32>
    %dot_general3A = arith.constant dense<0.000000e+00> : vector<6400x128xf32>
    %dot_general3A_9 = tpu.matmul %reshape3A, %get3A_8, %dot_general3A {dimension_numbers = #tpu.dot_dimension_numbers<[1], [0], [0], [1], [0, 0, 1, 1], [], []>, transpose_lhs_hint = false} : vector<6400x41xf32>, vector<41x128xf32>, vector<6400x128xf32> -> vector<6400x128xf32>
    %add3A = arith.addf %get3A_5, %dot_general3A_9 : vector<6400x128xf32>
    %reshape3A_10 = vector.shape_cast %add3A : vector<6400x128xf32> to vector<400x16x128xf32>
    %get3A_11 = arith.constant 0 : index
    %get3A_12 = arith.constant 0 : index
    %get3A_13 = vector.load %arg3[%get3A_11, %get3A_12] : memref<400x128xf32, #tpu.memory_space<vmem>>, vector<400x128xf32>
    %broadcast_in_dim3A = vector.shape_cast %get3A_13 : vector<400x128xf32> to vector<400x1x128xf32>
    %add3A_14 = vector.broadcast %broadcast_in_dim3A : vector<400x1x128xf32> to vector<400x16x128xf32>
    %add3A_15 = arith.addf %reshape3A_10, %add3A_14 : vector<400x16x128xf32>
    %reduce_sum3A = arith.constant dense<0.000000e+00> : vector<128xf32>
    %reduce_sum3A_16 = vector.multi_reduction <add>, %add3A_15, %reduce_sum3A [0, 1] : vector<400x16x128xf32> to vector<128xf32>
    %broadcast_in_dim3A_17 = vector.shape_cast %reduce_sum3A_16 : vector<128xf32> to vector<1x128xf32>
    %mul3A = arith.mulf %add3A_15, %add3A_15 : vector<400x16x128xf32>
    %reduce_sum3A_18 = arith.constant dense<0.000000e+00> : vector<128xf32>
    %reduce_sum3A_19 = vector.multi_reduction <add>, %mul3A, %reduce_sum3A_18 [0, 1] : vector<400x16x128xf32> to vector<128xf32>
    %broadcast_in_dim3A_20 = vector.shape_cast %reduce_sum3A_19 : vector<128xf32> to vector<1x128xf32>
    %concatenate3A = tpu.concatenate %broadcast_in_dim3A_17, %broadcast_in_dim3A_20 in 0 : vector<1x128xf32>, vector<1x128xf32> -> vector<2x128xf32>
    %eq3A = arith.constant 0 : i32
    %eq3A_21 = arith.cmpi eq, %arg0, %eq3A : i32
    %convert_element_type3A = arith.extui %eq3A_21 : i1 to i32
    %cond3A = arith.constant 0 : i32
    %cond3A_22 = arith.cmpi ne, %convert_element_type3A, %cond3A : i32
    scf.if %cond3A_22 {
      %broadcast_in_dim3A_29 = arith.constant 0.000000e+00 : f32
      %broadcast_in_dim3A_30 = vector.broadcast %broadcast_in_dim3A_29 : f32 to vector<2x128xf32>
      %swap3A_31 = arith.constant 0 : index
      %swap3A_32 = arith.constant 0 : index
      %swap3A_33 = vector.load %arg5[%swap3A_31, %swap3A_32] : memref<2x128xf32, #tpu.memory_space<vmem>>, vector<2x128xf32>
      tpu.vector_store %arg5[%swap3A_31, %swap3A_32], %broadcast_in_dim3A_30 {strides = array<i32>} : memref<2x128xf32, #tpu.memory_space<vmem>>, vector<2x128xf32>,
    } else {
    }
    %get3A_23 = arith.constant 0 : index
    %get3A_24 = arith.constant 0 : index
    %get3A_25 = vector.load %arg5[%get3A_23, %get3A_24] : memref<2x128xf32, #tpu.memory_space<vmem>>, vector<2x128xf32>
    %add3A_26 = arith.addf %get3A_25, %concatenate3A : vector<2x128xf32>
    %swap3A = arith.constant 0 : index
    %swap3A_27 = arith.constant 0 : index
    %swap3A_28 = vector.load %arg5[%swap3A, %swap3A_27] : memref<2x128xf32, #tpu.memory_space<vmem>>, vector<2x128xf32>
    tpu.vector_store %arg5[%swap3A, %swap3A_27], %add3A_26 {strides = array<i32>} : memref<2x128xf32, #tpu.memory_space<vmem>>, vector<2x128xf32>,
    return
  }
  func.func @transform_0(%arg0: i32) -> (i32, i32) {
    %c0_i32 = arith.constant 0 : i32
    %c0_i32_0 = arith.constant 0 : i32
    return %arg0, %c0_i32 : i32, i32
  }
  func.func @transform_1(%arg0: i32) -> (i32, i32, i32) {
    %c0_i32 = arith.constant 0 : i32
    %c0_i32_0 = arith.constant 0 : i32
    %c0_i32_1 = arith.constant 0 : i32
    return %arg0, %c0_i32, %c0_i32_0 : i32, i32, i32
  }
  func.func @transform_2(%arg0: i32) -> (i32, i32) {
    %c0_i32 = arith.constant 0 : i32
    %c0_i32_0 = arith.constant 0 : i32
    return %arg0, %c0_i32 : i32, i32
  }
  func.func @transform_3(%arg0: i32) -> (i32, i32) {
    %c0_i32 = arith.constant 0 : i32
    %c0_i32_0 = arith.constant 0 : i32
    %c0_i32_1 = arith.constant 0 : i32
    return %c0_i32, %c0_i32_0 : i32, i32
  }
  func.func @transform_4(%arg0: i32) -> (i32, i32) {
    %c0_i32 = arith.constant 0 : i32
    %c0_i32_0 = arith.constant 0 : i32
    %c0_i32_1 = arith.constant 0 : i32
    return %c0_i32, %c0_i32_0 : i32, i32
  }
}

module attributes {stable_mosaic.version = 14 : i64} {
  func.func @_edge_apply_body(%arg0: i32, %arg1: memref<6400x128xf32, #tpu.memory_space<vmem>>, %arg2: memref<400x16x41xf32, #tpu.memory_space<vmem>>, %arg3: memref<400x128xf32, #tpu.memory_space<vmem>>, %arg4: memref<41x128xf32, #tpu.memory_space<vmem>>, %arg5: memref<2x128xf32, #tpu.memory_space<vmem>>, %arg6: memref<1x128xf32, #tpu.memory_space<vmem>>, %arg7: memref<1x128xf32, #tpu.memory_space<vmem>>, %arg8: memref<400x64xf32, #tpu.memory_space<vmem>>, %arg9: memref<2x64xf32, #tpu.memory_space<vmem>>) attributes {dimension_semantics = [#tpu.dimension_semantics<arbitrary>], iteration_bounds = array<i64: 25>, scalar_prefetch = 0 : i64, scratch_operands = 0 : i64, tpu.core_type = #tpu.core_type<tc>, window_params = [{transform_indices = @transform_0, window_bounds = array<i64: 6400, 128>}, {transform_indices = @transform_1, window_bounds = array<i64: 400, 16, 41>}, {transform_indices = @transform_2, window_bounds = array<i64: 400, 128>}, {pipeline_mode = #tpu.pipeline_mode<synchronous>, transform_indices = @transform_3, window_bounds = array<i64: 41, 128>}, {pipeline_mode = #tpu.pipeline_mode<synchronous>, transform_indices = @transform_4, window_bounds = array<i64: 2, 128>}, {pipeline_mode = #tpu.pipeline_mode<synchronous>, transform_indices = @transform_5, window_bounds = array<i64: 1, 128>}, {pipeline_mode = #tpu.pipeline_mode<synchronous>, transform_indices = @transform_6, window_bounds = array<i64: 1, 128>}, {transform_indices = @transform_7, window_bounds = array<i64: 400, 64>}, {pipeline_mode = #tpu.pipeline_mode<synchronous>, transform_indices = @transform_8, window_bounds = array<i64: 2, 64>}]} {
    %get3A = arith.constant 0 : index
    %get3A_0 = arith.constant 0 : index
    %get3A_1 = vector.load %arg5[%get3A, %get3A_0] : memref<2x128xf32, #tpu.memory_space<vmem>>, vector<1x128xf32>
    %mul3A = arith.constant 6.250000e-06 : f32
    %mul3A_2 = vector.broadcast %mul3A : f32 to vector<1x128xf32>
    %mul3A_3 = arith.mulf %get3A_1, %mul3A_2 : vector<1x128xf32>
    %get3A_4 = arith.constant 1 : index
    %get3A_5 = arith.constant 0 : index
    %get3A_6 = vector.load %arg5[%get3A_4, %get3A_5] : memref<2x128xf32, #tpu.memory_space<vmem>>, vector<1x128xf32>
    %mul3A_7 = arith.constant 6.250000e-06 : f32
    %mul3A_8 = vector.broadcast %mul3A_7 : f32 to vector<1x128xf32>
    %mul3A_9 = arith.mulf %get3A_6, %mul3A_8 : vector<1x128xf32>
    %mul3A_10 = arith.mulf %mul3A_3, %mul3A_3 : vector<1x128xf32>
    %sub3A = arith.subf %mul3A_9, %mul3A_10 : vector<1x128xf32>
    %get3A_11 = arith.constant 0 : index
    %get3A_12 = arith.constant 0 : index
    %get3A_13 = vector.load %arg6[%get3A_11, %get3A_12] : memref<1x128xf32, #tpu.memory_space<vmem>>, vector<1x128xf32>
    %add3A = arith.constant 9.99999974E-6 : f32
    %add3A_14 = vector.broadcast %add3A : f32 to vector<1x128xf32>
    %add3A_15 = arith.addf %sub3A, %add3A_14 : vector<1x128xf32>
    %rsqrt3A = math.rsqrt %add3A_15 : vector<1x128xf32>
    %mul3A_16 = arith.mulf %get3A_13, %rsqrt3A : vector<1x128xf32>
    %get3A_17 = arith.constant 0 : index
    %get3A_18 = arith.constant 0 : index
    %get3A_19 = vector.load %arg7[%get3A_17, %get3A_18] : memref<1x128xf32, #tpu.memory_space<vmem>>, vector<1x128xf32>
    %mul3A_20 = arith.mulf %mul3A_3, %mul3A_16 : vector<1x128xf32>
    %sub3A_21 = arith.subf %get3A_19, %mul3A_20 : vector<1x128xf32>
    %get3A_22 = arith.constant 0 : index
    %get3A_23 = arith.constant 0 : index
    %get3A_24 = arith.constant 0 : index
    %get3A_25 = vector.load %arg2[%get3A_22, %get3A_23, %get3A_24] : memref<400x16x41xf32, #tpu.memory_space<vmem>>, vector<400x16x41xf32>
    %reshape3A = vector.shape_cast %get3A_25 : vector<400x16x41xf32> to vector<6400x41xf32>
    %get3A_26 = arith.constant 0 : index
    %get3A_27 = arith.constant 0 : index
    %get3A_28 = vector.load %arg4[%get3A_26, %get3A_27] : memref<41x128xf32, #tpu.memory_space<vmem>>, vector<41x128xf32>
    %mul3A_29 = vector.broadcast %mul3A_16 : vector<1x128xf32> to vector<41x128xf32>
    %mul3A_30 = arith.mulf %get3A_28, %mul3A_29 : vector<41x128xf32>
    %dot_general3A = arith.constant dense<0.000000e+00> : vector<6400x128xf32>
    %dot_general3A_31 = tpu.matmul %reshape3A, %mul3A_30, %dot_general3A {dimension_numbers = #tpu.dot_dimension_numbers<[1], [0], [0], [1], [0, 0, 1, 1], [], []>, transpose_lhs_hint = false} : vector<6400x41xf32>, vector<41x128xf32>, vector<6400x128xf32> -> vector<6400x128xf32>
    %get3A_32 = arith.constant 0 : index
    %get3A_33 = arith.constant 0 : index
    %get3A_34 = vector.load %arg3[%get3A_32, %get3A_33] : memref<400x128xf32, #tpu.memory_space<vmem>>, vector<400x128xf32>
    %mul3A_35 = vector.broadcast %mul3A_16 : vector<1x128xf32> to vector<400x128xf32>
    %mul3A_36 = arith.mulf %get3A_34, %mul3A_35 : vector<400x128xf32>
    %add3A_37 = vector.broadcast %sub3A_21 : vector<1x128xf32> to vector<400x128xf32>
    %add3A_38 = arith.addf %mul3A_36, %add3A_37 : vector<400x128xf32>
    %get3A_39 = arith.constant 0 : index
    %get3A_40 = arith.constant 0 : index
    %get3A_41 = vector.load %arg1[%get3A_39, %get3A_40] : memref<6400x128xf32, #tpu.memory_space<vmem>>, vector<6400x128xf32>
    %mul3A_42 = vector.broadcast %mul3A_16 : vector<1x128xf32> to vector<6400x128xf32>
    %mul3A_43 = arith.mulf %get3A_41, %mul3A_42 : vector<6400x128xf32>
    %add3A_44 = arith.addf %mul3A_43, %dot_general3A_31 : vector<6400x128xf32>
    %reshape3A_45 = vector.shape_cast %add3A_44 : vector<6400x128xf32> to vector<400x16x128xf32>
    %broadcast_in_dim3A = vector.shape_cast %add3A_38 : vector<400x128xf32> to vector<400x1x128xf32>
    %add3A_46 = vector.broadcast %broadcast_in_dim3A : vector<400x1x128xf32> to vector<400x16x128xf32>
    %add3A_47 = arith.addf %reshape3A_45, %add3A_46 : vector<400x16x128xf32>
    %slice3A = vector.extract_strided_slice %add3A_47 {offsets = [0, 0, 0], sizes = [400, 16, 64], strides = [1, 1, 1]} : vector<400x16x128xf32> to vector<400x16x64xf32>
    %mul3A_48 = arith.constant 5.000000e-01 : f32
    %mul3A_49 = vector.broadcast %mul3A_48 : f32 to vector<400x16x64xf32>
    %mul3A_50 = arith.mulf %mul3A_49, %slice3A : vector<400x16x64xf32>
    %tanh3A = math.tanh %mul3A_50 : vector<400x16x64xf32>
    %mul3A_51 = arith.constant 5.000000e-01 : f32
    %mul3A_52 = vector.broadcast %mul3A_51 : f32 to vector<400x16x64xf32>
    %mul3A_53 = arith.mulf %mul3A_52, %tanh3A : vector<400x16x64xf32>
    %add3A_54 = arith.constant 5.000000e-01 : f32
    %add3A_55 = vector.broadcast %add3A_54 : f32 to vector<400x16x64xf32>
    %add3A_56 = arith.addf %add3A_55, %mul3A_53 : vector<400x16x64xf32>
    %slice3A_57 = vector.extract_strided_slice %add3A_47 {offsets = [0, 0, 64], sizes = [400, 16, 64], strides = [1, 1, 1]} : vector<400x16x128xf32> to vector<400x16x64xf32>
    %max3A = arith.constant 0.000000e+00 : f32
    %max3A_58 = vector.broadcast %max3A : f32 to vector<400x16x64xf32>
    %max3A_59 = arith.maximumf %slice3A_57, %max3A_58 : vector<400x16x64xf32>
    %abs3A = math.absf %slice3A_57 : vector<400x16x64xf32>
    %neg3A = arith.constant 0.000000e+00 : f32
    %neg3A_60 = vector.broadcast %neg3A : f32 to vector<400x16x64xf32>
    %neg3A_61 = arith.subf %neg3A_60, %abs3A : vector<400x16x64xf32>
    %exp3A = math.exp %neg3A_61 : vector<400x16x64xf32>
    %add3A_62 = arith.constant 1.000000e+00 : f32
    %add3A_63 = vector.broadcast %add3A_62 : f32 to vector<400x16x64xf32>
    %add3A_64 = arith.addf %add3A_63, %exp3A : vector<400x16x64xf32>
    %log3A = math.log %add3A_64 : vector<400x16x64xf32>
    %add3A_65 = arith.addf %max3A_59, %log3A : vector<400x16x64xf32>
    %mul3A_66 = arith.mulf %add3A_56, %add3A_65 : vector<400x16x64xf32>
    %reduce_sum3A = arith.constant dense<0.000000e+00> : vector<400x64xf32>
    %reduce_sum3A_67 = vector.multi_reduction <add>, %mul3A_66, %reduce_sum3A [1] : vector<400x16x64xf32> to vector<400x64xf32>
    %swap3A = arith.constant 0 : index
    %swap3A_68 = arith.constant 0 : index
    %swap3A_69 = vector.load %arg8[%swap3A, %swap3A_68] : memref<400x64xf32, #tpu.memory_space<vmem>>, vector<400x64xf32>
    tpu.vector_store %arg8[%swap3A, %swap3A_68], %reduce_sum3A_67 {strides = array<i32>} : memref<400x64xf32, #tpu.memory_space<vmem>>, vector<400x64xf32>,
    %reduce_sum3A_70 = arith.constant dense<0.000000e+00> : vector<64xf32>
    %reduce_sum3A_71 = vector.multi_reduction <add>, %reduce_sum3A_67, %reduce_sum3A_70 [0] : vector<400x64xf32> to vector<64xf32>
    %broadcast_in_dim3A_72 = vector.shape_cast %reduce_sum3A_71 : vector<64xf32> to vector<1x64xf32>
    %mul3A_73 = arith.mulf %reduce_sum3A_67, %reduce_sum3A_67 : vector<400x64xf32>
    %reduce_sum3A_74 = arith.constant dense<0.000000e+00> : vector<64xf32>
    %reduce_sum3A_75 = vector.multi_reduction <add>, %mul3A_73, %reduce_sum3A_74 [0] : vector<400x64xf32> to vector<64xf32>
    %broadcast_in_dim3A_76 = vector.shape_cast %reduce_sum3A_75 : vector<64xf32> to vector<1x64xf32>
    %concatenate3A = tpu.concatenate %broadcast_in_dim3A_72, %broadcast_in_dim3A_76 in 0 : vector<1x64xf32>, vector<1x64xf32> -> vector<2x64xf32>
    %eq3A = arith.constant 0 : i32
    %eq3A_77 = arith.cmpi eq, %arg0, %eq3A : i32
    %convert_element_type3A = arith.extui %eq3A_77 : i1 to i32
    %cond3A = arith.constant 0 : i32
    %cond3A_78 = arith.cmpi ne, %convert_element_type3A, %cond3A : i32
    scf.if %cond3A_78 {
      %broadcast_in_dim3A_86 = arith.constant 0.000000e+00 : f32
      %broadcast_in_dim3A_87 = vector.broadcast %broadcast_in_dim3A_86 : f32 to vector<2x64xf32>
      %swap3A_88 = arith.constant 0 : index
      %swap3A_89 = arith.constant 0 : index
      %swap3A_90 = vector.load %arg9[%swap3A_88, %swap3A_89] : memref<2x64xf32, #tpu.memory_space<vmem>>, vector<2x64xf32>
      tpu.vector_store %arg9[%swap3A_88, %swap3A_89], %broadcast_in_dim3A_87 {strides = array<i32>} : memref<2x64xf32, #tpu.memory_space<vmem>>, vector<2x64xf32>,
    } else {
    }
    %get3A_79 = arith.constant 0 : index
    %get3A_80 = arith.constant 0 : index
    %get3A_81 = vector.load %arg9[%get3A_79, %get3A_80] : memref<2x64xf32, #tpu.memory_space<vmem>>, vector<2x64xf32>
    %add3A_82 = arith.addf %get3A_81, %concatenate3A : vector<2x64xf32>
    %swap3A_83 = arith.constant 0 : index
    %swap3A_84 = arith.constant 0 : index
    %swap3A_85 = vector.load %arg9[%swap3A_83, %swap3A_84] : memref<2x64xf32, #tpu.memory_space<vmem>>, vector<2x64xf32>
    tpu.vector_store %arg9[%swap3A_83, %swap3A_84], %add3A_82 {strides = array<i32>} : memref<2x64xf32, #tpu.memory_space<vmem>>, vector<2x64xf32>,
    return
  }
  func.func @transform_0(%arg0: i32) -> (i32, i32) {
    %c0_i32 = arith.constant 0 : i32
    %c0_i32_0 = arith.constant 0 : i32
    return %arg0, %c0_i32 : i32, i32
  }
  func.func @transform_1(%arg0: i32) -> (i32, i32, i32) {
    %c0_i32 = arith.constant 0 : i32
    %c0_i32_0 = arith.constant 0 : i32
    %c0_i32_1 = arith.constant 0 : i32
    return %arg0, %c0_i32, %c0_i32_0 : i32, i32, i32
  }
  func.func @transform_2(%arg0: i32) -> (i32, i32) {
    %c0_i32 = arith.constant 0 : i32
    %c0_i32_0 = arith.constant 0 : i32
    return %arg0, %c0_i32 : i32, i32
  }
  func.func @transform_3(%arg0: i32) -> (i32, i32) {
    %c0_i32 = arith.constant 0 : i32
    %c0_i32_0 = arith.constant 0 : i32
    %c0_i32_1 = arith.constant 0 : i32
    return %c0_i32, %c0_i32_0 : i32, i32
  }
  func.func @transform_4(%arg0: i32) -> (i32, i32) {
    %c0_i32 = arith.constant 0 : i32
    %c0_i32_0 = arith.constant 0 : i32
    %c0_i32_1 = arith.constant 0 : i32
    return %c0_i32, %c0_i32_0 : i32, i32
  }
  func.func @transform_5(%arg0: i32) -> (i32, i32) {
    %c0_i32 = arith.constant 0 : i32
    %c0_i32_0 = arith.constant 0 : i32
    %c0_i32_1 = arith.constant 0 : i32
    return %c0_i32, %c0_i32_0 : i32, i32
  }
  func.func @transform_6(%arg0: i32) -> (i32, i32) {
    %c0_i32 = arith.constant 0 : i32
    %c0_i32_0 = arith.constant 0 : i32
    %c0_i32_1 = arith.constant 0 : i32
    return %c0_i32, %c0_i32_0 : i32, i32
  }
  func.func @transform_7(%arg0: i32) -> (i32, i32) {
    %c0_i32 = arith.constant 0 : i32
    %c0_i32_0 = arith.constant 0 : i32
    return %arg0, %c0_i32 : i32, i32
  }
  func.func @transform_8(%arg0: i32) -> (i32, i32) {
    %c0_i32 = arith.constant 0 : i32
    %c0_i32_0 = arith.constant 0 : i32
    %c0_i32_1 = arith.constant 0 : i32
    return %c0_i32, %c0_i32_0 : i32, i32
  }
}

module attributes {stable_mosaic.version = 14 : i64} {
  func.func @_epi_proj_body(%arg0: memref<10000x64xf32, #tpu.memory_space<vmem>>, %arg1: memref<10000x64xf32, #tpu.memory_space<vmem>>, %arg2: memref<2x64xf32, #tpu.memory_space<vmem>>, %arg3: memref<1x64xf32, #tpu.memory_space<vmem>>, %arg4: memref<1x64xf32, #tpu.memory_space<vmem>>, %arg5: memref<64x128xf32, #tpu.memory_space<vmem>>, %arg6: memref<1x128xf32, #tpu.memory_space<vmem>>, %arg7: memref<64x128xf32, #tpu.memory_space<vmem>>, %arg8: memref<10000x64xf32, #tpu.memory_space<vmem>>, %arg9: memref<10000x128xf32, #tpu.memory_space<vmem>>, %arg10: memref<10000x128xf32, #tpu.memory_space<vmem>>) attributes {dimension_semantics = [], scalar_prefetch = 0 : i64, scratch_operands = 0 : i64, tpu.core_type = #tpu.core_type<tc>} {
    %get3A = arith.constant 0 : index
    %get3A_0 = arith.constant 0 : index
    %get3A_1 = vector.load %arg2[%get3A, %get3A_0] : memref<2x64xf32, #tpu.memory_space<vmem>>, vector<1x64xf32>
    %mul3A = arith.constant 9.99999974E-5 : f32
    %mul3A_2 = vector.broadcast %mul3A : f32 to vector<1x64xf32>
    %mul3A_3 = arith.mulf %get3A_1, %mul3A_2 : vector<1x64xf32>
    %get3A_4 = arith.constant 1 : index
    %get3A_5 = arith.constant 0 : index
    %get3A_6 = vector.load %arg2[%get3A_4, %get3A_5] : memref<2x64xf32, #tpu.memory_space<vmem>>, vector<1x64xf32>
    %mul3A_7 = arith.constant 9.99999974E-5 : f32
    %mul3A_8 = vector.broadcast %mul3A_7 : f32 to vector<1x64xf32>
    %mul3A_9 = arith.mulf %get3A_6, %mul3A_8 : vector<1x64xf32>
    %mul3A_10 = arith.mulf %mul3A_3, %mul3A_3 : vector<1x64xf32>
    %sub3A = arith.subf %mul3A_9, %mul3A_10 : vector<1x64xf32>
    %get3A_11 = arith.constant 0 : index
    %get3A_12 = arith.constant 0 : index
    %get3A_13 = vector.load %arg3[%get3A_11, %get3A_12] : memref<1x64xf32, #tpu.memory_space<vmem>>, vector<1x64xf32>
    %add3A = arith.constant 9.99999974E-6 : f32
    %add3A_14 = vector.broadcast %add3A : f32 to vector<1x64xf32>
    %add3A_15 = arith.addf %sub3A, %add3A_14 : vector<1x64xf32>
    %rsqrt3A = math.rsqrt %add3A_15 : vector<1x64xf32>
    %mul3A_16 = arith.mulf %get3A_13, %rsqrt3A : vector<1x64xf32>
    %get3A_17 = arith.constant 0 : index
    %get3A_18 = arith.constant 0 : index
    %get3A_19 = vector.load %arg4[%get3A_17, %get3A_18] : memref<1x64xf32, #tpu.memory_space<vmem>>, vector<1x64xf32>
    %mul3A_20 = arith.mulf %mul3A_3, %mul3A_16 : vector<1x64xf32>
    %sub3A_21 = arith.subf %get3A_19, %mul3A_20 : vector<1x64xf32>
    %get3A_22 = arith.constant 0 : index
    %get3A_23 = arith.constant 0 : index
    %get3A_24 = vector.load %arg0[%get3A_22, %get3A_23] : memref<10000x64xf32, #tpu.memory_space<vmem>>, vector<10000x64xf32>
    %get3A_25 = arith.constant 0 : index
    %get3A_26 = arith.constant 0 : index
    %get3A_27 = vector.load %arg1[%get3A_25, %get3A_26] : memref<10000x64xf32, #tpu.memory_space<vmem>>, vector<10000x64xf32>
    %mul3A_28 = vector.broadcast %mul3A_16 : vector<1x64xf32> to vector<10000x64xf32>
    %mul3A_29 = arith.mulf %get3A_27, %mul3A_28 : vector<10000x64xf32>
    %add3A_30 = arith.addf %get3A_24, %mul3A_29 : vector<10000x64xf32>
    %add3A_31 = vector.broadcast %sub3A_21 : vector<1x64xf32> to vector<10000x64xf32>
    %add3A_32 = arith.addf %add3A_30, %add3A_31 : vector<10000x64xf32>
    %max3A = arith.constant 0.000000e+00 : f32
    %max3A_33 = vector.broadcast %max3A : f32 to vector<10000x64xf32>
    %max3A_34 = arith.maximumf %add3A_32, %max3A_33 : vector<10000x64xf32>
    %abs3A = math.absf %add3A_32 : vector<10000x64xf32>
    %neg3A = arith.constant 0.000000e+00 : f32
    %neg3A_35 = vector.broadcast %neg3A : f32 to vector<10000x64xf32>
    %neg3A_36 = arith.subf %neg3A_35, %abs3A : vector<10000x64xf32>
    %exp3A = math.exp %neg3A_36 : vector<10000x64xf32>
    %add3A_37 = arith.constant 1.000000e+00 : f32
    %add3A_38 = vector.broadcast %add3A_37 : f32 to vector<10000x64xf32>
    %add3A_39 = arith.addf %add3A_38, %exp3A : vector<10000x64xf32>
    %log3A = math.log %add3A_39 : vector<10000x64xf32>
    %add3A_40 = arith.addf %max3A_34, %log3A : vector<10000x64xf32>
    %swap3A = arith.constant 0 : index
    %swap3A_41 = arith.constant 0 : index
    %swap3A_42 = vector.load %arg8[%swap3A, %swap3A_41] : memref<10000x64xf32, #tpu.memory_space<vmem>>, vector<10000x64xf32>
    tpu.vector_store %arg8[%swap3A, %swap3A_41], %add3A_40 {strides = array<i32>} : memref<10000x64xf32, #tpu.memory_space<vmem>>, vector<10000x64xf32>,
    %get3A_43 = arith.constant 0 : index
    %get3A_44 = arith.constant 0 : index
    %get3A_45 = vector.load %arg5[%get3A_43, %get3A_44] : memref<64x128xf32, #tpu.memory_space<vmem>>, vector<64x128xf32>
    %dot_general3A = arith.constant dense<0.000000e+00> : vector<10000x128xf32>
    %dot_general3A_46 = tpu.matmul %add3A_40, %get3A_45, %dot_general3A {dimension_numbers = #tpu.dot_dimension_numbers<[1], [0], [0], [1], [0, 0, 1, 1], [], []>, transpose_lhs_hint = false} : vector<10000x64xf32>, vector<64x128xf32>, vector<10000x128xf32> -> vector<10000x128xf32>
    %get3A_47 = arith.constant 0 : index
    %get3A_48 = arith.constant 0 : index
    %get3A_49 = vector.load %arg6[%get3A_47, %get3A_48] : memref<1x128xf32, #tpu.memory_space<vmem>>, vector<1x128xf32>
    %add3A_50 = vector.broadcast %get3A_49 : vector<1x128xf32> to vector<10000x128xf32>
    %add3A_51 = arith.addf %dot_general3A_46, %add3A_50 : vector<10000x128xf32>
    %swap3A_52 = arith.constant 0 : index
    %swap3A_53 = arith.constant 0 : index
    %swap3A_54 = vector.load %arg9[%swap3A_52, %swap3A_53] : memref<10000x128xf32, #tpu.memory_space<vmem>>, vector<10000x128xf32>
    tpu.vector_store %arg9[%swap3A_52, %swap3A_53], %add3A_51 {strides = array<i32>} : memref<10000x128xf32, #tpu.memory_space<vmem>>, vector<10000x128xf32>,
    %get3A_55 = arith.constant 0 : index
    %get3A_56 = arith.constant 0 : index
    %get3A_57 = vector.load %arg7[%get3A_55, %get3A_56] : memref<64x128xf32, #tpu.memory_space<vmem>>, vector<64x128xf32>
    %dot_general3A_58 = arith.constant dense<0.000000e+00> : vector<10000x128xf32>
    %dot_general3A_59 = tpu.matmul %add3A_40, %get3A_57, %dot_general3A_58 {dimension_numbers = #tpu.dot_dimension_numbers<[1], [0], [0], [1], [0, 0, 1, 1], [], []>, transpose_lhs_hint = false} : vector<10000x64xf32>, vector<64x128xf32>, vector<10000x128xf32> -> vector<10000x128xf32>
    %swap3A_60 = arith.constant 0 : index
    %swap3A_61 = arith.constant 0 : index
    %swap3A_62 = vector.load %arg10[%swap3A_60, %swap3A_61] : memref<10000x128xf32, #tpu.memory_space<vmem>>, vector<10000x128xf32>
    tpu.vector_store %arg10[%swap3A_60, %swap3A_61], %dot_general3A_59 {strides = array<i32>} : memref<10000x128xf32, #tpu.memory_space<vmem>>, vector<10000x128xf32>,
    return
  }
}

module attributes {stable_mosaic.version = 14 : i64} {
  func.func @_epi_final_body(%arg0: memref<10000x64xf32, #tpu.memory_space<vmem>>, %arg1: memref<10000x64xf32, #tpu.memory_space<vmem>>, %arg2: memref<2x64xf32, #tpu.memory_space<vmem>>, %arg3: memref<1x64xf32, #tpu.memory_space<vmem>>, %arg4: memref<1x64xf32, #tpu.memory_space<vmem>>, %arg5: memref<10000x128xf32, #tpu.memory_space<vmem>>) attributes {dimension_semantics = [], scalar_prefetch = 0 : i64, scratch_operands = 0 : i64, tpu.core_type = #tpu.core_type<tc>} {
    %get3A = arith.constant 0 : index
    %get3A_0 = arith.constant 0 : index
    %get3A_1 = vector.load %arg2[%get3A, %get3A_0] : memref<2x64xf32, #tpu.memory_space<vmem>>, vector<1x64xf32>
    %mul3A = arith.constant 9.99999974E-5 : f32
    %mul3A_2 = vector.broadcast %mul3A : f32 to vector<1x64xf32>
    %mul3A_3 = arith.mulf %get3A_1, %mul3A_2 : vector<1x64xf32>
    %get3A_4 = arith.constant 1 : index
    %get3A_5 = arith.constant 0 : index
    %get3A_6 = vector.load %arg2[%get3A_4, %get3A_5] : memref<2x64xf32, #tpu.memory_space<vmem>>, vector<1x64xf32>
    %mul3A_7 = arith.constant 9.99999974E-5 : f32
    %mul3A_8 = vector.broadcast %mul3A_7 : f32 to vector<1x64xf32>
    %mul3A_9 = arith.mulf %get3A_6, %mul3A_8 : vector<1x64xf32>
    %mul3A_10 = arith.mulf %mul3A_3, %mul3A_3 : vector<1x64xf32>
    %sub3A = arith.subf %mul3A_9, %mul3A_10 : vector<1x64xf32>
    %get3A_11 = arith.constant 0 : index
    %get3A_12 = arith.constant 0 : index
    %get3A_13 = vector.load %arg3[%get3A_11, %get3A_12] : memref<1x64xf32, #tpu.memory_space<vmem>>, vector<1x64xf32>
    %add3A = arith.constant 9.99999974E-6 : f32
    %add3A_14 = vector.broadcast %add3A : f32 to vector<1x64xf32>
    %add3A_15 = arith.addf %sub3A, %add3A_14 : vector<1x64xf32>
    %rsqrt3A = math.rsqrt %add3A_15 : vector<1x64xf32>
    %mul3A_16 = arith.mulf %get3A_13, %rsqrt3A : vector<1x64xf32>
    %get3A_17 = arith.constant 0 : index
    %get3A_18 = arith.constant 0 : index
    %get3A_19 = vector.load %arg4[%get3A_17, %get3A_18] : memref<1x64xf32, #tpu.memory_space<vmem>>, vector<1x64xf32>
    %mul3A_20 = arith.mulf %mul3A_3, %mul3A_16 : vector<1x64xf32>
    %sub3A_21 = arith.subf %get3A_19, %mul3A_20 : vector<1x64xf32>
    %get3A_22 = arith.constant 0 : index
    %get3A_23 = arith.constant 0 : index
    %get3A_24 = vector.load %arg0[%get3A_22, %get3A_23] : memref<10000x64xf32, #tpu.memory_space<vmem>>, vector<10000x64xf32>
    %get3A_25 = arith.constant 0 : index
    %get3A_26 = arith.constant 0 : index
    %get3A_27 = vector.load %arg1[%get3A_25, %get3A_26] : memref<10000x64xf32, #tpu.memory_space<vmem>>, vector<10000x64xf32>
    %mul3A_28 = vector.broadcast %mul3A_16 : vector<1x64xf32> to vector<10000x64xf32>
    %mul3A_29 = arith.mulf %get3A_27, %mul3A_28 : vector<10000x64xf32>
    %add3A_30 = arith.addf %get3A_24, %mul3A_29 : vector<10000x64xf32>
    %add3A_31 = vector.broadcast %sub3A_21 : vector<1x64xf32> to vector<10000x64xf32>
    %add3A_32 = arith.addf %add3A_30, %add3A_31 : vector<10000x64xf32>
    %max3A = arith.constant 0.000000e+00 : f32
    %max3A_33 = vector.broadcast %max3A : f32 to vector<10000x64xf32>
    %max3A_34 = arith.maximumf %add3A_32, %max3A_33 : vector<10000x64xf32>
    %abs3A = math.absf %add3A_32 : vector<10000x64xf32>
    %neg3A = arith.constant 0.000000e+00 : f32
    %neg3A_35 = vector.broadcast %neg3A : f32 to vector<10000x64xf32>
    %neg3A_36 = arith.subf %neg3A_35, %abs3A : vector<10000x64xf32>
    %exp3A = math.exp %neg3A_36 : vector<10000x64xf32>
    %add3A_37 = arith.constant 1.000000e+00 : f32
    %add3A_38 = vector.broadcast %add3A_37 : f32 to vector<10000x64xf32>
    %add3A_39 = arith.addf %add3A_38, %exp3A : vector<10000x64xf32>
    %log3A = math.log %add3A_39 : vector<10000x64xf32>
    %add3A_40 = arith.addf %max3A_34, %log3A : vector<10000x64xf32>
    %broadcast_in_dim3A = arith.constant 0.000000e+00 : f32
    %broadcast_in_dim3A_41 = vector.broadcast %broadcast_in_dim3A : f32 to vector<10000x64xf32>
    %concatenate3A = tpu.concatenate %add3A_40, %broadcast_in_dim3A_41 in 1 : vector<10000x64xf32>, vector<10000x64xf32> -> vector<10000x128xf32>
    %swap3A = arith.constant 0 : index
    %swap3A_42 = arith.constant 0 : index
    %swap3A_43 = vector.load %arg5[%swap3A, %swap3A_42] : memref<10000x128xf32, #tpu.memory_space<vmem>>, vector<10000x128xf32>
    tpu.vector_store %arg5[%swap3A, %swap3A_42], %concatenate3A {strides = array<i32>} : memref<10000x128xf32, #tpu.memory_space<vmem>>, vector<10000x128xf32>,
    return
  }
}

module attributes {stable_mosaic.version = 14 : i64} {
  func.func @_dec_body(%arg0: i32, %arg1: memref<1x128x128xf32, #tpu.memory_space<vmem>>, %arg2: memref<64x384xf32, #tpu.memory_space<vmem>>, %arg3: memref<1x6xf32, #tpu.memory_space<vmem>>, %arg4: memref<6x6xf32, #tpu.memory_space<vmem>>, %arg5: memref<1x6xf32, #tpu.memory_space<vmem>>, %arg6: memref<64x92xf32, #tpu.memory_space<vmem>>, %arg7: memref<1x92xf32, #tpu.memory_space<vmem>>, %arg8: memref<1x128x128x6xf32, #tpu.memory_space<vmem>>, %arg9: memref<1x128x92xf32, #tpu.memory_space<vmem>>) attributes {dimension_semantics = [#tpu.dimension_semantics<arbitrary>], iteration_bounds = array<i64: 8>, scalar_prefetch = 0 : i64, scratch_operands = 0 : i64, tpu.core_type = #tpu.core_type<tc>, window_params = [{transform_indices = @transform_0, window_bounds = array<i64: 1, 128, 128>}, {pipeline_mode = #tpu.pipeline_mode<synchronous>, transform_indices = @transform_1, window_bounds = array<i64: 64, 384>}, {pipeline_mode = #tpu.pipeline_mode<synchronous>, transform_indices = @transform_2, window_bounds = array<i64: 1, 6>}, {pipeline_mode = #tpu.pipeline_mode<synchronous>, transform_indices = @transform_3, window_bounds = array<i64: 6, 6>}, {pipeline_mode = #tpu.pipeline_mode<synchronous>, transform_indices = @transform_4, window_bounds = array<i64: 1, 6>}, {pipeline_mode = #tpu.pipeline_mode<synchronous>, transform_indices = @transform_5, window_bounds = array<i64: 64, 92>}, {pipeline_mode = #tpu.pipeline_mode<synchronous>, transform_indices = @transform_6, window_bounds = array<i64: 1, 92>}, {transform_indices = @transform_7, window_bounds = array<i64: 1, 128, 128, 6>}, {transform_indices = @transform_8, window_bounds = array<i64: 1, 128, 92>}]} {
    %get3A = arith.constant 0 : index
    %get3A_0 = arith.constant 0 : index
    %get3A_1 = arith.constant 0 : index
    %get3A_2 = vector.load %arg1[%get3A, %get3A_0, %get3A_1] : memref<1x128x128xf32, #tpu.memory_space<vmem>>, vector<1x128x128xf32>
    %get3A_3 = vector.shape_cast %get3A_2 : vector<1x128x128xf32> to vector<128x128xf32>
    %slice3A = vector.extract_strided_slice %get3A_3 {offsets = [0, 0], sizes = [128, 64], strides = [1, 1]} : vector<128x128xf32> to vector<128x64xf32>
    %get3A_4 = arith.constant 0 : index
    %get3A_5 = arith.constant 0 : index
    %get3A_6 = vector.load %arg2[%get3A_4, %get3A_5] : memref<64x384xf32, #tpu.memory_space<vmem>>, vector<64x384xf32>
    %dot_general3A = arith.constant dense<0.000000e+00> : vector<128x384xf32>
    %dot_general3A_7 = tpu.matmul %slice3A, %get3A_6, %dot_general3A {dimension_numbers = #tpu.dot_dimension_numbers<[1], [0], [0], [1], [0, 0, 1, 1], [], []>, precision = #tpu.contract_precision<fp32>, transpose_lhs_hint = false} : vector<128x64xf32>, vector<64x384xf32>, vector<128x384xf32> -> vector<128x384xf32>
    %slice3A_8 = vector.extract_strided_slice %dot_general3A_7 {offsets = [0, 0], sizes = [128, 64], strides = [1, 1]} : vector<128x384xf32> to vector<128x64xf32>
    %mul3A = arith.mulf %slice3A_8, %slice3A : vector<128x64xf32>
    %reduce_sum3A = arith.constant dense<0.000000e+00> : vector<128xf32>
    %reduce_sum3A_9 = vector.multi_reduction <add>, %mul3A, %reduce_sum3A [1] : vector<128x64xf32> to vector<128xf32>
    %broadcast_in_dim3A = vector.shape_cast %reduce_sum3A_9 : vector<128xf32> to vector<128x1xf32>
    %slice3A_10 = vector.extract_strided_slice %dot_general3A_7 {offsets = [0, 64], sizes = [128, 64], strides = [1, 1]} : vector<128x384xf32> to vector<128x64xf32>
    %mul3A_11 = arith.mulf %slice3A_10, %slice3A : vector<128x64xf32>
    %reduce_sum3A_12 = arith.constant dense<0.000000e+00> : vector<128xf32>
    %reduce_sum3A_13 = vector.multi_reduction <add>, %mul3A_11, %reduce_sum3A_12 [1] : vector<128x64xf32> to vector<128xf32>
    %broadcast_in_dim3A_14 = vector.shape_cast %reduce_sum3A_13 : vector<128xf32> to vector<128x1xf32>
    %slice3A_15 = vector.extract_strided_slice %dot_general3A_7 {offsets = [0, 128], sizes = [128, 64], strides = [1, 1]} : vector<128x384xf32> to vector<128x64xf32>
    %mul3A_16 = arith.mulf %slice3A_15, %slice3A : vector<128x64xf32>
    %reduce_sum3A_17 = arith.constant dense<0.000000e+00> : vector<128xf32>
    %reduce_sum3A_18 = vector.multi_reduction <add>, %mul3A_16, %reduce_sum3A_17 [1] : vector<128x64xf32> to vector<128xf32>
    %broadcast_in_dim3A_19 = vector.shape_cast %reduce_sum3A_18 : vector<128xf32> to vector<128x1xf32>
    %slice3A_20 = vector.extract_strided_slice %dot_general3A_7 {offsets = [0, 192], sizes = [128, 64], strides = [1, 1]} : vector<128x384xf32> to vector<128x64xf32>
    %mul3A_21 = arith.mulf %slice3A_20, %slice3A : vector<128x64xf32>
    %reduce_sum3A_22 = arith.constant dense<0.000000e+00> : vector<128xf32>
    %reduce_sum3A_23 = vector.multi_reduction <add>, %mul3A_21, %reduce_sum3A_22 [1] : vector<128x64xf32> to vector<128xf32>
    %broadcast_in_dim3A_24 = vector.shape_cast %reduce_sum3A_23 : vector<128xf32> to vector<128x1xf32>
    %slice3A_25 = vector.extract_strided_slice %dot_general3A_7 {offsets = [0, 256], sizes = [128, 64], strides = [1, 1]} : vector<128x384xf32> to vector<128x64xf32>
    %mul3A_26 = arith.mulf %slice3A_25, %slice3A : vector<128x64xf32>
    %reduce_sum3A_27 = arith.constant dense<0.000000e+00> : vector<128xf32>
    %reduce_sum3A_28 = vector.multi_reduction <add>, %mul3A_26, %reduce_sum3A_27 [1] : vector<128x64xf32> to vector<128xf32>
    %broadcast_in_dim3A_29 = vector.shape_cast %reduce_sum3A_28 : vector<128xf32> to vector<128x1xf32>
    %slice3A_30 = vector.extract_strided_slice %dot_general3A_7 {offsets = [0, 320], sizes = [128, 64], strides = [1, 1]} : vector<128x384xf32> to vector<128x64xf32>
    %mul3A_31 = arith.mulf %slice3A_30, %slice3A : vector<128x64xf32>
    %reduce_sum3A_32 = arith.constant dense<0.000000e+00> : vector<128xf32>
    %reduce_sum3A_33 = vector.multi_reduction <add>, %mul3A_31, %reduce_sum3A_32 [1] : vector<128x64xf32> to vector<128xf32>
    %broadcast_in_dim3A_34 = vector.shape_cast %reduce_sum3A_33 : vector<128xf32> to vector<128x1xf32>
    %concatenate3A = tpu.concatenate %broadcast_in_dim3A, %broadcast_in_dim3A_14, %broadcast_in_dim3A_19, %broadcast_in_dim3A_24, %broadcast_in_dim3A_29, %broadcast_in_dim3A_34 in 1 : vector<128x1xf32>, vector<128x1xf32>, vector<128x1xf32>, vector<128x1xf32>, vector<128x1xf32>, vector<128x1xf32> -> vector<128x6xf32>
    %get3A_35 = arith.constant 0 : index
    %get3A_36 = arith.constant 0 : index
    %get3A_37 = vector.load %arg3[%get3A_35, %get3A_36] : memref<1x6xf32, #tpu.memory_space<vmem>>, vector<1x6xf32>
    %add3A = vector.broadcast %get3A_37 : vector<1x6xf32> to vector<128x6xf32>
    %add3A_38 = arith.addf %concatenate3A, %add3A : vector<128x6xf32>
    %get3A_39 = arith.constant 0 : index
    %get3A_40 = arith.constant 0 : index
    %get3A_41 = vector.load %arg4[%get3A_39, %get3A_40] : memref<6x6xf32, #tpu.memory_space<vmem>>, vector<6x6xf32>
    %dot_general3A_42 = arith.constant dense<0.000000e+00> : vector<128x6xf32>
    %dot_general3A_43 = tpu.matmul %add3A_38, %get3A_41, %dot_general3A_42 {dimension_numbers = #tpu.dot_dimension_numbers<[1], [0], [0], [1], [0, 0, 1, 1], [], []>, precision = #tpu.contract_precision<fp32>, transpose_lhs_hint = false} : vector<128x6xf32>, vector<6x6xf32>, vector<128x6xf32> -> vector<128x6xf32>
    %get3A_44 = arith.constant 0 : index
    %get3A_45 = arith.constant 0 : index
    %get3A_46 = vector.load %arg5[%get3A_44, %get3A_45] : memref<1x6xf32, #tpu.memory_space<vmem>>, vector<1x6xf32>
    %add3A_47 = vector.broadcast %get3A_46 : vector<1x6xf32> to vector<128x6xf32>
    %add3A_48 = arith.addf %dot_general3A_43, %add3A_47 : vector<128x6xf32>
    %reduce_max3A = arith.constant dense<0xFF800000> : vector<128xf32>
    %reduce_max3A_49 = vector.multi_reduction <maximumf>, %add3A_48, %reduce_max3A [1] : vector<128x6xf32> to vector<128xf32>
    %broadcast_in_dim3A_50 = vector.shape_cast %reduce_max3A_49 : vector<128xf32> to vector<128x1xf32>
    %sub3A = vector.broadcast %broadcast_in_dim3A_50 : vector<128x1xf32> to vector<128x6xf32>
    %sub3A_51 = arith.subf %add3A_48, %sub3A : vector<128x6xf32>
    %exp3A = math.exp %sub3A_51 : vector<128x6xf32>
    %reduce_sum3A_52 = arith.constant dense<0.000000e+00> : vector<128xf32>
    %reduce_sum3A_53 = vector.multi_reduction <add>, %exp3A, %reduce_sum3A_52 [1] : vector<128x6xf32> to vector<128xf32>
    %broadcast_in_dim3A_54 = vector.shape_cast %reduce_sum3A_53 : vector<128xf32> to vector<128x1xf32>
    %log3A = math.log %broadcast_in_dim3A_54 : vector<128x1xf32>
    %sub3A_55 = vector.broadcast %broadcast_in_dim3A_50 : vector<128x1xf32> to vector<128x6xf32>
    %sub3A_56 = arith.subf %add3A_48, %sub3A_55 : vector<128x6xf32>
    %sub3A_57 = vector.broadcast %log3A : vector<128x1xf32> to vector<128x6xf32>
    %sub3A_58 = arith.subf %sub3A_56, %sub3A_57 : vector<128x6xf32>
    %broadcast_in_dim3A_59 = vector.shape_cast %sub3A_58 : vector<128x6xf32> to vector<1x128x6xf32>
    %broadcast_in_dim3A_60 = vector.shape_cast %broadcast_in_dim3A_59 : vector<1x128x6xf32> to vector<1x128x6xf32>
    %broadcast_in_dim3A_61 = vector.broadcast %broadcast_in_dim3A_60 : vector<1x128x6xf32> to vector<128x128x6xf32>
    %swap3A = arith.constant 0 : index
    %swap3A_62 = arith.constant 0 : index
    %swap3A_63 = arith.constant 0 : index
    %swap3A_64 = arith.constant 0 : index
    %swap3A_65 = vector.load %arg8[%swap3A, %swap3A_62, %swap3A_63, %swap3A_64] : memref<1x128x128x6xf32, #tpu.memory_space<vmem>>, vector<1x128x128x6xf32>
    %swap3A_66 = vector.shape_cast %swap3A_65 : vector<1x128x128x6xf32> to vector<128x128x6xf32>
    %swap3A_67 = vector.shape_cast %broadcast_in_dim3A_61 : vector<128x128x6xf32> to vector<1x128x128x6xf32>
    tpu.vector_store %arg8[%swap3A, %swap3A_62, %swap3A_63, %swap3A_64], %swap3A_67 {strides = array<i32>} : memref<1x128x128x6xf32, #tpu.memory_space<vmem>>, vector<1x128x128x6xf32>,
    %get3A_68 = arith.constant 0 : index
    %get3A_69 = arith.constant 0 : index
    %get3A_70 = vector.load %arg6[%get3A_68, %get3A_69] : memref<64x92xf32, #tpu.memory_space<vmem>>, vector<64x92xf32>
    %dot_general3A_71 = arith.constant dense<0.000000e+00> : vector<128x92xf32>
    %dot_general3A_72 = tpu.matmul %slice3A, %get3A_70, %dot_general3A_71 {dimension_numbers = #tpu.dot_dimension_numbers<[1], [0], [0], [1], [0, 0, 1, 1], [], []>, precision = #tpu.contract_precision<fp32>, transpose_lhs_hint = false} : vector<128x64xf32>, vector<64x92xf32>, vector<128x92xf32> -> vector<128x92xf32>
    %get3A_73 = arith.constant 0 : index
    %get3A_74 = arith.constant 0 : index
    %get3A_75 = vector.load %arg7[%get3A_73, %get3A_74] : memref<1x92xf32, #tpu.memory_space<vmem>>, vector<1x92xf32>
    %add3A_76 = vector.broadcast %get3A_75 : vector<1x92xf32> to vector<128x92xf32>
    %add3A_77 = arith.addf %dot_general3A_72, %add3A_76 : vector<128x92xf32>
    %swap3A_78 = arith.constant 0 : index
    %swap3A_79 = arith.constant 0 : index
    %swap3A_80 = arith.constant 0 : index
    %swap3A_81 = vector.load %arg9[%swap3A_78, %swap3A_79, %swap3A_80] : memref<1x128x92xf32, #tpu.memory_space<vmem>>, vector<1x128x92xf32>
    %swap3A_82 = vector.shape_cast %swap3A_81 : vector<1x128x92xf32> to vector<128x92xf32>
    %swap3A_83 = vector.shape_cast %add3A_77 : vector<128x92xf32> to vector<1x128x92xf32>
    tpu.vector_store %arg9[%swap3A_78, %swap3A_79, %swap3A_80], %swap3A_83 {strides = array<i32>} : memref<1x128x92xf32, #tpu.memory_space<vmem>>, vector<1x128x92xf32>,
    return
  }
  func.func @transform_0(%arg0: i32) -> (i32, i32, i32) {
    %c0_i32 = arith.constant 0 : i32
    %c0_i32_0 = arith.constant 0 : i32
    %c0_i32_1 = arith.constant 0 : i32
    return %arg0, %c0_i32, %c0_i32_0 : i32, i32, i32
  }
  func.func @transform_1(%arg0: i32) -> (i32, i32) {
    %c0_i32 = arith.constant 0 : i32
    %c0_i32_0 = arith.constant 0 : i32
    %c0_i32_1 = arith.constant 0 : i32
    return %c0_i32, %c0_i32_0 : i32, i32
  }
  func.func @transform_2(%arg0: i32) -> (i32, i32) {
    %c0_i32 = arith.constant 0 : i32
    %c0_i32_0 = arith.constant 0 : i32
    %c0_i32_1 = arith.constant 0 : i32
    return %c0_i32, %c0_i32_0 : i32, i32
  }
  func.func @transform_3(%arg0: i32) -> (i32, i32) {
    %c0_i32 = arith.constant 0 : i32
    %c0_i32_0 = arith.constant 0 : i32
    %c0_i32_1 = arith.constant 0 : i32
    return %c0_i32, %c0_i32_0 : i32, i32
  }
  func.func @transform_4(%arg0: i32) -> (i32, i32) {
    %c0_i32 = arith.constant 0 : i32
    %c0_i32_0 = arith.constant 0 : i32
    %c0_i32_1 = arith.constant 0 : i32
    return %c0_i32, %c0_i32_0 : i32, i32
  }
  func.func @transform_5(%arg0: i32) -> (i32, i32) {
    %c0_i32 = arith.constant 0 : i32
    %c0_i32_0 = arith.constant 0 : i32
    %c0_i32_1 = arith.constant 0 : i32
    return %c0_i32, %c0_i32_0 : i32, i32
  }
  func.func @transform_6(%arg0: i32) -> (i32, i32) {
    %c0_i32 = arith.constant 0 : i32
    %c0_i32_0 = arith.constant 0 : i32
    %c0_i32_1 = arith.constant 0 : i32
    return %c0_i32, %c0_i32_0 : i32, i32
  }
  func.func @transform_7(%arg0: i32) -> (i32, i32, i32, i32) {
    %c0_i32 = arith.constant 0 : i32
    %c0_i32_0 = arith.constant 0 : i32
    %c0_i32_1 = arith.constant 0 : i32
    %c0_i32_2 = arith.constant 0 : i32
    return %arg0, %c0_i32, %c0_i32_0, %c0_i32_1 : i32, i32, i32, i32
  }
  func.func @transform_8(%arg0: i32) -> (i32, i32, i32) {
    %c0_i32 = arith.constant 0 : i32
    %c0_i32_0 = arith.constant 0 : i32
    %c0_i32_1 = arith.constant 0 : i32
    return %arg0, %c0_i32, %c0_i32_0 : i32, i32, i32
  }
}

</mosaic_0001>

<sc_bundles>
// kernel: kernel.17.cloned.1.call-start
scs
__scs_entry_jumppad:
0x0: {  	(pc) =	sbr.rel $0x88, $3  }
0x1: {  	(tag) =	ssettag $0x0;
	lr =	simm.s32 $0x1  }
0x2: {  	[smem:$0x3F84] =	sst lr;
	_ =	strace $0xD0000000  }
0x3: {  	_ = 	snop  }
0x4: {  	_ = 	snop  }
0x5: {  	_ = 	snop  }
0x6: {  	_ = 	snop  }
0x7: {  	_ = 	snop  }
__scs_overlays_trampoline_lowered:
0x8: {  	[smem:$0x3F93] =	sst s0  }
0x9: {  	[smem:$0x3F94] =	sst s1  }
0xa: {  	[smem:$0x3F95] =	sst s2  }
0xb: {  	[smem:$0x3F96] =	sst s3  }
0xc: {  	[smem:$0x3F97] =	sst s4  }
0xd: {  	[smem:$0x3F98] =	sst s5  }
0xe: {  	[smem:$0x3F99] =	sst s6  }
0xf: {  	[smem:$0x3F9A] =	sst s7  }
0x10: {  	[smem:$0x3F9B] =	sst s8  }
0x11: {  	[smem:$0x3F9C] =	sst s9;
	s0 =	simm.s32 @!p0 $0x0  }
0x12: {  	s1 =	sld [smem:$0x3F82];
	s0 =	simm.s32 @p0 $0x1  }
0x13: {  	[smem:$0x3F9D] =	sst s0;
	s0 =	simm.s32 @!p1 $0x0  }
0x14: {  	s2 =	sld [smem:$0x3F81];
	s0 =	simm.s32 @p1 $0x1  }
0x15: {  	[smem:$0x3F9E] =	sst s0;
	s0 =	simm.s32 @!p2 $0x0  }
0x16: {  	s3 =	sld [smem:$0x3FDB];
	s0 =	simm.s32 @p2 $0x1  }
0x17: {  	s4 =	simm.s32 $0x1BF5;
	[smem:$0x3FA0] =	sst s0  }
0x18: {  	s0 =	sld [smem:$0x3F83];
	_ =	swait.ge [sflag:s4], $0x0  }
0x19: {  	s7 =	sld [smem:$0x3F84]  }
0x1a: {  	s8 =	sadd.s32 $0xFFFFE003, lr  }
0x1b: {  	s9 =	sadd.s32 $0xFFFFFEF7, lr;
	s5 =	simm.s32 $0xFFFFFFFF;
	p2 =	slt.u32 s8, $0xFFFFF086  }
0x1c: {  	p1 =	slt.u32 s9, $0xF7A;
	s5 =	simm.s32 @!p2 $0x0  }
0x1d: {  	s5 =	simm.s32 @p1 $0x1;
	p0 =	seq.s32 s7, s2  }
0x1e: {  	s7 =	smul.u32 @!p0 $0xF7A, s2;
	p2 =	seq.s32 @!p0 s5, $0x0  }
0x1f: {  	s9 =	smul.u32 $0xF7A, s1;
	s8 =	simm.s32 @!p0 $0x1BF5;
	p2 =	por !p2, p0  }
0x20: {  	[sflag:s8] =	ssyncset.s32 @!p0 $0xFFFFF086;
	s6 =	sadd.s32 @!p0 s3, s7;
	s7 =	simm.s32 @!p0 $0x108  }
0x21: {  	s3 =	sadd.s32 s3, s9;
	s6 =	sadd.s32 @!p0 $0x88, s6;
	s7 =	simm.s32 @p2 $0x1082  }
0x22: {  	[simem:s7], [sflag:s8] =	dma.local @!p0 [hbm:s6], $0xF7A  }
0x23: {  	s9 =	sor.u32 $0xD0000000, s2;
	s6 =	simm.s32 $0x108;
	_ =	swait.ge @!p0 [sflag:s8], $0x0  }
0x24: {  	s3 =	sadd.s32 $0x88, s3;
	s6 =	simm.s32 @!p1 $0x1082;
	[sflag:s4] =	ssyncset.s32 $0xFFFFF086  }
0x25: {  	[simem:s6], [sflag:s4] =	dma.local [hbm:s3], $0xF7A  }
0x26: {  	[smem:$0x3F84] =	sst s1;
	(tag) =	ssettag s2;
	_ =	strace s9  }
0x27: {  	s1 =	sld [smem:$0x3F94]  }
0x28: {  	s2 =	sld [smem:$0x3F95]  }
0x29: {  	s4 =	sld [smem:$0x3F97]  }
0x2a: {  	p0 =	seq.s32 s5, $0x0;
	s5 =	sld [smem:$0x3F98]  }
0x2b: {  	s6 =	sld [smem:$0x3F99]  }
0x2c: {  	s7 =	sld [smem:$0x3F9A]  }
0x2d: {  	s3 =	simm.s32 $0x108;
	s8 =	sld [smem:$0x3F9B]  }
0x2e: {  	s3 =	simm.s32 @!p0 $0x1082;
	s9 =	sld [smem:$0x3F9C]  }
0x2f: {  	lr =	sadd.s32 s0, s3;
	s0 =	sld [smem:$0x3F93]  }
0x30: {  	s3 =	sld [smem:$0x3F96]  }
0x31: {  	[smem:$0x3F9F] =	sst s10  }
0x32: {  	s10 =	sld [smem:$0x3F9D];
	_ =	sdelay $0x3  }
0x33: {  	p0 =	seq.s32 s10, $0x1;
	s10 =	sld [smem:$0x3F9F];
	_ =	sdelay $0x3  }
0x34: {  	[smem:$0x3F9F] =	sst s10  }
0x35: {  	s10 =	sld [smem:$0x3F9E];
	_ =	sdelay $0x3  }
0x36: {  	p1 =	seq.s32 s10, $0x1;
	s10 =	sld [smem:$0x3F9F];
	_ =	sdelay $0x3  }
0x37: {  	[smem:$0x3F9F] =	sst s10  }
0x38: {  	s10 =	sld [smem:$0x3FA0]  }
0x39: {  	_ = 	snop;
	(pc) =	sbr.ind lr, $3  }
0x3a: {  	_ = 	snop  }
0x3b: {  	_ = 	snop  }
0x3c: {  	p2 =	seq.s32 s10, $0x1;
	s10 =	sld [smem:$0x3F9F]  }
0x3d: {  	_ =	shalt  }
0x3e: {  	_ =	shalt  }
0x3f: {  	_ =	shalt  }
0x40: {  	_ =	shalt  }
0x41: {  	_ =	shalt  }
0x42: {  	_ =	shalt  }
0x43: {  	_ =	shalt  }
0x44: {  	_ =	shalt  }
0x45: {  	_ =	shalt  }
0x46: {  	_ =	shalt  }
0x47: {  	_ =	shalt  }
0x48: {  	_ =	shalt  }
0x49: {  	_ =	shalt  }
0x4a: {  	_ =	shalt  }
0x4b: {  	_ =	shalt  }
0x4c: {  	_ =	shalt  }
0x4d: {  	_ =	shalt  }
0x4e: {  	_ =	shalt  }
0x4f: {  	_ =	shalt  }
0x50: {  	_ =	shalt  }
0x51: {  	_ =	shalt  }
0x52: {  	_ =	shalt  }
0x53: {  	_ =	shalt  }
0x54: {  	_ =	shalt  }
0x55: {  	_ =	shalt  }
0x56: {  	_ =	shalt  }
0x57: {  	_ =	shalt  }
0x58: {  	_ =	shalt  }
0x59: {  	_ =	shalt  }
0x5a: {  	_ =	shalt  }
0x5b: {  	_ =	shalt  }
0x5c: {  	_ =	shalt  }
0x5d: {  	_ =	shalt  }
0x5e: {  	_ =	shalt  }
0x5f: {  	_ =	shalt  }
0x60: {  	_ =	shalt  }
0x61: {  	_ =	shalt  }
0x62: {  	_ =	shalt  }
0x63: {  	_ =	shalt  }
0x64: {  	_ =	shalt  }
0x65: {  	_ =	shalt  }
0x66: {  	_ =	shalt  }
0x67: {  	_ =	shalt  }
0x68: {  	_ =	shalt  }
0x69: {  	_ =	shalt  }
0x6a: {  	_ =	shalt  }
0x6b: {  	_ =	shalt  }
0x6c: {  	_ =	shalt  }
0x6d: {  	_ =	shalt  }
0x6e: {  	_ =	shalt  }
0x6f: {  	_ =	shalt  }
0x70: {  	_ =	shalt  }
0x71: {  	_ =	shalt  }
0x72: {  	_ =	shalt  }
0x73: {  	_ =	shalt  }
0x74: {  	_ =	shalt  }
0x75: {  	_ =	shalt  }
0x76: {  	_ =	shalt  }
0x77: {  	_ =	shalt  }
0x78: {  	_ =	shalt  }
0x79: {  	_ =	shalt  }
0x7a: {  	_ =	shalt  }
0x7b: {  	_ =	shalt  }
0x7c: {  	_ =	shalt  }
0x7d: {  	_ =	shalt  }
0x7e: {  	_ =	shalt  }
0x7f: {  	_ =	shalt  }
0x80: {  	_ =	shalt  }
0x81: {  	_ =	shalt  }
0x82: {  	_ =	shalt  }
0x83: {  	_ =	shalt  }
0x84: {  	_ =	shalt  }
0x85: {  	_ =	shalt  }
0x86: {  	_ =	shalt  }
0x87: {  	_ =	shalt  }
.Lfunc_end0:
.L_simem_size_0:
called_computation_lowered:
.L_overlay_start_0:
0x88: {  	s2 =	sld [smem:$0x3FD9]  }
0x89: {  	s3 =	sld [smem:$0x3FFE];
	_ =	sdelay $0x1  }
0x8a: {  	s1 =	srdreg.scid  }
0x8b: {  	s0 =	sand.u32 $0x1, s1  }
0x8c: {  	s14 =	sshll.u32 s0, $0xA;
	s2 =	sadd.s32 s3, s2  }
0x8d: {  	s2 =	sadd.s32 s2, s14  }
0x8e: {  	[smem:$0x3FAB] =	sst s2  }
0x8f: {  	_ = 	snop  }
0x90: {  	s2 =	sld [smem:$0x3FD0];
	_ =	sdelay $0x2  }
0x91: {  	s15 =	simm.s32 $0xA;
	s4 =	simm.s32 $0x10  }
0x92: {  	[smem:s4], [sflag:s15] =	dma.local [hbm:s2], $0x1  }
0x93: {  	_ =	swait.eq [sflag:s15], $0x1  }
0x94: {  	[sflag:s15] =	ssyncset.done $0x0  }
0x95: {  	[sflag:s15] =	ssyncadd.s32 $0xFFFFFFFF  }
0x96: {  	s16 =	sld [smem:$0x10];
	(tm) =	ssettm $0x1  }
0x97: {  	s17 =	sld [smem:$0x3FFB];
	_ =	sdelay $0x3  }
0x98: {  	_ =	strace s17  }
0x99: {  	s3 =	sld [smem:$0x3FFC];
	_ =	sdelay $0x3  }
0x9a: {  	_ =	strace s3  }
0x9b: {  	s3 =	sld [smem:$0x3FFD];
	_ =	sdelay $0x3  }
0x9c: {  	_ =	strace s3  }
0x9d: {  	_ =	strace $0x8FFFFFFF  }
0x9e: {  	s18 =	sld [smem:$0x3FDB];
	_ =	sdelay $0x1  }
0x9f: {  	s19 =	simm.s32 $_scs_section_size  }
0xa0: {  	s5 =	simm.s32 $_size__tile_overlayer_lowered;
	s6 =	simm.s32 $_tile_overlayer_lowered  }
0xa1: {  	s22 =	simm.s32 $0x1BFF;
	s21 =	sshll.u32 s6, $0x1;
	s3 =	sadd.s32 s19, s18  }
0xa2: {  	s7 =	simm.s32 $0x0;
	s20 =	sshll.u32 s5, $0x1;
	s5 =	sadd.s32 s21, s3  }
0xa3: {  	[timem:s7], [sflag:s22] =	dma.local [hbm:s5], s20  }
0xa4: {  	_ =	swait.ge [sflag:s22], s20  }
0xa5: {  	s4 =	ssub.s32 $0x0, s20;
	[sflag:s22] =	ssyncset.done $0x0  }
0xa6: {  	[sflag:s22] =	ssyncadd.s32 s4;
	_ =	sdelay $0x1  }
0xa7: {  	s23 =	simm.s32 $0x1B8B  }
0xa8: {  	_ =	swait.ge [sflag:s23], $0x1  }
0xa9: {  	[sflag:s23] =	ssyncset.done $0x0  }
0xaa: {  	s25 =	simm.s32 $0x1B8E;
	s24 =	sld [smem:$0x3FFE];
	[sflag:s23] =	ssyncadd.s32 $0xFFFFFFFF  }
0xab: {  	s26 =	simm.s32 $execute0_lowered;
	[smem:$0x3FD2] =	sst s25  }
0xac: {  	s5 =	sshll.u32 s26, $0x1;
	_ =	strace $0x80000046;
	[dreg:$0x1] =	wrdreg $0xFFFFFFFF  }
0xad: {  	s28 =	simm.s32 $_size_execute0_lowered;
	s3 =	sadd.s32 s3, s5;
	[dreg:$0x0] =	wrdreg $0x0  }
0xae: {  	s5 =	sshll.u32 s28, $0x1;
	[dreg:$0x2] =	wrdreg s3  }
0xaf: {  	[dreg:$0x3] =	wrdreg s5  }
0xb0: {  	[dreg:$0x4] =	wrdreg $0xC0  }
0xb1: {  	_ =	task [dreg:s7], $0x5FFFF  }
0xb2: {  	[dreg:$0x1] =	wrdreg $0xFFFFFFFF  }
0xb3: {  	[dreg:$0x0] =	wrdreg $0x60  }
0xb4: {  	[dreg:$0x2] =	wrdreg s24  }
0xb5: {  	[dreg:$0x3] =	wrdreg s16  }
0xb6: {  	[dreg:$0x4] =	wrdreg $0x9  }
0xb7: {  	_ =	task.clear_ibuf [dreg:s7], $0x5FFFF;
	_ =	strace $0x90000046  }
0xb8: {  	s29 =	simm.s32 $0x9;
	_ =	strace $0x80000048  }
0xb9: {  	_ =	swait.ge [sflag:s29], $0x1  }
0xba: {  	[sflag:s29] =	ssyncadd.s32 $0xFFFFFFFF  }
0xbb: {  	_ =	strace $0x90000048  }
0xbc: {  	_ =	sfence  }
0xbd: {  	s30 =	sld [smem:$0x0];
	_ =	sdelay $0x2  }
0xbe: {  	s31 =	sshll.u32 s1, $0xD;
	s1 =	sshrl.u32 s1, $0x2  }
0xbf: {  	s3 =	sand.u32 $0x4000, s31;
	s1 =	sadd.s32 s1, s30  }
0xc0: {  	s0 =	sor.u32 s3, s0;
	s1 =	sshll.u32 s1, $0x11  }
0xc1: {  	s0 =	sor.u32 s1, s0  }
0xc2: {  	s0 =	sadd.s32 $0x8F2B, s0  }
0xc3: {  	[sflag:s0] =	ssyncadd.remote.s32 $0x1  }
0xc4: {  	_ =	sfence.sel $0xFFFF  }
0xc5: {  	[dreg:$0x0] =	wrdreg $0xFFFFFFFF;
	(pc) =	sbr.abs _section_cstart, $3  }
0xc6: {  	[dreg:$0x1] =	wrdreg $0xFFFFFFFF  }
0xc7: {  	_ =	task.clear_ibuf [dreg:s7], $0x2FFFF;
	_ =	strace $0x9FFFFFFF  }
0xc8: {  	(tm) =	ssettm $0x7FFFFFFF  }
0xc9: {  	_ =	shalt  }
tec
execute0_lowered:
.L_overlay_start_1:
0x0: {  	(tag) =	ssettag $0x1  }
0x1: {  	s0 =	rddreg [dreg:$0x0]  }
0x2: {  	s1 =	srdreg.scid;
	s8 =	stileid.u32  }
0x3: {  	s6 =	rddreg [dreg:$0x1];
	s2 =	simm.s32 $0x0;
	s13 =	simm.s32 $0xA  }
0x4: {  	s14 =	simm.s32 $0x80;
	s15 =	simm.s32 $0x1400;
	s18 =	simm.s32 $0x9400  }
0x5: {  	s21 =	simm.s32 $0x1;
	s29 =	simm.s32 $0x11400;
	s30 =	simm.s32 $0x9  }
0x6: {  	s31 =	simm.s32 $0x0;
	s1 =	sand.u32 $0x1, s1;
	s3 =	sshll.u32 s8, $0x1  }
0x7: {  	[smem:$0x7FF] =	sst s2;
	s5 =	sadd.s32 $0x56800, s0;
	s9 =	smul.u32 $0x138800, s8  }
0x8: {  	s4 =	sor.u32 s1, s3;
	s22 =	ssub.s32 $0x2, s1;
	s1 =	smul.u32 $0x9C400, s1  }
0x9: {  	_ =	strace $0x80000047;
	s7 =	smul.u32 $0x271, s4;
	s23 =	sshrl.u32 s22, $0x1  }
0xa: {  	s3 =	sadd.s32 $0x8400, s0;
	s4 =	smul.u32 $0x9C400, s4;
	s0 =	ssub.s32 s22, s23  }
0xb: {  	s1 =	sadd.s32 s1, s9;
	s22 =	simm.s32 $0x3;
	s23 =	simm.s32 $0x5  }
0xc: {  	s10 =	sshrl.u32 s4, $0x3;
	s6 =	sadd.s32 s6, s7;
	s0 =	smax.u32 s0, $0x1  }
0xd: {  	s26 =	sadd.s32 $0x4000, s1;
	s28 =	sadd.s32 $0xC000, s1;
	[dreg:$0x3] =	wrdreg s6  }
0xe: {  	s1 =	sshrl.u32 s1, $0x3;
	s24 =	sadd.s32 s5, s10;
	[dreg:$0x5] =	wrdreg s0  }
0xf: {  	s0 =	sshrl.u32 s26, $0x3;
	s10 =	sshrl.u32 s28, $0x3;
	s17 =	sadd.s32 s1, s5  }
0x10: {  	s26 =	simm.s32 $0x8;
	s7 =	sadd.s32 $0x12800, s24;
	s25 =	sadd.s32 $0x13800, s24  }
0x11: {  	s0 =	sadd.s32 s0, s5;
	s16 =	sadd.s32 s10, s5;
	[dreg:$0x4] =	wrdreg s25  }
0x12: {  	s24 =	simm.s32 $0x6;
	[dreg:$0x6] =	wrdreg s0;
	s25 =	simm.s32 $0x7  }
.LBB2_1:
0x13: {  	s0 =	rddreg [dreg:$0x3]  }
0x14: {  	[tilespmem:s2], [sflag:$0xA] =	stream.linear.gather [hbm4b:s0+s2], $0x1388, $0x38;
	[tilespmem:$0x11800] =	vst v63  }
0x15: {  	_ =	swait.ge [sflag:s13], $0x1388  }
0x16: {  	[sflag:s13] =	ssyncset.done $0x0  }
0x17: {  	[sflag:s13] =	ssyncadd.s32 $0xFFFFEC78  }
0x18: {  	[tilespmem:s15], [sflag:$0x1] =	stream.indirect.gather [hbm4b:s3+s14], $0x80, s2, s14, $0xb8;
	[tilespmem:$0x11800] =	vst v63  }
0x19: {  	s12 =	simm.s32 $0x5400;
	s19 =	simm.s32 $0x100  }
0x1a: {  	[tilespmem:s12], [sflag:$0x2] =	stream.indirect.gather [hbm4b:s3+s14], $0x80, s14, s14, $0xb8;
	[tilespmem:$0x11800] =	vst v63  }
0x1b: {  	s20 =	simm.s32 $0x180;
	s1 =	simm.s32 $0xD400;
	s11 =	smov.u32 s17  }
0x1c: {  	[tilespmem:s18], [sflag:$0x3] =	stream.indirect.gather [hbm4b:s3+s14], $0x80, s19, s14, $0xb8;
	[tilespmem:$0x11800] =	vst v63  }
0x1d: {  	s28 =	simm.s32 $0x0;
	s0 =	simm.s32 $0x3;
	s10 =	rddreg [dreg:$0x6]  }
0x1e: {  	[tilespmem:s1], [sflag:$0x4] =	stream.indirect.gather [hbm4b:s3+s14], $0x80, s20, s14, $0xb8;
	[tilespmem:$0x11800] =	vst v63  }
0x1f: {  	s12 =	smov.u32 s16;
	s1 =	simm.s32 $0x8000;
	s20 =	simm.s32 $0x0  }
.LBB2_2:
0x20: {  	_ =	swait.ge [sflag:s21], $0x4000  }
0x21: {  	p0 =	seq.s32 s20, $0x4800;
	[sflag:s21] =	ssyncset.done $0x0  }
0x22: {  	s6 =	simm.s32 @p0 $0x2;
	[sflag:s21] =	ssyncadd.s32 $0xFFFFC000  }
0x23: {  	[hbm4b:s11+s2] =	stream.linear.scatter [tilespmem:s15], [sflag:$0x5], $0x4000, $0x38;
	[tilespmem:$0x11800] =	vst v63  }
0x24: {  	_ =	swait.ge @p0 [sflag:s6], $0x4000  }
0x25: {  	[sflag:s6] =	ssyncset.done @p0 $0x0  }
0x26: {  	s8 =	simm.s32 @p0 $0x5400;
	[sflag:s6] =	ssyncadd.s32 @p0 $0xFFFFC000;
	s6 =	simm.s32 @p0 $0x0  }
0x27: {  	[hbm4b:s7+s6] =	stream.linear.scatter @p0 [tilespmem:s8], [sflag:$0x6], $0x4000, $0x38;
	[tilespmem:$0x11800] =	vst v63  }
0x28: {  	s6 =	simm.s32 @!p0 $0x5  }
0x29: {  	_ =	swait.ge @!p0 [sflag:s6], $0x4000  }
0x2a: {  	[sflag:s6] =	ssyncset.done @!p0 $0x0  }
0x2b: {  	[sflag:s6] =	ssyncadd.s32 @!p0 $0xFFFFC000;
	s6 =	sshra.s32 @!p0 s20, $0x2  }
0x2c: {  	s9 =	simm.s32 @!p0 $0x80;
	s19 =	simm.s32 @!p0 $0x1400;
	s8 =	sadd.s32 @!p0 $0x200, s6  }
0x2d: {  	[tilespmem:s19], [sflag:$0x1] =	stream.indirect.gather @!p0 [hbm4b:s3+s9], $0x80, s8, s9, $0xb8;
	[tilespmem:$0x11800] =	vst v63  }
0x2e: {  	s8 =	simm.s32 @!p0 $0x2  }
0x2f: {  	_ =	swait.ge @!p0 [sflag:s8], $0x4000  }
0x30: {  	[sflag:s8] =	ssyncset.done @!p0 $0x0  }
0x31: {  	s19 =	simm.s32 @!p0 $0x5400;
	[sflag:s8] =	ssyncadd.s32 @!p0 $0xFFFFC000;
	s8 =	simm.s32 @!p0 $0x0  }
0x32: {  	[hbm4b:s10+s8] =	stream.linear.scatter @!p0 [tilespmem:s19], [sflag:$0x6], $0x4000, $0x38;
	[tilespmem:$0x11800] =	vst v63  }
0x33: {  	s8 =	simm.s32 @!p0 $0x6  }
0x34: {  	_ =	swait.ge @!p0 [sflag:s8], $0x4000  }
0x35: {  	[sflag:s8] =	ssyncset.done @!p0 $0x0  }
0x36: {  	[sflag:s8] =	ssyncadd.s32 @!p0 $0xFFFFC000;
	s8 =	sadd.s32 @!p0 $0x280, s6  }
0x37: {  	[tilespmem:s19], [sflag:$0x2] =	stream.indirect.gather @!p0 [hbm4b:s3+s9], $0x80, s8, s9, $0xb8;
	[tilespmem:$0x11800] =	vst v63  }
0x38: {  	s8 =	smov.u32 s1  }
0x39: {  	s8 =	simm.s32 @p0 $0x98000  }
0x3a: {  	_ =	swait.ge [sflag:s22], $0x4000;
	s8 =	sadd.s32 s4, s8  }
0x3b: {  	[sflag:s22] =	ssyncset.done $0x0;
	s8 =	sshrl.u32 s8, $0x3  }
0x3c: {  	[sflag:s22] =	ssyncadd.s32 $0xFFFFC000;
	s8 =	sadd.s32 s5, s8  }
0x3d: {  	[hbm4b:s8+s2] =	stream.linear.scatter [tilespmem:s18], [sflag:$0x7], $0x4000, $0x38;
	[tilespmem:$0x11800] =	vst v63  }
0x3e: {  	s8 =	simm.s32 @!p0 $0x7  }
0x3f: {  	p1 =	sgt.u32 @!p0 s0, $0x26;
	_ =	swait.ge @!p0 [sflag:s8], $0x4000  }
0x40: {  	p2 =	por p1, p0;
	[sflag:s8] =	ssyncset.done @!p0 $0x0  }
0x41: {  	s6 =	sadd.s32 @!p0 $0x300, s6;
	[sflag:s8] =	ssyncadd.s32 @!p0 $0xFFFFC000;
	s8 =	simm.s32 @!p0 $0x9400  }
0x42: {  	[tilespmem:s8], [sflag:$0x3] =	stream.indirect.gather @!p0 [hbm4b:s3+s9], $0x80, s6, s9, $0xb8;
	[tilespmem:$0x11800] =	vst v63  }
0x43: {  	s6 =	simm.s32 @!p2 $0x4  }
0x44: {  	_ =	swait.ge @!p2 [sflag:s6], $0x4000  }
0x45: {  	[sflag:s6] =	ssyncset.done @!p2 $0x0  }
0x46: {  	s8 =	simm.s32 @!p2 $0xD400;
	[sflag:s6] =	ssyncadd.s32 @!p2 $0xFFFFC000;
	s6 =	simm.s32 @!p2 $0x0  }
0x47: {  	[hbm4b:s12+s6] =	stream.linear.scatter @!p2 [tilespmem:s8], [sflag:$0x8], $0x4000, $0x38;
	[tilespmem:$0x11800] =	vst v63  }
0x48: {  	p2 =	sgt.u32 @!p2 s28, $0x7  }
0x49: {  	p1 =	por @!p0 p2, p1  }
0x4a: {  	p1 =	por p1, p0  }
0x4b: {  	s6 =	simm.s32 @!p1 $0x8  }
0x4c: {  	_ =	swait.ge @!p1 [sflag:s6], $0x4000  }
0x4d: {  	[sflag:s6] =	ssyncset.done @!p1 $0x0  }
0x4e: {  	s8 =	simm.s32 @!p1 $0x80;
	[sflag:s6] =	ssyncadd.s32 @!p1 $0xFFFFC000;
	s6 =	sshra.s32 @!p1 s20, $0x2  }
0x4f: {  	s9 =	simm.s32 @!p1 $0xD400;
	s20 =	sadd.s32 @!p0 $0x800, s20;
	s6 =	sadd.s32 @!p1 $0x380, s6  }
0x50: {  	[tilespmem:s9], [sflag:$0x4] =	stream.indirect.gather @!p1 [hbm4b:s3+s8], $0x80, s6, s8, $0xb8;
	[tilespmem:$0x11800] =	vst v63  }
0x51: {  	p1 =	sne.s32 @!p0 s20, $0x5000  }
0x52: {  	p1 =	por p0, !p1  }
.Ltmp0:
0x53: {  	_ = 	snop;
	(pc) =	sbr.rel @!p1 .LBB2_2-.Ltmp0, $3  }
0x54: {  	_ =	sdelay $0x1  }
0x55: {  	s0 =	sadd.s32 @!p0 $0x4, s0;
	s11 =	sadd.s32 @!p0 $0x2000, s11;
	s10 =	sadd.s32 @!p0 $0x2000, s10  }
0x56: {  	s1 =	sadd.s32 @!p0 $0x10000, s1;
	s28 =	sadd.s32 @!p0 $0x1, s28;
	s12 =	sadd.s32 @!p0 $0x2000, s12  }
0x57: {  	_ =	swait.ge [sflag:s23], $0x4000  }
0x58: {  	[sflag:s23] =	ssyncset.done $0x0  }
0x59: {  	[sflag:s23] =	ssyncadd.s32 $0xFFFFC000  }
0x5a: {  	_ =	swait.ge [sflag:s24], $0x4000  }
0x5b: {  	[sflag:s24] =	ssyncset.done $0x0  }
0x5c: {  	[sflag:s24] =	ssyncadd.s32 $0xFFFFC000  }
0x5d: {  	_ =	swait.ge [sflag:s25], $0x4000  }
0x5e: {  	[sflag:s25] =	ssyncset.done $0x0  }
0x5f: {  	[sflag:s25] =	ssyncadd.s32 $0xFFFFC000  }
0x60: {  	_ =	swait.ge [sflag:s26], $0x4000  }
0x61: {  	[sflag:s26] =	ssyncset.done $0x0  }
0x62: {  	s0 =	simm.s32 $0x1380;
	[sflag:s26] =	ssyncadd.s32 $0xFFFFC000  }
0x63: {  	[tilespmem:s29], [sflag:$0x9] =	stream.indirect.gather [hbm4b:s3+s26], $0x80, s0, s26, $0xb8;
	[tilespmem:$0x11800] =	vst v63  }
0x64: {  	_ =	swait.ge [sflag:s30], $0x400  }
0x65: {  	[sflag:s30] =	ssyncset.done $0x0  }
0x66: {  	s20 =	rddreg [dreg:$0x4];
	[sflag:s30] =	ssyncadd.s32 $0xFFFFFC00  }
0x67: {  	[hbm4b:s20+s2] =	stream.linear.scatter [tilespmem:s29], [sflag:$0xA], $0x400, $0x38;
	[tilespmem:$0x11800] =	vst v63  }
0x68: {  	_ =	swait.ge [sflag:s13], $0x400  }
0x69: {  	s31 =	sadd.s32 $0x1, s31;
	s28 =	rddreg [dreg:$0x5]  }
0x6a: {  	p0 =	sne.s32 s31, s28  }
.Ltmp1:
0x6b: {  	_ = 	snop;
	(pc) =	sbr.rel @p0 .LBB2_1-.Ltmp1, $3  }
0x6c: {  	_ =	sdelay $0x1  }
0x6d: {  	[sflag:s13] =	ssyncset.done $0x0  }
0x6e: {  	[sflag:s13] =	ssyncadd.s32 $0xFFFFFC00  }
0x6f: {  	_ =	sfence.sel $0x180000  }
0x70: {  	[bflag:$0x0] =	sbarrier.arrive $0xFFFF  }
0x71: {  	_ =	strace $0x90000047  }
0x72: {  	s0 =	stileid.u32;
	[bflag:$0x2] =	sbarrier.arrive $0xFFFF  }
0x73: {  	p0 =	sne.s32 s0, $0x0;
	s0 =	rddreg [dreg:$0x2]  }
0x74: {  	s0 =	sadd.s32 @!p0 $0x100000, s0  }
0x75: {  	[sflag:s0] =	ssyncadd.tile.s32 @!p0 $0x1;
	_ =	shalt  }
.Lfunc_end2:
_tile_overlayer_lowered:
.L_overlay_start_2:
0x76: {  	(tag) =	ssettag $0x2  }
0x77: {  	s0 =	rddreg [dreg:$0x0];
	s2 =	stileid.u32  }
0x78: {  	s1 =	rddreg [dreg:$0x1];
	p0 =	sne.s32 s2, $0x0  }
0x79: {  	s3 =	rddreg [dreg:$0x2];
	[bflag:$0x3] =	sbarrier.arrive $0xFFFF;
	s2 =	simm.s32 @!p0 $0x1C0A  }
0x7a: {  	[timem:s3], [sflag:s2] =	dma.local @!p0 [hbm:s0], s1  }
0x7b: {  	s0 =	simm.s32 @!p0 $0xA  }
0x7c: {  	_ =	swait.ge @!p0 [sflag:s0], s1  }
0x7d: {  	s1 =	ssub.s32 @!p0 $0x0, s1;
	[sflag:s0] =	ssyncset.done @!p0 $0x0  }
0x7e: {  	[sflag:s0] =	ssyncadd.s32 @!p0 s1  }
0x7f: {  	[bflag:$0x3] =	sbarrier.arrive $0xFFFF  }
0x80: {  	_ =	shalt  }

// kernel: kernel.20.cloned.1.call-start
scs
__scs_entry_jumppad:
0x0: {  	(pc) =	sbr.rel $0x88, $3  }
0x1: {  	(tag) =	ssettag $0x0;
	lr =	simm.s32 $0x1  }
0x2: {  	[smem:$0x3F84] =	sst lr;
	_ =	strace $0xD0000000  }
0x3: {  	_ = 	snop  }
0x4: {  	_ = 	snop  }
0x5: {  	_ = 	snop  }
0x6: {  	_ = 	snop  }
0x7: {  	_ = 	snop  }
__scs_overlays_trampoline_lowered:
0x8: {  	[smem:$0x3F93] =	sst s0  }
0x9: {  	[smem:$0x3F94] =	sst s1  }
0xa: {  	[smem:$0x3F95] =	sst s2  }
0xb: {  	[smem:$0x3F96] =	sst s3  }
0xc: {  	[smem:$0x3F97] =	sst s4  }
0xd: {  	[smem:$0x3F98] =	sst s5  }
0xe: {  	[smem:$0x3F99] =	sst s6  }
0xf: {  	[smem:$0x3F9A] =	sst s7  }
0x10: {  	[smem:$0x3F9B] =	sst s8  }
0x11: {  	[smem:$0x3F9C] =	sst s9;
	s0 =	simm.s32 @!p0 $0x0  }
0x12: {  	s1 =	sld [smem:$0x3F82];
	s0 =	simm.s32 @p0 $0x1  }
0x13: {  	[smem:$0x3F9D] =	sst s0;
	s0 =	simm.s32 @!p1 $0x0  }
0x14: {  	s2 =	sld [smem:$0x3F81];
	s0 =	simm.s32 @p1 $0x1  }
0x15: {  	[smem:$0x3F9E] =	sst s0;
	s0 =	simm.s32 @!p2 $0x0  }
0x16: {  	s3 =	sld [smem:$0x3FDB];
	s0 =	simm.s32 @p2 $0x1  }
0x17: {  	s4 =	simm.s32 $0x1BF5;
	[smem:$0x3FA0] =	sst s0  }
0x18: {  	s0 =	sld [smem:$0x3F83];
	_ =	swait.ge [sflag:s4], $0x0  }
0x19: {  	s7 =	sld [smem:$0x3F84]  }
0x1a: {  	s8 =	sadd.s32 $0xFFFFE003, lr  }
0x1b: {  	s9 =	sadd.s32 $0xFFFFFEF7, lr;
	s5 =	simm.s32 $0xFFFFFFFF;
	p2 =	slt.u32 s8, $0xFFFFF086  }
0x1c: {  	p1 =	slt.u32 s9, $0xF7A;
	s5 =	simm.s32 @!p2 $0x0  }
0x1d: {  	s5 =	simm.s32 @p1 $0x1;
	p0 =	seq.s32 s7, s2  }
0x1e: {  	s7 =	smul.u32 @!p0 $0xF7A, s2;
	p2 =	seq.s32 @!p0 s5, $0x0  }
0x1f: {  	s9 =	smul.u32 $0xF7A, s1;
	s8 =	simm.s32 @!p0 $0x1BF5;
	p2 =	por !p2, p0  }
0x20: {  	[sflag:s8] =	ssyncset.s32 @!p0 $0xFFFFF086;
	s6 =	sadd.s32 @!p0 s3, s7;
	s7 =	simm.s32 @!p0 $0x108  }
0x21: {  	s3 =	sadd.s32 s3, s9;
	s6 =	sadd.s32 @!p0 $0x88, s6;
	s7 =	simm.s32 @p2 $0x1082  }
0x22: {  	[simem:s7], [sflag:s8] =	dma.local @!p0 [hbm:s6], $0xF7A  }
0x23: {  	s9 =	sor.u32 $0xD0000000, s2;
	s6 =	simm.s32 $0x108;
	_ =	swait.ge @!p0 [sflag:s8], $0x0  }
0x24: {  	s3 =	sadd.s32 $0x88, s3;
	s6 =	simm.s32 @!p1 $0x1082;
	[sflag:s4] =	ssyncset.s32 $0xFFFFF086  }
0x25: {  	[simem:s6], [sflag:s4] =	dma.local [hbm:s3], $0xF7A  }
0x26: {  	[smem:$0x3F84] =	sst s1;
	(tag) =	ssettag s2;
	_ =	strace s9  }
0x27: {  	s1 =	sld [smem:$0x3F94]  }
0x28: {  	s2 =	sld [smem:$0x3F95]  }
0x29: {  	s4 =	sld [smem:$0x3F97]  }
0x2a: {  	p0 =	seq.s32 s5, $0x0;
	s5 =	sld [smem:$0x3F98]  }
0x2b: {  	s6 =	sld [smem:$0x3F99]  }
0x2c: {  	s7 =	sld [smem:$0x3F9A]  }
0x2d: {  	s3 =	simm.s32 $0x108;
	s8 =	sld [smem:$0x3F9B]  }
0x2e: {  	s3 =	simm.s32 @!p0 $0x1082;
	s9 =	sld [smem:$0x3F9C]  }
0x2f: {  	lr =	sadd.s32 s0, s3;
	s0 =	sld [smem:$0x3F93]  }
0x30: {  	s3 =	sld [smem:$0x3F96]  }
0x31: {  	[smem:$0x3F9F] =	sst s10  }
0x32: {  	s10 =	sld [smem:$0x3F9D];
	_ =	sdelay $0x3  }
0x33: {  	p0 =	seq.s32 s10, $0x1;
	s10 =	sld [smem:$0x3F9F];
	_ =	sdelay $0x3  }
0x34: {  	[smem:$0x3F9F] =	sst s10  }
0x35: {  	s10 =	sld [smem:$0x3F9E];
	_ =	sdelay $0x3  }
0x36: {  	p1 =	seq.s32 s10, $0x1;
	s10 =	sld [smem:$0x3F9F];
	_ =	sdelay $0x3  }
0x37: {  	[smem:$0x3F9F] =	sst s10  }
0x38: {  	s10 =	sld [smem:$0x3FA0]  }
0x39: {  	_ = 	snop;
	(pc) =	sbr.ind lr, $3  }
0x3a: {  	_ = 	snop  }
0x3b: {  	_ = 	snop  }
0x3c: {  	p2 =	seq.s32 s10, $0x1;
	s10 =	sld [smem:$0x3F9F]  }
0x3d: {  	_ =	shalt  }
0x3e: {  	_ =	shalt  }
0x3f: {  	_ =	shalt  }
0x40: {  	_ =	shalt  }
0x41: {  	_ =	shalt  }
0x42: {  	_ =	shalt  }
0x43: {  	_ =	shalt  }
0x44: {  	_ =	shalt  }
0x45: {  	_ =	shalt  }
0x46: {  	_ =	shalt  }
0x47: {  	_ =	shalt  }
0x48: {  	_ =	shalt  }
0x49: {  	_ =	shalt  }
0x4a: {  	_ =	shalt  }
0x4b: {  	_ =	shalt  }
0x4c: {  	_ =	shalt  }
0x4d: {  	_ =	shalt  }
0x4e: {  	_ =	shalt  }
0x4f: {  	_ =	shalt  }
0x50: {  	_ =	shalt  }
0x51: {  	_ =	shalt  }
0x52: {  	_ =	shalt  }
0x53: {  	_ =	shalt  }
0x54: {  	_ =	shalt  }
0x55: {  	_ =	shalt  }
0x56: {  	_ =	shalt  }
0x57: {  	_ =	shalt  }
0x58: {  	_ =	shalt  }
0x59: {  	_ =	shalt  }
0x5a: {  	_ =	shalt  }
0x5b: {  	_ =	shalt  }
0x5c: {  	_ =	shalt  }
0x5d: {  	_ =	shalt  }
0x5e: {  	_ =	shalt  }
0x5f: {  	_ =	shalt  }
0x60: {  	_ =	shalt  }
0x61: {  	_ =	shalt  }
0x62: {  	_ =	shalt  }
0x63: {  	_ =	shalt  }
0x64: {  	_ =	shalt  }
0x65: {  	_ =	shalt  }
0x66: {  	_ =	shalt  }
0x67: {  	_ =	shalt  }
0x68: {  	_ =	shalt  }
0x69: {  	_ =	shalt  }
0x6a: {  	_ =	shalt  }
0x6b: {  	_ =	shalt  }
0x6c: {  	_ =	shalt  }
0x6d: {  	_ =	shalt  }
0x6e: {  	_ =	shalt  }
0x6f: {  	_ =	shalt  }
0x70: {  	_ =	shalt  }
0x71: {  	_ =	shalt  }
0x72: {  	_ =	shalt  }
0x73: {  	_ =	shalt  }
0x74: {  	_ =	shalt  }
0x75: {  	_ =	shalt  }
0x76: {  	_ =	shalt  }
0x77: {  	_ =	shalt  }
0x78: {  	_ =	shalt  }
0x79: {  	_ =	shalt  }
0x7a: {  	_ =	shalt  }
0x7b: {  	_ =	shalt  }
0x7c: {  	_ =	shalt  }
0x7d: {  	_ =	shalt  }
0x7e: {  	_ =	shalt  }
0x7f: {  	_ =	shalt  }
0x80: {  	_ =	shalt  }
0x81: {  	_ =	shalt  }
0x82: {  	_ =	shalt  }
0x83: {  	_ =	shalt  }
0x84: {  	_ =	shalt  }
0x85: {  	_ =	shalt  }
0x86: {  	_ =	shalt  }
0x87: {  	_ =	shalt  }
.Lfunc_end0:
.L_simem_size_0:
called_computation.1_lowered:
.L_overlay_start_0:
0x88: {  	s2 =	sld [smem:$0x3FD9]  }
0x89: {  	s3 =	sld [smem:$0x3FFE];
	_ =	sdelay $0x1  }
0x8a: {  	s1 =	srdreg.scid  }
0x8b: {  	s0 =	sand.u32 $0x1, s1  }
0x8c: {  	s14 =	sshll.u32 s0, $0xA;
	s2 =	sadd.s32 s3, s2  }
0x8d: {  	s2 =	sadd.s32 s2, s14  }
0x8e: {  	[smem:$0x3FAB] =	sst s2  }
0x8f: {  	_ = 	snop  }
0x90: {  	s2 =	sld [smem:$0x3FD0];
	_ =	sdelay $0x2  }
0x91: {  	s15 =	simm.s32 $0xA;
	s4 =	simm.s32 $0x10  }
0x92: {  	[smem:s4], [sflag:s15] =	dma.local [hbm:s2], $0x1  }
0x93: {  	_ =	swait.eq [sflag:s15], $0x1  }
0x94: {  	[sflag:s15] =	ssyncset.done $0x0  }
0x95: {  	[sflag:s15] =	ssyncadd.s32 $0xFFFFFFFF  }
0x96: {  	s16 =	sld [smem:$0x10];
	(tm) =	ssettm $0x1  }
0x97: {  	s17 =	sld [smem:$0x3FFB];
	_ =	sdelay $0x3  }
0x98: {  	_ =	strace s17  }
0x99: {  	s3 =	sld [smem:$0x3FFC];
	_ =	sdelay $0x3  }
0x9a: {  	_ =	strace s3  }
0x9b: {  	s3 =	sld [smem:$0x3FFD];
	_ =	sdelay $0x3  }
0x9c: {  	_ =	strace s3  }
0x9d: {  	_ =	strace $0x8FFFFFFF  }
0x9e: {  	s18 =	sld [smem:$0x3FDB];
	_ =	sdelay $0x1  }
0x9f: {  	s19 =	simm.s32 $_scs_section_size  }
0xa0: {  	s5 =	simm.s32 $_size__tile_overlayer_lowered;
	s6 =	simm.s32 $_tile_overlayer_lowered  }
0xa1: {  	s22 =	simm.s32 $0x1BFF;
	s21 =	sshll.u32 s6, $0x1;
	s3 =	sadd.s32 s19, s18  }
0xa2: {  	s7 =	simm.s32 $0x0;
	s20 =	sshll.u32 s5, $0x1;
	s5 =	sadd.s32 s21, s3  }
0xa3: {  	[timem:s7], [sflag:s22] =	dma.local [hbm:s5], s20  }
0xa4: {  	_ =	swait.ge [sflag:s22], s20  }
0xa5: {  	s4 =	ssub.s32 $0x0, s20;
	[sflag:s22] =	ssyncset.done $0x0  }
0xa6: {  	[sflag:s22] =	ssyncadd.s32 s4;
	_ =	sdelay $0x1  }
0xa7: {  	s23 =	simm.s32 $0x1B8B  }
0xa8: {  	_ =	swait.ge [sflag:s23], $0x1  }
0xa9: {  	[sflag:s23] =	ssyncset.done $0x0  }
0xaa: {  	s25 =	simm.s32 $0x1B8E;
	s24 =	sld [smem:$0x3FFE];
	[sflag:s23] =	ssyncadd.s32 $0xFFFFFFFF  }
0xab: {  	s26 =	simm.s32 $execute0_lowered;
	[smem:$0x3FD2] =	sst s25  }
0xac: {  	s5 =	sshll.u32 s26, $0x1;
	_ =	strace $0x80000049;
	[dreg:$0x1] =	wrdreg $0xFFFFFFFF  }
0xad: {  	s28 =	simm.s32 $_size_execute0_lowered;
	s3 =	sadd.s32 s3, s5;
	[dreg:$0x0] =	wrdreg $0x0  }
0xae: {  	s5 =	sshll.u32 s28, $0x1;
	[dreg:$0x2] =	wrdreg s3  }
0xaf: {  	[dreg:$0x3] =	wrdreg s5  }
0xb0: {  	[dreg:$0x4] =	wrdreg $0xC0  }
0xb1: {  	_ =	task [dreg:s7], $0x5FFFF  }
0xb2: {  	[dreg:$0x1] =	wrdreg $0xFFFFFFFF  }
0xb3: {  	[dreg:$0x0] =	wrdreg $0x60  }
0xb4: {  	[dreg:$0x2] =	wrdreg s24  }
0xb5: {  	[dreg:$0x3] =	wrdreg s16  }
0xb6: {  	[dreg:$0x4] =	wrdreg $0x9  }
0xb7: {  	_ =	task.clear_ibuf [dreg:s7], $0x5FFFF;
	_ =	strace $0x90000049  }
0xb8: {  	s29 =	simm.s32 $0x9;
	_ =	strace $0x8000004B  }
0xb9: {  	_ =	swait.ge [sflag:s29], $0x1  }
0xba: {  	[sflag:s29] =	ssyncadd.s32 $0xFFFFFFFF  }
0xbb: {  	_ =	strace $0x9000004B  }
0xbc: {  	_ =	sfence  }
0xbd: {  	s30 =	sld [smem:$0x0];
	_ =	sdelay $0x2  }
0xbe: {  	s31 =	sshll.u32 s1, $0xD;
	s1 =	sshrl.u32 s1, $0x2  }
0xbf: {  	s3 =	sand.u32 $0x4000, s31;
	s1 =	sadd.s32 s1, s30  }
0xc0: {  	s0 =	sor.u32 s3, s0;
	s1 =	sshll.u32 s1, $0x11  }
0xc1: {  	s0 =	sor.u32 s1, s0  }
0xc2: {  	s0 =	sadd.s32 $0x8F2B, s0  }
0xc3: {  	[sflag:s0] =	ssyncadd.remote.s32 $0x1  }
0xc4: {  	_ =	sfence.sel $0xFFFF  }
0xc5: {  	[dreg:$0x0] =	wrdreg $0xFFFFFFFF;
	(pc) =	sbr.abs _section_cstart, $3  }
0xc6: {  	[dreg:$0x1] =	wrdreg $0xFFFFFFFF  }
0xc7: {  	_ =	task.clear_ibuf [dreg:s7], $0x2FFFF;
	_ =	strace $0x9FFFFFFF  }
0xc8: {  	(tm) =	ssettm $0x7FFFFFFF  }
0xc9: {  	_ =	shalt  }
tec
execute0_lowered:
.L_overlay_start_1:
0x0: {  	(tag) =	ssettag $0x1  }
0x1: {  	s0 =	rddreg [dreg:$0x0]  }
0x2: {  	s1 =	srdreg.scid;
	s8 =	stileid.u32  }
0x3: {  	s6 =	rddreg [dreg:$0x1];
	s2 =	simm.s32 $0x0;
	s13 =	simm.s32 $0xA  }
0x4: {  	s14 =	simm.s32 $0x80;
	s15 =	simm.s32 $0x1400;
	s18 =	simm.s32 $0x9400  }
0x5: {  	s21 =	simm.s32 $0x1;
	s29 =	simm.s32 $0x11400;
	s30 =	simm.s32 $0x9  }
0x6: {  	s31 =	simm.s32 $0x0;
	s1 =	sand.u32 $0x1, s1;
	s3 =	sshll.u32 s8, $0x1  }
0x7: {  	[smem:$0x7FF] =	sst s2;
	s5 =	sadd.s32 $0x56800, s0;
	s9 =	smul.u32 $0x138800, s8  }
0x8: {  	s4 =	sor.u32 s1, s3;
	s22 =	ssub.s32 $0x2, s1;
	s1 =	smul.u32 $0x9C400, s1  }
0x9: {  	_ =	strace $0x8000004A;
	s7 =	smul.u32 $0x271, s4;
	s23 =	sshrl.u32 s22, $0x1  }
0xa: {  	s3 =	sadd.s32 $0x8400, s0;
	s4 =	smul.u32 $0x9C400, s4;
	s0 =	ssub.s32 s22, s23  }
0xb: {  	s1 =	sadd.s32 s1, s9;
	s22 =	simm.s32 $0x3;
	s23 =	simm.s32 $0x5  }
0xc: {  	s10 =	sshrl.u32 s4, $0x3;
	s6 =	sadd.s32 s6, s7;
	s0 =	smax.u32 s0, $0x1  }
0xd: {  	s26 =	sadd.s32 $0x4000, s1;
	s28 =	sadd.s32 $0xC000, s1;
	[dreg:$0x3] =	wrdreg s6  }
0xe: {  	s1 =	sshrl.u32 s1, $0x3;
	s24 =	sadd.s32 s5, s10;
	[dreg:$0x5] =	wrdreg s0  }
0xf: {  	s0 =	sshrl.u32 s26, $0x3;
	s10 =	sshrl.u32 s28, $0x3;
	s17 =	sadd.s32 s1, s5  }
0x10: {  	s26 =	simm.s32 $0x8;
	s7 =	sadd.s32 $0x12800, s24;
	s25 =	sadd.s32 $0x13800, s24  }
0x11: {  	s0 =	sadd.s32 s0, s5;
	s16 =	sadd.s32 s10, s5;
	[dreg:$0x4] =	wrdreg s25  }
0x12: {  	s24 =	simm.s32 $0x6;
	[dreg:$0x6] =	wrdreg s0;
	s25 =	simm.s32 $0x7  }
.LBB2_1:
0x13: {  	s0 =	rddreg [dreg:$0x3]  }
0x14: {  	[tilespmem:s2], [sflag:$0xA] =	stream.linear.gather [hbm4b:s0+s2], $0x1388, $0x38;
	[tilespmem:$0x11800] =	vst v63  }
0x15: {  	_ =	swait.ge [sflag:s13], $0x1388  }
0x16: {  	[sflag:s13] =	ssyncset.done $0x0  }
0x17: {  	[sflag:s13] =	ssyncadd.s32 $0xFFFFEC78  }
0x18: {  	[tilespmem:s15], [sflag:$0x1] =	stream.indirect.gather [hbm4b:s3+s14], $0x80, s2, s14, $0xb8;
	[tilespmem:$0x11800] =	vst v63  }
0x19: {  	s12 =	simm.s32 $0x5400;
	s19 =	simm.s32 $0x100  }
0x1a: {  	[tilespmem:s12], [sflag:$0x2] =	stream.indirect.gather [hbm4b:s3+s14], $0x80, s14, s14, $0xb8;
	[tilespmem:$0x11800] =	vst v63  }
0x1b: {  	s20 =	simm.s32 $0x180;
	s1 =	simm.s32 $0xD400;
	s11 =	smov.u32 s17  }
0x1c: {  	[tilespmem:s18], [sflag:$0x3] =	stream.indirect.gather [hbm4b:s3+s14], $0x80, s19, s14, $0xb8;
	[tilespmem:$0x11800] =	vst v63  }
0x1d: {  	s28 =	simm.s32 $0x0;
	s0 =	simm.s32 $0x3;
	s10 =	rddreg [dreg:$0x6]  }
0x1e: {  	[tilespmem:s1], [sflag:$0x4] =	stream.indirect.gather [hbm4b:s3+s14], $0x80, s20, s14, $0xb8;
	[tilespmem:$0x11800] =	vst v63  }
0x1f: {  	s12 =	smov.u32 s16;
	s1 =	simm.s32 $0x8000;
	s20 =	simm.s32 $0x0  }
.LBB2_2:
0x20: {  	_ =	swait.ge [sflag:s21], $0x4000  }
0x21: {  	p0 =	seq.s32 s20, $0x4800;
	[sflag:s21] =	ssyncset.done $0x0  }
0x22: {  	s6 =	simm.s32 @p0 $0x2;
	[sflag:s21] =	ssyncadd.s32 $0xFFFFC000  }
0x23: {  	[hbm4b:s11+s2] =	stream.linear.scatter [tilespmem:s15], [sflag:$0x5], $0x4000, $0x38;
	[tilespmem:$0x11800] =	vst v63  }
0x24: {  	_ =	swait.ge @p0 [sflag:s6], $0x4000  }
0x25: {  	[sflag:s6] =	ssyncset.done @p0 $0x0  }
0x26: {  	s8 =	simm.s32 @p0 $0x5400;
	[sflag:s6] =	ssyncadd.s32 @p0 $0xFFFFC000;
	s6 =	simm.s32 @p0 $0x0  }
0x27: {  	[hbm4b:s7+s6] =	stream.linear.scatter @p0 [tilespmem:s8], [sflag:$0x6], $0x4000, $0x38;
	[tilespmem:$0x11800] =	vst v63  }
0x28: {  	s6 =	simm.s32 @!p0 $0x5  }
0x29: {  	_ =	swait.ge @!p0 [sflag:s6], $0x4000  }
0x2a: {  	[sflag:s6] =	ssyncset.done @!p0 $0x0  }
0x2b: {  	[sflag:s6] =	ssyncadd.s32 @!p0 $0xFFFFC000;
	s6 =	sshra.s32 @!p0 s20, $0x2  }
0x2c: {  	s9 =	simm.s32 @!p0 $0x80;
	s19 =	simm.s32 @!p0 $0x1400;
	s8 =	sadd.s32 @!p0 $0x200, s6  }
0x2d: {  	[tilespmem:s19], [sflag:$0x1] =	stream.indirect.gather @!p0 [hbm4b:s3+s9], $0x80, s8, s9, $0xb8;
	[tilespmem:$0x11800] =	vst v63  }
0x2e: {  	s8 =	simm.s32 @!p0 $0x2  }
0x2f: {  	_ =	swait.ge @!p0 [sflag:s8], $0x4000  }
0x30: {  	[sflag:s8] =	ssyncset.done @!p0 $0x0  }
0x31: {  	s19 =	simm.s32 @!p0 $0x5400;
	[sflag:s8] =	ssyncadd.s32 @!p0 $0xFFFFC000;
	s8 =	simm.s32 @!p0 $0x0  }
0x32: {  	[hbm4b:s10+s8] =	stream.linear.scatter @!p0 [tilespmem:s19], [sflag:$0x6], $0x4000, $0x38;
	[tilespmem:$0x11800] =	vst v63  }
0x33: {  	s8 =	simm.s32 @!p0 $0x6  }
0x34: {  	_ =	swait.ge @!p0 [sflag:s8], $0x4000  }
0x35: {  	[sflag:s8] =	ssyncset.done @!p0 $0x0  }
0x36: {  	[sflag:s8] =	ssyncadd.s32 @!p0 $0xFFFFC000;
	s8 =	sadd.s32 @!p0 $0x280, s6  }
0x37: {  	[tilespmem:s19], [sflag:$0x2] =	stream.indirect.gather @!p0 [hbm4b:s3+s9], $0x80, s8, s9, $0xb8;
	[tilespmem:$0x11800] =	vst v63  }
0x38: {  	s8 =	smov.u32 s1  }
0x39: {  	s8 =	simm.s32 @p0 $0x98000  }
0x3a: {  	_ =	swait.ge [sflag:s22], $0x4000;
	s8 =	sadd.s32 s4, s8  }
0x3b: {  	[sflag:s22] =	ssyncset.done $0x0;
	s8 =	sshrl.u32 s8, $0x3  }
0x3c: {  	[sflag:s22] =	ssyncadd.s32 $0xFFFFC000;
	s8 =	sadd.s32 s5, s8  }
0x3d: {  	[hbm4b:s8+s2] =	stream.linear.scatter [tilespmem:s18], [sflag:$0x7], $0x4000, $0x38;
	[tilespmem:$0x11800] =	vst v63  }
0x3e: {  	s8 =	simm.s32 @!p0 $0x7  }
0x3f: {  	p1 =	sgt.u32 @!p0 s0, $0x26;
	_ =	swait.ge @!p0 [sflag:s8], $0x4000  }
0x40: {  	p2 =	por p1, p0;
	[sflag:s8] =	ssyncset.done @!p0 $0x0  }
0x41: {  	s6 =	sadd.s32 @!p0 $0x300, s6;
	[sflag:s8] =	ssyncadd.s32 @!p0 $0xFFFFC000;
	s8 =	simm.s32 @!p0 $0x9400  }
0x42: {  	[tilespmem:s8], [sflag:$0x3] =	stream.indirect.gather @!p0 [hbm4b:s3+s9], $0x80, s6, s9, $0xb8;
	[tilespmem:$0x11800] =	vst v63  }
0x43: {  	s6 =	simm.s32 @!p2 $0x4  }
0x44: {  	_ =	swait.ge @!p2 [sflag:s6], $0x4000  }
0x45: {  	[sflag:s6] =	ssyncset.done @!p2 $0x0  }
0x46: {  	s8 =	simm.s32 @!p2 $0xD400;
	[sflag:s6] =	ssyncadd.s32 @!p2 $0xFFFFC000;
	s6 =	simm.s32 @!p2 $0x0  }
0x47: {  	[hbm4b:s12+s6] =	stream.linear.scatter @!p2 [tilespmem:s8], [sflag:$0x8], $0x4000, $0x38;
	[tilespmem:$0x11800] =	vst v63  }
0x48: {  	p2 =	sgt.u32 @!p2 s28, $0x7  }
0x49: {  	p1 =	por @!p0 p2, p1  }
0x4a: {  	p1 =	por p1, p0  }
0x4b: {  	s6 =	simm.s32 @!p1 $0x8  }
0x4c: {  	_ =	swait.ge @!p1 [sflag:s6], $0x4000  }
0x4d: {  	[sflag:s6] =	ssyncset.done @!p1 $0x0  }
0x4e: {  	s8 =	simm.s32 @!p1 $0x80;
	[sflag:s6] =	ssyncadd.s32 @!p1 $0xFFFFC000;
	s6 =	sshra.s32 @!p1 s20, $0x2  }
0x4f: {  	s9 =	simm.s32 @!p1 $0xD400;
	s20 =	sadd.s32 @!p0 $0x800, s20;
	s6 =	sadd.s32 @!p1 $0x380, s6  }
0x50: {  	[tilespmem:s9], [sflag:$0x4] =	stream.indirect.gather @!p1 [hbm4b:s3+s8], $0x80, s6, s8, $0xb8;
	[tilespmem:$0x11800] =	vst v63  }
0x51: {  	p1 =	sne.s32 @!p0 s20, $0x5000  }
0x52: {  	p1 =	por p0, !p1  }
.Ltmp0:
0x53: {  	_ = 	snop;
	(pc) =	sbr.rel @!p1 .LBB2_2-.Ltmp0, $3  }
0x54: {  	_ =	sdelay $0x1  }
0x55: {  	s0 =	sadd.s32 @!p0 $0x4, s0;
	s11 =	sadd.s32 @!p0 $0x2000, s11;
	s10 =	sadd.s32 @!p0 $0x2000, s10  }
0x56: {  	s1 =	sadd.s32 @!p0 $0x10000, s1;
	s28 =	sadd.s32 @!p0 $0x1, s28;
	s12 =	sadd.s32 @!p0 $0x2000, s12  }
0x57: {  	_ =	swait.ge [sflag:s23], $0x4000  }
0x58: {  	[sflag:s23] =	ssyncset.done $0x0  }
0x59: {  	[sflag:s23] =	ssyncadd.s32 $0xFFFFC000  }
0x5a: {  	_ =	swait.ge [sflag:s24], $0x4000  }
0x5b: {  	[sflag:s24] =	ssyncset.done $0x0  }
0x5c: {  	[sflag:s24] =	ssyncadd.s32 $0xFFFFC000  }
0x5d: {  	_ =	swait.ge [sflag:s25], $0x4000  }
0x5e: {  	[sflag:s25] =	ssyncset.done $0x0  }
0x5f: {  	[sflag:s25] =	ssyncadd.s32 $0xFFFFC000  }
0x60: {  	_ =	swait.ge [sflag:s26], $0x4000  }
0x61: {  	[sflag:s26] =	ssyncset.done $0x0  }
0x62: {  	s0 =	simm.s32 $0x1380;
	[sflag:s26] =	ssyncadd.s32 $0xFFFFC000  }
0x63: {  	[tilespmem:s29], [sflag:$0x9] =	stream.indirect.gather [hbm4b:s3+s26], $0x80, s0, s26, $0xb8;
	[tilespmem:$0x11800] =	vst v63  }
0x64: {  	_ =	swait.ge [sflag:s30], $0x400  }
0x65: {  	[sflag:s30] =	ssyncset.done $0x0  }
0x66: {  	s20 =	rddreg [dreg:$0x4];
	[sflag:s30] =	ssyncadd.s32 $0xFFFFFC00  }
0x67: {  	[hbm4b:s20+s2] =	stream.linear.scatter [tilespmem:s29], [sflag:$0xA], $0x400, $0x38;
	[tilespmem:$0x11800] =	vst v63  }
0x68: {  	_ =	swait.ge [sflag:s13], $0x400  }
0x69: {  	s31 =	sadd.s32 $0x1, s31;
	s28 =	rddreg [dreg:$0x5]  }
0x6a: {  	p0 =	sne.s32 s31, s28  }
.Ltmp1:
0x6b: {  	_ = 	snop;
	(pc) =	sbr.rel @p0 .LBB2_1-.Ltmp1, $3  }
0x6c: {  	_ =	sdelay $0x1  }
0x6d: {  	[sflag:s13] =	ssyncset.done $0x0  }
0x6e: {  	[sflag:s13] =	ssyncadd.s32 $0xFFFFFC00  }
0x6f: {  	_ =	sfence.sel $0x180000  }
0x70: {  	[bflag:$0x0] =	sbarrier.arrive $0xFFFF  }
0x71: {  	_ =	strace $0x9000004A  }
0x72: {  	s0 =	stileid.u32;
	[bflag:$0x2] =	sbarrier.arrive $0xFFFF  }
0x73: {  	p0 =	sne.s32 s0, $0x0;
	s0 =	rddreg [dreg:$0x2]  }
0x74: {  	s0 =	sadd.s32 @!p0 $0x100000, s0  }
0x75: {  	[sflag:s0] =	ssyncadd.tile.s32 @!p0 $0x1;
	_ =	shalt  }
.Lfunc_end2:
_tile_overlayer_lowered:
.L_overlay_start_2:
0x76: {  	(tag) =	ssettag $0x2  }
0x77: {  	s0 =	rddreg [dreg:$0x0];
	s2 =	stileid.u32  }
0x78: {  	s1 =	rddreg [dreg:$0x1];
	p0 =	sne.s32 s2, $0x0  }
0x79: {  	s3 =	rddreg [dreg:$0x2];
	[bflag:$0x3] =	sbarrier.arrive $0xFFFF;
	s2 =	simm.s32 @!p0 $0x1C0A  }
0x7a: {  	[timem:s3], [sflag:s2] =	dma.local @!p0 [hbm:s0], s1  }
0x7b: {  	s0 =	simm.s32 @!p0 $0xA  }
0x7c: {  	_ =	swait.ge @!p0 [sflag:s0], s1  }
0x7d: {  	s1 =	ssub.s32 @!p0 $0x0, s1;
	[sflag:s0] =	ssyncset.done @!p0 $0x0  }
0x7e: {  	[sflag:s0] =	ssyncadd.s32 @!p0 s1  }
0x7f: {  	[bflag:$0x3] =	sbarrier.arrive $0xFFFF  }
0x80: {  	_ =	shalt  }

// kernel: kernel.23.cloned.1.call-start
scs
__scs_entry_jumppad:
0x0: {  	(pc) =	sbr.rel $0x88, $3  }
0x1: {  	(tag) =	ssettag $0x0;
	lr =	simm.s32 $0x1  }
0x2: {  	[smem:$0x3F84] =	sst lr;
	_ =	strace $0xD0000000  }
0x3: {  	_ = 	snop  }
0x4: {  	_ = 	snop  }
0x5: {  	_ = 	snop  }
0x6: {  	_ = 	snop  }
0x7: {  	_ = 	snop  }
__scs_overlays_trampoline_lowered:
0x8: {  	[smem:$0x3F93] =	sst s0  }
0x9: {  	[smem:$0x3F94] =	sst s1  }
0xa: {  	[smem:$0x3F95] =	sst s2  }
0xb: {  	[smem:$0x3F96] =	sst s3  }
0xc: {  	[smem:$0x3F97] =	sst s4  }
0xd: {  	[smem:$0x3F98] =	sst s5  }
0xe: {  	[smem:$0x3F99] =	sst s6  }
0xf: {  	[smem:$0x3F9A] =	sst s7  }
0x10: {  	[smem:$0x3F9B] =	sst s8  }
0x11: {  	[smem:$0x3F9C] =	sst s9;
	s0 =	simm.s32 @!p0 $0x0  }
0x12: {  	s1 =	sld [smem:$0x3F82];
	s0 =	simm.s32 @p0 $0x1  }
0x13: {  	[smem:$0x3F9D] =	sst s0;
	s0 =	simm.s32 @!p1 $0x0  }
0x14: {  	s2 =	sld [smem:$0x3F81];
	s0 =	simm.s32 @p1 $0x1  }
0x15: {  	[smem:$0x3F9E] =	sst s0;
	s0 =	simm.s32 @!p2 $0x0  }
0x16: {  	s3 =	sld [smem:$0x3FDB];
	s0 =	simm.s32 @p2 $0x1  }
0x17: {  	s4 =	simm.s32 $0x1BF5;
	[smem:$0x3FA0] =	sst s0  }
0x18: {  	s0 =	sld [smem:$0x3F83];
	_ =	swait.ge [sflag:s4], $0x0  }
0x19: {  	s7 =	sld [smem:$0x3F84]  }
0x1a: {  	s8 =	sadd.s32 $0xFFFFE003, lr  }
0x1b: {  	s9 =	sadd.s32 $0xFFFFFEF7, lr;
	s5 =	simm.s32 $0xFFFFFFFF;
	p2 =	slt.u32 s8, $0xFFFFF086  }
0x1c: {  	p1 =	slt.u32 s9, $0xF7A;
	s5 =	simm.s32 @!p2 $0x0  }
0x1d: {  	s5 =	simm.s32 @p1 $0x1;
	p0 =	seq.s32 s7, s2  }
0x1e: {  	s7 =	smul.u32 @!p0 $0xF7A, s2;
	p2 =	seq.s32 @!p0 s5, $0x0  }
0x1f: {  	s9 =	smul.u32 $0xF7A, s1;
	s8 =	simm.s32 @!p0 $0x1BF5;
	p2 =	por !p2, p0  }
0x20: {  	[sflag:s8] =	ssyncset.s32 @!p0 $0xFFFFF086;
	s6 =	sadd.s32 @!p0 s3, s7;
	s7 =	simm.s32 @!p0 $0x108  }
0x21: {  	s3 =	sadd.s32 s3, s9;
	s6 =	sadd.s32 @!p0 $0x88, s6;
	s7 =	simm.s32 @p2 $0x1082  }
0x22: {  	[simem:s7], [sflag:s8] =	dma.local @!p0 [hbm:s6], $0xF7A  }
0x23: {  	s9 =	sor.u32 $0xD0000000, s2;
	s6 =	simm.s32 $0x108;
	_ =	swait.ge @!p0 [sflag:s8], $0x0  }
0x24: {  	s3 =	sadd.s32 $0x88, s3;
	s6 =	simm.s32 @!p1 $0x1082;
	[sflag:s4] =	ssyncset.s32 $0xFFFFF086  }
0x25: {  	[simem:s6], [sflag:s4] =	dma.local [hbm:s3], $0xF7A  }
0x26: {  	[smem:$0x3F84] =	sst s1;
	(tag) =	ssettag s2;
	_ =	strace s9  }
0x27: {  	s1 =	sld [smem:$0x3F94]  }
0x28: {  	s2 =	sld [smem:$0x3F95]  }
0x29: {  	s4 =	sld [smem:$0x3F97]  }
0x2a: {  	p0 =	seq.s32 s5, $0x0;
	s5 =	sld [smem:$0x3F98]  }
0x2b: {  	s6 =	sld [smem:$0x3F99]  }
0x2c: {  	s7 =	sld [smem:$0x3F9A]  }
0x2d: {  	s3 =	simm.s32 $0x108;
	s8 =	sld [smem:$0x3F9B]  }
0x2e: {  	s3 =	simm.s32 @!p0 $0x1082;
	s9 =	sld [smem:$0x3F9C]  }
0x2f: {  	lr =	sadd.s32 s0, s3;
	s0 =	sld [smem:$0x3F93]  }
0x30: {  	s3 =	sld [smem:$0x3F96]  }
0x31: {  	[smem:$0x3F9F] =	sst s10  }
0x32: {  	s10 =	sld [smem:$0x3F9D];
	_ =	sdelay $0x3  }
0x33: {  	p0 =	seq.s32 s10, $0x1;
	s10 =	sld [smem:$0x3F9F];
	_ =	sdelay $0x3  }
0x34: {  	[smem:$0x3F9F] =	sst s10  }
0x35: {  	s10 =	sld [smem:$0x3F9E];
	_ =	sdelay $0x3  }
0x36: {  	p1 =	seq.s32 s10, $0x1;
	s10 =	sld [smem:$0x3F9F];
	_ =	sdelay $0x3  }
0x37: {  	[smem:$0x3F9F] =	sst s10  }
0x38: {  	s10 =	sld [smem:$0x3FA0]  }
0x39: {  	_ = 	snop;
	(pc) =	sbr.ind lr, $3  }
0x3a: {  	_ = 	snop  }
0x3b: {  	_ = 	snop  }
0x3c: {  	p2 =	seq.s32 s10, $0x1;
	s10 =	sld [smem:$0x3F9F]  }
0x3d: {  	_ =	shalt  }
0x3e: {  	_ =	shalt  }
0x3f: {  	_ =	shalt  }
0x40: {  	_ =	shalt  }
0x41: {  	_ =	shalt  }
0x42: {  	_ =	shalt  }
0x43: {  	_ =	shalt  }
0x44: {  	_ =	shalt  }
0x45: {  	_ =	shalt  }
0x46: {  	_ =	shalt  }
0x47: {  	_ =	shalt  }
0x48: {  	_ =	shalt  }
0x49: {  	_ =	shalt  }
0x4a: {  	_ =	shalt  }
0x4b: {  	_ =	shalt  }
0x4c: {  	_ =	shalt  }
0x4d: {  	_ =	shalt  }
0x4e: {  	_ =	shalt  }
0x4f: {  	_ =	shalt  }
0x50: {  	_ =	shalt  }
0x51: {  	_ =	shalt  }
0x52: {  	_ =	shalt  }
0x53: {  	_ =	shalt  }
0x54: {  	_ =	shalt  }
0x55: {  	_ =	shalt  }
0x56: {  	_ =	shalt  }
0x57: {  	_ =	shalt  }
0x58: {  	_ =	shalt  }
0x59: {  	_ =	shalt  }
0x5a: {  	_ =	shalt  }
0x5b: {  	_ =	shalt  }
0x5c: {  	_ =	shalt  }
0x5d: {  	_ =	shalt  }
0x5e: {  	_ =	shalt  }
0x5f: {  	_ =	shalt  }
0x60: {  	_ =	shalt  }
0x61: {  	_ =	shalt  }
0x62: {  	_ =	shalt  }
0x63: {  	_ =	shalt  }
0x64: {  	_ =	shalt  }
0x65: {  	_ =	shalt  }
0x66: {  	_ =	shalt  }
0x67: {  	_ =	shalt  }
0x68: {  	_ =	shalt  }
0x69: {  	_ =	shalt  }
0x6a: {  	_ =	shalt  }
0x6b: {  	_ =	shalt  }
0x6c: {  	_ =	shalt  }
0x6d: {  	_ =	shalt  }
0x6e: {  	_ =	shalt  }
0x6f: {  	_ =	shalt  }
0x70: {  	_ =	shalt  }
0x71: {  	_ =	shalt  }
0x72: {  	_ =	shalt  }
0x73: {  	_ =	shalt  }
0x74: {  	_ =	shalt  }
0x75: {  	_ =	shalt  }
0x76: {  	_ =	shalt  }
0x77: {  	_ =	shalt  }
0x78: {  	_ =	shalt  }
0x79: {  	_ =	shalt  }
0x7a: {  	_ =	shalt  }
0x7b: {  	_ =	shalt  }
0x7c: {  	_ =	shalt  }
0x7d: {  	_ =	shalt  }
0x7e: {  	_ =	shalt  }
0x7f: {  	_ =	shalt  }
0x80: {  	_ =	shalt  }
0x81: {  	_ =	shalt  }
0x82: {  	_ =	shalt  }
0x83: {  	_ =	shalt  }
0x84: {  	_ =	shalt  }
0x85: {  	_ =	shalt  }
0x86: {  	_ =	shalt  }
0x87: {  	_ =	shalt  }
.Lfunc_end0:
.L_simem_size_0:
called_computation.2_lowered:
.L_overlay_start_0:
0x88: {  	s2 =	sld [smem:$0x3FD9]  }
0x89: {  	s3 =	sld [smem:$0x3FFE];
	_ =	sdelay $0x1  }
0x8a: {  	s1 =	srdreg.scid  }
0x8b: {  	s0 =	sand.u32 $0x1, s1  }
0x8c: {  	s14 =	sshll.u32 s0, $0xA;
	s2 =	sadd.s32 s3, s2  }
0x8d: {  	s2 =	sadd.s32 s2, s14  }
0x8e: {  	[smem:$0x3FAB] =	sst s2  }
0x8f: {  	_ = 	snop  }
0x90: {  	s2 =	sld [smem:$0x3FD0];
	_ =	sdelay $0x2  }
0x91: {  	s15 =	simm.s32 $0xA;
	s4 =	simm.s32 $0x10  }
0x92: {  	[smem:s4], [sflag:s15] =	dma.local [hbm:s2], $0x1  }
0x93: {  	_ =	swait.eq [sflag:s15], $0x1  }
0x94: {  	[sflag:s15] =	ssyncset.done $0x0  }
0x95: {  	[sflag:s15] =	ssyncadd.s32 $0xFFFFFFFF  }
0x96: {  	s16 =	sld [smem:$0x10];
	(tm) =	ssettm $0x1  }
0x97: {  	s17 =	sld [smem:$0x3FFB];
	_ =	sdelay $0x3  }
0x98: {  	_ =	strace s17  }
0x99: {  	s3 =	sld [smem:$0x3FFC];
	_ =	sdelay $0x3  }
0x9a: {  	_ =	strace s3  }
0x9b: {  	s3 =	sld [smem:$0x3FFD];
	_ =	sdelay $0x3  }
0x9c: {  	_ =	strace s3  }
0x9d: {  	_ =	strace $0x8FFFFFFF  }
0x9e: {  	s18 =	sld [smem:$0x3FDB];
	_ =	sdelay $0x1  }
0x9f: {  	s19 =	simm.s32 $_scs_section_size  }
0xa0: {  	s5 =	simm.s32 $_size__tile_overlayer_lowered;
	s6 =	simm.s32 $_tile_overlayer_lowered  }
0xa1: {  	s22 =	simm.s32 $0x1BFF;
	s21 =	sshll.u32 s6, $0x1;
	s3 =	sadd.s32 s19, s18  }
0xa2: {  	s7 =	simm.s32 $0x0;
	s20 =	sshll.u32 s5, $0x1;
	s5 =	sadd.s32 s21, s3  }
0xa3: {  	[timem:s7], [sflag:s22] =	dma.local [hbm:s5], s20  }
0xa4: {  	_ =	swait.ge [sflag:s22], s20  }
0xa5: {  	s4 =	ssub.s32 $0x0, s20;
	[sflag:s22] =	ssyncset.done $0x0  }
0xa6: {  	[sflag:s22] =	ssyncadd.s32 s4;
	_ =	sdelay $0x1  }
0xa7: {  	s23 =	simm.s32 $0x1B8B  }
0xa8: {  	_ =	swait.ge [sflag:s23], $0x1  }
0xa9: {  	[sflag:s23] =	ssyncset.done $0x0  }
0xaa: {  	s25 =	simm.s32 $0x1B8E;
	s24 =	sld [smem:$0x3FFE];
	[sflag:s23] =	ssyncadd.s32 $0xFFFFFFFF  }
0xab: {  	s26 =	simm.s32 $execute0_lowered;
	[smem:$0x3FD2] =	sst s25  }
0xac: {  	s5 =	sshll.u32 s26, $0x1;
	_ =	strace $0x8000004C;
	[dreg:$0x1] =	wrdreg $0xFFFFFFFF  }
0xad: {  	s28 =	simm.s32 $_size_execute0_lowered;
	s3 =	sadd.s32 s3, s5;
	[dreg:$0x0] =	wrdreg $0x0  }
0xae: {  	s5 =	sshll.u32 s28, $0x1;
	[dreg:$0x2] =	wrdreg s3  }
0xaf: {  	[dreg:$0x3] =	wrdreg s5  }
0xb0: {  	[dreg:$0x4] =	wrdreg $0xC0  }
0xb1: {  	_ =	task [dreg:s7], $0x5FFFF  }
0xb2: {  	[dreg:$0x1] =	wrdreg $0xFFFFFFFF  }
0xb3: {  	[dreg:$0x0] =	wrdreg $0x60  }
0xb4: {  	[dreg:$0x2] =	wrdreg s24  }
0xb5: {  	[dreg:$0x3] =	wrdreg s16  }
0xb6: {  	[dreg:$0x4] =	wrdreg $0x9  }
0xb7: {  	_ =	task.clear_ibuf [dreg:s7], $0x5FFFF;
	_ =	strace $0x9000004C  }
0xb8: {  	s29 =	simm.s32 $0x9;
	_ =	strace $0x8000004E  }
0xb9: {  	_ =	swait.ge [sflag:s29], $0x1  }
0xba: {  	[sflag:s29] =	ssyncadd.s32 $0xFFFFFFFF  }
0xbb: {  	_ =	strace $0x9000004E  }
0xbc: {  	_ =	sfence  }
0xbd: {  	s30 =	sld [smem:$0x0];
	_ =	sdelay $0x2  }
0xbe: {  	s31 =	sshll.u32 s1, $0xD;
	s1 =	sshrl.u32 s1, $0x2  }
0xbf: {  	s3 =	sand.u32 $0x4000, s31;
	s1 =	sadd.s32 s1, s30  }
0xc0: {  	s0 =	sor.u32 s3, s0;
	s1 =	sshll.u32 s1, $0x11  }
0xc1: {  	s0 =	sor.u32 s1, s0  }
0xc2: {  	s0 =	sadd.s32 $0x8F2B, s0  }
0xc3: {  	[sflag:s0] =	ssyncadd.remote.s32 $0x1  }
0xc4: {  	_ =	sfence.sel $0xFFFF  }
0xc5: {  	[dreg:$0x0] =	wrdreg $0xFFFFFFFF;
	(pc) =	sbr.abs _section_cstart, $3  }
0xc6: {  	[dreg:$0x1] =	wrdreg $0xFFFFFFFF  }
0xc7: {  	_ =	task.clear_ibuf [dreg:s7], $0x2FFFF;
	_ =	strace $0x9FFFFFFF  }
0xc8: {  	(tm) =	ssettm $0x7FFFFFFF  }
0xc9: {  	_ =	shalt  }
tec
execute0_lowered:
.L_overlay_start_1:
0x0: {  	(tag) =	ssettag $0x1  }
0x1: {  	s0 =	rddreg [dreg:$0x0]  }
0x2: {  	s1 =	srdreg.scid;
	s8 =	stileid.u32  }
0x3: {  	s6 =	rddreg [dreg:$0x1];
	s2 =	simm.s32 $0x0;
	s13 =	simm.s32 $0xA  }
0x4: {  	s14 =	simm.s32 $0x80;
	s15 =	simm.s32 $0x1400;
	s18 =	simm.s32 $0x9400  }
0x5: {  	s21 =	simm.s32 $0x1;
	s29 =	simm.s32 $0x11400;
	s30 =	simm.s32 $0x9  }
0x6: {  	s31 =	simm.s32 $0x0;
	s1 =	sand.u32 $0x1, s1;
	s3 =	sshll.u32 s8, $0x1  }
0x7: {  	[smem:$0x7FF] =	sst s2;
	s5 =	sadd.s32 $0x56800, s0;
	s9 =	smul.u32 $0x138800, s8  }
0x8: {  	s4 =	sor.u32 s1, s3;
	s22 =	ssub.s32 $0x2, s1;
	s1 =	smul.u32 $0x9C400, s1  }
0x9: {  	_ =	strace $0x8000004D;
	s7 =	smul.u32 $0x271, s4;
	s23 =	sshrl.u32 s22, $0x1  }
0xa: {  	s3 =	sadd.s32 $0x8400, s0;
	s4 =	smul.u32 $0x9C400, s4;
	s0 =	ssub.s32 s22, s23  }
0xb: {  	s1 =	sadd.s32 s1, s9;
	s22 =	simm.s32 $0x3;
	s23 =	simm.s32 $0x5  }
0xc: {  	s10 =	sshrl.u32 s4, $0x3;
	s6 =	sadd.s32 s6, s7;
	s0 =	smax.u32 s0, $0x1  }
0xd: {  	s26 =	sadd.s32 $0x4000, s1;
	s28 =	sadd.s32 $0xC000, s1;
	[dreg:$0x3] =	wrdreg s6  }
0xe: {  	s1 =	sshrl.u32 s1, $0x3;
	s24 =	sadd.s32 s5, s10;
	[dreg:$0x5] =	wrdreg s0  }
0xf: {  	s0 =	sshrl.u32 s26, $0x3;
	s10 =	sshrl.u32 s28, $0x3;
	s17 =	sadd.s32 s1, s5  }
0x10: {  	s26 =	simm.s32 $0x8;
	s7 =	sadd.s32 $0x12800, s24;
	s25 =	sadd.s32 $0x13800, s24  }
0x11: {  	s0 =	sadd.s32 s0, s5;
	s16 =	sadd.s32 s10, s5;
	[dreg:$0x4] =	wrdreg s25  }
0x12: {  	s24 =	simm.s32 $0x6;
	[dreg:$0x6] =	wrdreg s0;
	s25 =	simm.s32 $0x7  }
.LBB2_1:
0x13: {  	s0 =	rddreg [dreg:$0x3]  }
0x14: {  	[tilespmem:s2], [sflag:$0xA] =	stream.linear.gather [hbm4b:s0+s2], $0x1388, $0x38;
	[tilespmem:$0x11800] =	vst v63  }
0x15: {  	_ =	swait.ge [sflag:s13], $0x1388  }
0x16: {  	[sflag:s13] =	ssyncset.done $0x0  }
0x17: {  	[sflag:s13] =	ssyncadd.s32 $0xFFFFEC78  }
0x18: {  	[tilespmem:s15], [sflag:$0x1] =	stream.indirect.gather [hbm4b:s3+s14], $0x80, s2, s14, $0xb8;
	[tilespmem:$0x11800] =	vst v63  }
0x19: {  	s12 =	simm.s32 $0x5400;
	s19 =	simm.s32 $0x100  }
0x1a: {  	[tilespmem:s12], [sflag:$0x2] =	stream.indirect.gather [hbm4b:s3+s14], $0x80, s14, s14, $0xb8;
	[tilespmem:$0x11800] =	vst v63  }
0x1b: {  	s20 =	simm.s32 $0x180;
	s1 =	simm.s32 $0xD400;
	s11 =	smov.u32 s17  }
0x1c: {  	[tilespmem:s18], [sflag:$0x3] =	stream.indirect.gather [hbm4b:s3+s14], $0x80, s19, s14, $0xb8;
	[tilespmem:$0x11800] =	vst v63  }
0x1d: {  	s28 =	simm.s32 $0x0;
	s0 =	simm.s32 $0x3;
	s10 =	rddreg [dreg:$0x6]  }
0x1e: {  	[tilespmem:s1], [sflag:$0x4] =	stream.indirect.gather [hbm4b:s3+s14], $0x80, s20, s14, $0xb8;
	[tilespmem:$0x11800] =	vst v63  }
0x1f: {  	s12 =	smov.u32 s16;
	s1 =	simm.s32 $0x8000;
	s20 =	simm.s32 $0x0  }
.LBB2_2:
0x20: {  	_ =	swait.ge [sflag:s21], $0x4000  }
0x21: {  	p0 =	seq.s32 s20, $0x4800;
	[sflag:s21] =	ssyncset.done $0x0  }
0x22: {  	s6 =	simm.s32 @p0 $0x2;
	[sflag:s21] =	ssyncadd.s32 $0xFFFFC000  }
0x23: {  	[hbm4b:s11+s2] =	stream.linear.scatter [tilespmem:s15], [sflag:$0x5], $0x4000, $0x38;
	[tilespmem:$0x11800] =	vst v63  }
0x24: {  	_ =	swait.ge @p0 [sflag:s6], $0x4000  }
0x25: {  	[sflag:s6] =	ssyncset.done @p0 $0x0  }
0x26: {  	s8 =	simm.s32 @p0 $0x5400;
	[sflag:s6] =	ssyncadd.s32 @p0 $0xFFFFC000;
	s6 =	simm.s32 @p0 $0x0  }
0x27: {  	[hbm4b:s7+s6] =	stream.linear.scatter @p0 [tilespmem:s8], [sflag:$0x6], $0x4000, $0x38;
	[tilespmem:$0x11800] =	vst v63  }
0x28: {  	s6 =	simm.s32 @!p0 $0x5  }
0x29: {  	_ =	swait.ge @!p0 [sflag:s6], $0x4000  }
0x2a: {  	[sflag:s6] =	ssyncset.done @!p0 $0x0  }
0x2b: {  	[sflag:s6] =	ssyncadd.s32 @!p0 $0xFFFFC000;
	s6 =	sshra.s32 @!p0 s20, $0x2  }
0x2c: {  	s9 =	simm.s32 @!p0 $0x80;
	s19 =	simm.s32 @!p0 $0x1400;
	s8 =	sadd.s32 @!p0 $0x200, s6  }
0x2d: {  	[tilespmem:s19], [sflag:$0x1] =	stream.indirect.gather @!p0 [hbm4b:s3+s9], $0x80, s8, s9, $0xb8;
	[tilespmem:$0x11800] =	vst v63  }
0x2e: {  	s8 =	simm.s32 @!p0 $0x2  }
0x2f: {  	_ =	swait.ge @!p0 [sflag:s8], $0x4000  }
0x30: {  	[sflag:s8] =	ssyncset.done @!p0 $0x0  }
0x31: {  	s19 =	simm.s32 @!p0 $0x5400;
	[sflag:s8] =	ssyncadd.s32 @!p0 $0xFFFFC000;
	s8 =	simm.s32 @!p0 $0x0  }
0x32: {  	[hbm4b:s10+s8] =	stream.linear.scatter @!p0 [tilespmem:s19], [sflag:$0x6], $0x4000, $0x38;
	[tilespmem:$0x11800] =	vst v63  }
0x33: {  	s8 =	simm.s32 @!p0 $0x6  }
0x34: {  	_ =	swait.ge @!p0 [sflag:s8], $0x4000  }
0x35: {  	[sflag:s8] =	ssyncset.done @!p0 $0x0  }
0x36: {  	[sflag:s8] =	ssyncadd.s32 @!p0 $0xFFFFC000;
	s8 =	sadd.s32 @!p0 $0x280, s6  }
0x37: {  	[tilespmem:s19], [sflag:$0x2] =	stream.indirect.gather @!p0 [hbm4b:s3+s9], $0x80, s8, s9, $0xb8;
	[tilespmem:$0x11800] =	vst v63  }
0x38: {  	s8 =	smov.u32 s1  }
0x39: {  	s8 =	simm.s32 @p0 $0x98000  }
0x3a: {  	_ =	swait.ge [sflag:s22], $0x4000;
	s8 =	sadd.s32 s4, s8  }
0x3b: {  	[sflag:s22] =	ssyncset.done $0x0;
	s8 =	sshrl.u32 s8, $0x3  }
0x3c: {  	[sflag:s22] =	ssyncadd.s32 $0xFFFFC000;
	s8 =	sadd.s32 s5, s8  }
0x3d: {  	[hbm4b:s8+s2] =	stream.linear.scatter [tilespmem:s18], [sflag:$0x7], $0x4000, $0x38;
	[tilespmem:$0x11800] =	vst v63  }
0x3e: {  	s8 =	simm.s32 @!p0 $0x7  }
0x3f: {  	p1 =	sgt.u32 @!p0 s0, $0x26;
	_ =	swait.ge @!p0 [sflag:s8], $0x4000  }
0x40: {  	p2 =	por p1, p0;
	[sflag:s8] =	ssyncset.done @!p0 $0x0  }
0x41: {  	s6 =	sadd.s32 @!p0 $0x300, s6;
	[sflag:s8] =	ssyncadd.s32 @!p0 $0xFFFFC000;
	s8 =	simm.s32 @!p0 $0x9400  }
0x42: {  	[tilespmem:s8], [sflag:$0x3] =	stream.indirect.gather @!p0 [hbm4b:s3+s9], $0x80, s6, s9, $0xb8;
	[tilespmem:$0x11800] =	vst v63  }
0x43: {  	s6 =	simm.s32 @!p2 $0x4  }
0x44: {  	_ =	swait.ge @!p2 [sflag:s6], $0x4000  }
0x45: {  	[sflag:s6] =	ssyncset.done @!p2 $0x0  }
0x46: {  	s8 =	simm.s32 @!p2 $0xD400;
	[sflag:s6] =	ssyncadd.s32 @!p2 $0xFFFFC000;
	s6 =	simm.s32 @!p2 $0x0  }
0x47: {  	[hbm4b:s12+s6] =	stream.linear.scatter @!p2 [tilespmem:s8], [sflag:$0x8], $0x4000, $0x38;
	[tilespmem:$0x11800] =	vst v63  }
0x48: {  	p2 =	sgt.u32 @!p2 s28, $0x7  }
0x49: {  	p1 =	por @!p0 p2, p1  }
0x4a: {  	p1 =	por p1, p0  }
0x4b: {  	s6 =	simm.s32 @!p1 $0x8  }
0x4c: {  	_ =	swait.ge @!p1 [sflag:s6], $0x4000  }
0x4d: {  	[sflag:s6] =	ssyncset.done @!p1 $0x0  }
0x4e: {  	s8 =	simm.s32 @!p1 $0x80;
	[sflag:s6] =	ssyncadd.s32 @!p1 $0xFFFFC000;
	s6 =	sshra.s32 @!p1 s20, $0x2  }
0x4f: {  	s9 =	simm.s32 @!p1 $0xD400;
	s20 =	sadd.s32 @!p0 $0x800, s20;
	s6 =	sadd.s32 @!p1 $0x380, s6  }
0x50: {  	[tilespmem:s9], [sflag:$0x4] =	stream.indirect.gather @!p1 [hbm4b:s3+s8], $0x80, s6, s8, $0xb8;
	[tilespmem:$0x11800] =	vst v63  }
0x51: {  	p1 =	sne.s32 @!p0 s20, $0x5000  }
0x52: {  	p1 =	por p0, !p1  }
.Ltmp0:
0x53: {  	_ = 	snop;
	(pc) =	sbr.rel @!p1 .LBB2_2-.Ltmp0, $3  }
0x54: {  	_ =	sdelay $0x1  }
0x55: {  	s0 =	sadd.s32 @!p0 $0x4, s0;
	s11 =	sadd.s32 @!p0 $0x2000, s11;
	s10 =	sadd.s32 @!p0 $0x2000, s10  }
0x56: {  	s1 =	sadd.s32 @!p0 $0x10000, s1;
	s28 =	sadd.s32 @!p0 $0x1, s28;
	s12 =	sadd.s32 @!p0 $0x2000, s12  }
0x57: {  	_ =	swait.ge [sflag:s23], $0x4000  }
0x58: {  	[sflag:s23] =	ssyncset.done $0x0  }
0x59: {  	[sflag:s23] =	ssyncadd.s32 $0xFFFFC000  }
0x5a: {  	_ =	swait.ge [sflag:s24], $0x4000  }
0x5b: {  	[sflag:s24] =	ssyncset.done $0x0  }
0x5c: {  	[sflag:s24] =	ssyncadd.s32 $0xFFFFC000  }
0x5d: {  	_ =	swait.ge [sflag:s25], $0x4000  }
0x5e: {  	[sflag:s25] =	ssyncset.done $0x0  }
0x5f: {  	[sflag:s25] =	ssyncadd.s32 $0xFFFFC000  }
0x60: {  	_ =	swait.ge [sflag:s26], $0x4000  }
0x61: {  	[sflag:s26] =	ssyncset.done $0x0  }
0x62: {  	s0 =	simm.s32 $0x1380;
	[sflag:s26] =	ssyncadd.s32 $0xFFFFC000  }
0x63: {  	[tilespmem:s29], [sflag:$0x9] =	stream.indirect.gather [hbm4b:s3+s26], $0x80, s0, s26, $0xb8;
	[tilespmem:$0x11800] =	vst v63  }
0x64: {  	_ =	swait.ge [sflag:s30], $0x400  }
0x65: {  	[sflag:s30] =	ssyncset.done $0x0  }
0x66: {  	s20 =	rddreg [dreg:$0x4];
	[sflag:s30] =	ssyncadd.s32 $0xFFFFFC00  }
0x67: {  	[hbm4b:s20+s2] =	stream.linear.scatter [tilespmem:s29], [sflag:$0xA], $0x400, $0x38;
	[tilespmem:$0x11800] =	vst v63  }
0x68: {  	_ =	swait.ge [sflag:s13], $0x400  }
0x69: {  	s31 =	sadd.s32 $0x1, s31;
	s28 =	rddreg [dreg:$0x5]  }
0x6a: {  	p0 =	sne.s32 s31, s28  }
.Ltmp1:
0x6b: {  	_ = 	snop;
	(pc) =	sbr.rel @p0 .LBB2_1-.Ltmp1, $3  }
0x6c: {  	_ =	sdelay $0x1  }
0x6d: {  	[sflag:s13] =	ssyncset.done $0x0  }
0x6e: {  	[sflag:s13] =	ssyncadd.s32 $0xFFFFFC00  }
0x6f: {  	_ =	sfence.sel $0x180000  }
0x70: {  	[bflag:$0x0] =	sbarrier.arrive $0xFFFF  }
0x71: {  	_ =	strace $0x9000004D  }
0x72: {  	s0 =	stileid.u32;
	[bflag:$0x2] =	sbarrier.arrive $0xFFFF  }
0x73: {  	p0 =	sne.s32 s0, $0x0;
	s0 =	rddreg [dreg:$0x2]  }
0x74: {  	s0 =	sadd.s32 @!p0 $0x100000, s0  }
0x75: {  	[sflag:s0] =	ssyncadd.tile.s32 @!p0 $0x1;
	_ =	shalt  }
.Lfunc_end2:
_tile_overlayer_lowered:
.L_overlay_start_2:
0x76: {  	(tag) =	ssettag $0x2  }
0x77: {  	s0 =	rddreg [dreg:$0x0];
	s2 =	stileid.u32  }
0x78: {  	s1 =	rddreg [dreg:$0x1];
	p0 =	sne.s32 s2, $0x0  }
0x79: {  	s3 =	rddreg [dreg:$0x2];
	[bflag:$0x3] =	sbarrier.arrive $0xFFFF;
	s2 =	simm.s32 @!p0 $0x1C0A  }
0x7a: {  	[timem:s3], [sflag:s2] =	dma.local @!p0 [hbm:s0], s1  }
0x7b: {  	s0 =	simm.s32 @!p0 $0xA  }
0x7c: {  	_ =	swait.ge @!p0 [sflag:s0], s1  }
0x7d: {  	s1 =	ssub.s32 @!p0 $0x0, s1;
	[sflag:s0] =	ssyncset.done @!p0 $0x0  }
0x7e: {  	[sflag:s0] =	ssyncadd.s32 @!p0 s1  }
0x7f: {  	[bflag:$0x3] =	sbarrier.arrive $0xFFFF  }
0x80: {  	_ =	shalt  }

// kernel: kernel.26.cloned.1.call-start
scs
__scs_entry_jumppad:
0x0: {  	(pc) =	sbr.rel $0x88, $3  }
0x1: {  	(tag) =	ssettag $0x0;
	lr =	simm.s32 $0x1  }
0x2: {  	[smem:$0x3F84] =	sst lr;
	_ =	strace $0xD0000000  }
0x3: {  	_ = 	snop  }
0x4: {  	_ = 	snop  }
0x5: {  	_ = 	snop  }
0x6: {  	_ = 	snop  }
0x7: {  	_ = 	snop  }
__scs_overlays_trampoline_lowered:
0x8: {  	[smem:$0x3F93] =	sst s0  }
0x9: {  	[smem:$0x3F94] =	sst s1  }
0xa: {  	[smem:$0x3F95] =	sst s2  }
0xb: {  	[smem:$0x3F96] =	sst s3  }
0xc: {  	[smem:$0x3F97] =	sst s4  }
0xd: {  	[smem:$0x3F98] =	sst s5  }
0xe: {  	[smem:$0x3F99] =	sst s6  }
0xf: {  	[smem:$0x3F9A] =	sst s7  }
0x10: {  	[smem:$0x3F9B] =	sst s8  }
0x11: {  	[smem:$0x3F9C] =	sst s9;
	s0 =	simm.s32 @!p0 $0x0  }
0x12: {  	s1 =	sld [smem:$0x3F82];
	s0 =	simm.s32 @p0 $0x1  }
0x13: {  	[smem:$0x3F9D] =	sst s0;
	s0 =	simm.s32 @!p1 $0x0  }
0x14: {  	s2 =	sld [smem:$0x3F81];
	s0 =	simm.s32 @p1 $0x1  }
0x15: {  	[smem:$0x3F9E] =	sst s0;
	s0 =	simm.s32 @!p2 $0x0  }
0x16: {  	s3 =	sld [smem:$0x3FDB];
	s0 =	simm.s32 @p2 $0x1  }
0x17: {  	s4 =	simm.s32 $0x1BF5;
	[smem:$0x3FA0] =	sst s0  }
0x18: {  	s0 =	sld [smem:$0x3F83];
	_ =	swait.ge [sflag:s4], $0x0  }
0x19: {  	s7 =	sld [smem:$0x3F84]  }
0x1a: {  	s8 =	sadd.s32 $0xFFFFE003, lr  }
0x1b: {  	s9 =	sadd.s32 $0xFFFFFEF7, lr;
	s5 =	simm.s32 $0xFFFFFFFF;
	p2 =	slt.u32 s8, $0xFFFFF086  }
0x1c: {  	p1 =	slt.u32 s9, $0xF7A;
	s5 =	simm.s32 @!p2 $0x0  }
0x1d: {  	s5 =	simm.s32 @p1 $0x1;
	p0 =	seq.s32 s7, s2  }
0x1e: {  	s7 =	smul.u32 @!p0 $0xF7A, s2;
	p2 =	seq.s32 @!p0 s5, $0x0  }
0x1f: {  	s9 =	smul.u32 $0xF7A, s1;
	s8 =	simm.s32 @!p0 $0x1BF5;
	p2 =	por !p2, p0  }
0x20: {  	[sflag:s8] =	ssyncset.s32 @!p0 $0xFFFFF086;
	s6 =	sadd.s32 @!p0 s3, s7;
	s7 =	simm.s32 @!p0 $0x108  }
0x21: {  	s3 =	sadd.s32 s3, s9;
	s6 =	sadd.s32 @!p0 $0x88, s6;
	s7 =	simm.s32 @p2 $0x1082  }
0x22: {  	[simem:s7], [sflag:s8] =	dma.local @!p0 [hbm:s6], $0xF7A  }
0x23: {  	s9 =	sor.u32 $0xD0000000, s2;
	s6 =	simm.s32 $0x108;
	_ =	swait.ge @!p0 [sflag:s8], $0x0  }
0x24: {  	s3 =	sadd.s32 $0x88, s3;
	s6 =	simm.s32 @!p1 $0x1082;
	[sflag:s4] =	ssyncset.s32 $0xFFFFF086  }
0x25: {  	[simem:s6], [sflag:s4] =	dma.local [hbm:s3], $0xF7A  }
0x26: {  	[smem:$0x3F84] =	sst s1;
	(tag) =	ssettag s2;
	_ =	strace s9  }
0x27: {  	s1 =	sld [smem:$0x3F94]  }
0x28: {  	s2 =	sld [smem:$0x3F95]  }
0x29: {  	s4 =	sld [smem:$0x3F97]  }
0x2a: {  	p0 =	seq.s32 s5, $0x0;
	s5 =	sld [smem:$0x3F98]  }
0x2b: {  	s6 =	sld [smem:$0x3F99]  }
0x2c: {  	s7 =	sld [smem:$0x3F9A]  }
0x2d: {  	s3 =	simm.s32 $0x108;
	s8 =	sld [smem:$0x3F9B]  }
0x2e: {  	s3 =	simm.s32 @!p0 $0x1082;
	s9 =	sld [smem:$0x3F9C]  }
0x2f: {  	lr =	sadd.s32 s0, s3;
	s0 =	sld [smem:$0x3F93]  }
0x30: {  	s3 =	sld [smem:$0x3F96]  }
0x31: {  	[smem:$0x3F9F] =	sst s10  }
0x32: {  	s10 =	sld [smem:$0x3F9D];
	_ =	sdelay $0x3  }
0x33: {  	p0 =	seq.s32 s10, $0x1;
	s10 =	sld [smem:$0x3F9F];
	_ =	sdelay $0x3  }
0x34: {  	[smem:$0x3F9F] =	sst s10  }
0x35: {  	s10 =	sld [smem:$0x3F9E];
	_ =	sdelay $0x3  }
0x36: {  	p1 =	seq.s32 s10, $0x1;
	s10 =	sld [smem:$0x3F9F];
	_ =	sdelay $0x3  }
0x37: {  	[smem:$0x3F9F] =	sst s10  }
0x38: {  	s10 =	sld [smem:$0x3FA0]  }
0x39: {  	_ = 	snop;
	(pc) =	sbr.ind lr, $3  }
0x3a: {  	_ = 	snop  }
0x3b: {  	_ = 	snop  }
0x3c: {  	p2 =	seq.s32 s10, $0x1;
	s10 =	sld [smem:$0x3F9F]  }
0x3d: {  	_ =	shalt  }
0x3e: {  	_ =	shalt  }
0x3f: {  	_ =	shalt  }
0x40: {  	_ =	shalt  }
0x41: {  	_ =	shalt  }
0x42: {  	_ =	shalt  }
0x43: {  	_ =	shalt  }
0x44: {  	_ =	shalt  }
0x45: {  	_ =	shalt  }
0x46: {  	_ =	shalt  }
0x47: {  	_ =	shalt  }
0x48: {  	_ =	shalt  }
0x49: {  	_ =	shalt  }
0x4a: {  	_ =	shalt  }
0x4b: {  	_ =	shalt  }
0x4c: {  	_ =	shalt  }
0x4d: {  	_ =	shalt  }
0x4e: {  	_ =	shalt  }
0x4f: {  	_ =	shalt  }
0x50: {  	_ =	shalt  }
0x51: {  	_ =	shalt  }
0x52: {  	_ =	shalt  }
0x53: {  	_ =	shalt  }
0x54: {  	_ =	shalt  }
0x55: {  	_ =	shalt  }
0x56: {  	_ =	shalt  }
0x57: {  	_ =	shalt  }
0x58: {  	_ =	shalt  }
0x59: {  	_ =	shalt  }
0x5a: {  	_ =	shalt  }
0x5b: {  	_ =	shalt  }
0x5c: {  	_ =	shalt  }
0x5d: {  	_ =	shalt  }
0x5e: {  	_ =	shalt  }
0x5f: {  	_ =	shalt  }
0x60: {  	_ =	shalt  }
0x61: {  	_ =	shalt  }
0x62: {  	_ =	shalt  }
0x63: {  	_ =	shalt  }
0x64: {  	_ =	shalt  }
0x65: {  	_ =	shalt  }
0x66: {  	_ =	shalt  }
0x67: {  	_ =	shalt  }
0x68: {  	_ =	shalt  }
0x69: {  	_ =	shalt  }
0x6a: {  	_ =	shalt  }
0x6b: {  	_ =	shalt  }
0x6c: {  	_ =	shalt  }
0x6d: {  	_ =	shalt  }
0x6e: {  	_ =	shalt  }
0x6f: {  	_ =	shalt  }
0x70: {  	_ =	shalt  }
0x71: {  	_ =	shalt  }
0x72: {  	_ =	shalt  }
0x73: {  	_ =	shalt  }
0x74: {  	_ =	shalt  }
0x75: {  	_ =	shalt  }
0x76: {  	_ =	shalt  }
0x77: {  	_ =	shalt  }
0x78: {  	_ =	shalt  }
0x79: {  	_ =	shalt  }
0x7a: {  	_ =	shalt  }
0x7b: {  	_ =	shalt  }
0x7c: {  	_ =	shalt  }
0x7d: {  	_ =	shalt  }
0x7e: {  	_ =	shalt  }
0x7f: {  	_ =	shalt  }
0x80: {  	_ =	shalt  }
0x81: {  	_ =	shalt  }
0x82: {  	_ =	shalt  }
0x83: {  	_ =	shalt  }
0x84: {  	_ =	shalt  }
0x85: {  	_ =	shalt  }
0x86: {  	_ =	shalt  }
0x87: {  	_ =	shalt  }
.Lfunc_end0:
.L_simem_size_0:
called_computation.3_lowered:
.L_overlay_start_0:
0x88: {  	s2 =	sld [smem:$0x3FD9]  }
0x89: {  	s3 =	sld [smem:$0x3FFE];
	_ =	sdelay $0x1  }
0x8a: {  	s1 =	srdreg.scid  }
0x8b: {  	s0 =	sand.u32 $0x1, s1  }
0x8c: {  	s14 =	sshll.u32 s0, $0xA;
	s2 =	sadd.s32 s3, s2  }
0x8d: {  	s2 =	sadd.s32 s2, s14  }
0x8e: {  	[smem:$0x3FAB] =	sst s2  }
0x8f: {  	_ = 	snop  }
0x90: {  	s2 =	sld [smem:$0x3FD0];
	_ =	sdelay $0x2  }
0x91: {  	s4 =	simm.s32 $0xA;
	s5 =	simm.s32 $0x10;
	s15 =	sld [smem:$0x3FC6]  }
0x92: {  	[smem:s5], [sflag:s4] =	dma.local [hbm:s2], $0x1  }
0x93: {  	_ =	swait.eq [sflag:s4], $0x1  }
0x94: {  	[sflag:s4] =	ssyncset.done $0x0  }
0x95: {  	[sflag:s4] =	ssyncadd.s32 $0xFFFFFFFF  }
0x96: {  	s16 =	sld [smem:$0x10];
	(tm) =	ssettm $0x1  }
0x97: {  	s17 =	sld [smem:$0x3FFB];
	_ =	sdelay $0x3  }
0x98: {  	_ =	strace s17  }
0x99: {  	s4 =	sld [smem:$0x3FFC];
	_ =	sdelay $0x3  }
0x9a: {  	_ =	strace s4  }
0x9b: {  	s4 =	sld [smem:$0x3FFD];
	_ =	sdelay $0x3  }
0x9c: {  	_ =	strace s4  }
0x9d: {  	_ =	strace $0x8FFFFFFF  }
0x9e: {  	s18 =	sld [smem:$0x3FDB];
	_ =	sdelay $0x1  }
0x9f: {  	s19 =	simm.s32 $_scs_section_size  }
0xa0: {  	s6 =	simm.s32 $_size__tile_overlayer_lowered;
	s7 =	simm.s32 $_tile_overlayer_lowered  }
0xa1: {  	s22 =	simm.s32 $0x1BFF;
	s21 =	sshll.u32 s7, $0x1;
	s4 =	sadd.s32 s19, s18  }
0xa2: {  	s8 =	simm.s32 $0x0;
	s20 =	sshll.u32 s6, $0x1;
	s6 =	sadd.s32 s21, s4  }
0xa3: {  	[timem:s8], [sflag:s22] =	dma.local [hbm:s6], s20  }
0xa4: {  	_ =	swait.ge [sflag:s22], s20  }
0xa5: {  	s5 =	ssub.s32 $0x0, s20;
	[sflag:s22] =	ssyncset.done $0x0  }
0xa6: {  	[sflag:s22] =	ssyncadd.s32 s5;
	_ =	sdelay $0x1  }
0xa7: {  	s23 =	simm.s32 $0x1B8B  }
0xa8: {  	_ =	swait.ge [sflag:s23], $0x1  }
0xa9: {  	[sflag:s23] =	ssyncset.done $0x0  }
0xaa: {  	s25 =	simm.s32 $0x1B8E;
	s24 =	sld [smem:$0x3FFE];
	[sflag:s23] =	ssyncadd.s32 $0xFFFFFFFF  }
0xab: {  	s26 =	simm.s32 $execute0_lowered;
	[smem:$0x3FD2] =	sst s25  }
0xac: {  	s6 =	sshll.u32 s26, $0x1;
	_ =	strace $0x8000004F;
	[dreg:$0x1] =	wrdreg $0xFFFFFFFF  }
0xad: {  	s28 =	simm.s32 $_size_execute0_lowered;
	s4 =	sadd.s32 s4, s6;
	[dreg:$0x0] =	wrdreg $0x0  }
0xae: {  	s6 =	sshll.u32 s28, $0x1;
	[dreg:$0x2] =	wrdreg s4  }
0xaf: {  	[dreg:$0x3] =	wrdreg s6  }
0xb0: {  	[dreg:$0x4] =	wrdreg $0xC0  }
0xb1: {  	_ =	task [dreg:s8], $0x5FFFF  }
0xb2: {  	[dreg:$0x1] =	wrdreg $0xFFFFFFFF  }
0xb3: {  	[dreg:$0x0] =	wrdreg $0x60  }
0xb4: {  	[dreg:$0x2] =	wrdreg s24  }
0xb5: {  	[dreg:$0x3] =	wrdreg s15  }
0xb6: {  	[dreg:$0x4] =	wrdreg s16  }
0xb7: {  	[dreg:$0x5] =	wrdreg $0x9  }
0xb8: {  	_ =	task.clear_ibuf [dreg:s8], $0x6FFFF;
	_ =	strace $0x9000004F  }
0xb9: {  	s29 =	simm.s32 $0x9;
	_ =	strace $0x80000051  }
0xba: {  	_ =	swait.ge [sflag:s29], $0x1  }
0xbb: {  	[sflag:s29] =	ssyncadd.s32 $0xFFFFFFFF  }
0xbc: {  	_ =	strace $0x90000051  }
0xbd: {  	_ =	sfence  }
0xbe: {  	s30 =	sld [smem:$0x0];
	_ =	sdelay $0x2  }
0xbf: {  	s31 =	sshll.u32 s1, $0xD;
	s1 =	sshrl.u32 s1, $0x2  }
0xc0: {  	s3 =	sand.u32 $0x4000, s31;
	s1 =	sadd.s32 s1, s30  }
0xc1: {  	s0 =	sor.u32 s3, s0;
	s1 =	sshll.u32 s1, $0x11  }
0xc2: {  	s0 =	sor.u32 s1, s0  }
0xc3: {  	s0 =	sadd.s32 $0x8F2B, s0  }
0xc4: {  	[sflag:s0] =	ssyncadd.remote.s32 $0x1  }
0xc5: {  	_ =	sfence.sel $0xFFFF  }
0xc6: {  	[dreg:$0x0] =	wrdreg $0xFFFFFFFF;
	(pc) =	sbr.abs _section_cstart, $3  }
0xc7: {  	[dreg:$0x1] =	wrdreg $0xFFFFFFFF  }
0xc8: {  	_ =	task.clear_ibuf [dreg:s8], $0x2FFFF;
	_ =	strace $0x9FFFFFFF  }
0xc9: {  	(tm) =	ssettm $0x7FFFFFFF  }
tec
execute0_lowered:
.L_overlay_start_1:
0x0: {  	(tag) =	ssettag $0x1  }
0x1: {  	s5 =	rddreg [dreg:$0x0]  }
0x2: {  	s1 =	srdreg.scid;
	s3 =	rddreg [dreg:$0x1]  }
0x3: {  	s0 =	stileid.u32;
	s9 =	rddreg [dreg:$0x2];
	s6 =	sand.u32 $0x1, s1  }
0x4: {  	s2 =	simm.s32 $0x0;
	s4 =	sshll.u32 s0, $0x6;
	s7 =	sshll.u32 s6, $0x5  }
0x5: {  	s8 =	simm.s32 $0x1;
	[smem:$0x7FF] =	sst s2;
	s10 =	sor.u32 s7, s4  }
0x6: {  	s1 =	rddreg [dreg:$0x3];
	_ =	strace $0x80000050;
	s4 =	sshrl.u32 s10, $0x3  }
0x7: {  	s11 =	ssub.s32 $0x2, s6;
	s3 =	sadd.s32 s3, s4;
	s4 =	simm.s32 $0x3  }
0x8: {  	[tilespmem:s2], [sflag:$0x3] =	stream.linear.gather [hbm4b:s3+s2], $0x20, $0x38;
	[tilespmem:$0x1080] =	vst v63  }
0x9: {  	s5 =	sadd.s32 $0x8400, s5;
	s12 =	sshrl.u32 s11, $0x1;
	_ =	swait.ge [sflag:s4], $0x20  }
0xa: {  	s6 =	simm.s32 $0x20;
	s11 =	ssub.s32 s11, s12;
	[sflag:s4] =	ssyncset.done $0x0  }
0xb: {  	s7 =	simm.s32 $0x80;
	s11 =	smax.u32 s11, $0x1;
	[sflag:s4] =	ssyncadd.s32 $0xFFFFFFE0  }
0xc: {  	[tilespmem:s7], [sflag:$0x1] =	stream.indirect.gather [hbm4b:s5+s6], $0x80, s2, s6, $0xb8;
	[tilespmem:$0x1080] =	vst v63  }
0xd: {  	p0 =	sne.s32 s11, $0x1;
	_ =	swait.ge [sflag:s8], $0x1000  }
.Ltmp0:
0xe: {  	s10 =	sshll.u32 s10, $0x4;
	[sflag:s8] =	ssyncset.done $0x0;
	(pc) =	sbr.rel @!p0 .LBB2_2-.Ltmp0, $4  }
0xf: {  	s9 =	sadd.s32 s9, s10;
	s10 =	simm.s32 $0x2;
	[sflag:s8] =	ssyncadd.s32 $0xFFFFF000  }
0x10: {  	[hbm4b:s9+s2] =	stream.linear.scatter [tilespmem:s7], [sflag:$0x2], $0x1000, $0x38;
	[tilespmem:$0x1080] =	vst v63  }
0x11: {  	_ =	swait.ge [sflag:s10], $0x1000  }
0x12: {  	s11 =	sadd.s32 $0xFFFFFFFF, s11;
	[sflag:s10] =	ssyncset.done $0x0  }
.LBB2_1:
0x13: {  	p0 =	sne.s32 s11, $0x1;
	s11 =	sadd.s32 $0xFFFFFFFF, s11;
	[sflag:s10] =	ssyncadd.s32 $0xFFFFF000  }
0x14: {  	[tilespmem:s2], [sflag:$0x3] =	stream.linear.gather [hbm4b:s3+s2], $0x20, $0x38;
	[tilespmem:$0x1080] =	vst v63  }
0x15: {  	_ =	swait.ge [sflag:s4], $0x20  }
0x16: {  	[sflag:s4] =	ssyncset.done $0x0  }
0x17: {  	[sflag:s4] =	ssyncadd.s32 $0xFFFFFFE0  }
0x18: {  	[tilespmem:s7], [sflag:$0x1] =	stream.indirect.gather [hbm4b:s5+s6], $0x80, s2, s6, $0xb8;
	[tilespmem:$0x1080] =	vst v63  }
0x19: {  	_ =	swait.ge [sflag:s8], $0x1000  }
.Ltmp1:
0x1a: {  	[sflag:s8] =	ssyncset.done $0x0;
	(pc) =	sbr.rel @p0 .LBB2_1-.Ltmp1, $4  }
0x1b: {  	[sflag:s8] =	ssyncadd.s32 $0xFFFFF000  }
0x1c: {  	[hbm4b:s9+s2] =	stream.linear.scatter [tilespmem:s7], [sflag:$0x2], $0x1000, $0x38;
	[tilespmem:$0x1080] =	vst v63  }
0x1d: {  	_ =	swait.ge [sflag:s10], $0x1000  }
0x1e: {  	[sflag:s10] =	ssyncset.done $0x0  }
.LBB2_2:
0x1f: {  	[sflag:s10] =	ssyncadd.s32 $0xFFFFF000  }
0x20: {  	_ =	sfence.sel $0x180000  }
0x21: {  	[bflag:$0x0] =	sbarrier.arrive $0xFFFF  }
0x22: {  	p0 =	sne.s32 s0, $0x0;
	_ =	strace $0x90000050  }
0x23: {  	s0 =	sadd.s32 @!p0 $0x100000, s1;
	[bflag:$0x2] =	sbarrier.arrive $0xFFFF  }
0x24: {  	[sflag:s0] =	ssyncadd.tile.s32 @!p0 $0x1;
	_ =	shalt  }
.Lfunc_end2:
_tile_overlayer_lowered:
.L_overlay_start_2:
0x25: {  	(tag) =	ssettag $0x2  }
0x26: {  	s0 =	rddreg [dreg:$0x0];
	s2 =	stileid.u32  }
0x27: {  	s1 =	rddreg [dreg:$0x1];
	p0 =	sne.s32 s2, $0x0  }
0x28: {  	s3 =	rddreg [dreg:$0x2];
	[bflag:$0x3] =	sbarrier.arrive $0xFFFF;
	s2 =	simm.s32 @!p0 $0x1C03  }
0x29: {  	[timem:s3], [sflag:s2] =	dma.local @!p0 [hbm:s0], s1  }
0x2a: {  	s0 =	simm.s32 @!p0 $0x3  }
0x2b: {  	_ =	swait.ge @!p0 [sflag:s0], s1  }
0x2c: {  	s1 =	ssub.s32 @!p0 $0x0, s1;
	[sflag:s0] =	ssyncset.done @!p0 $0x0  }
0x2d: {  	[sflag:s0] =	ssyncadd.s32 @!p0 s1  }
0x2e: {  	[bflag:$0x3] =	sbarrier.arrive $0xFFFF  }
0x2f: {  	_ =	shalt  }

</sc_bundles>
